<compile_context>
chip_gen: v7x
topology: tpu7x:2x2x1
jax: 0.10.2.dev20260603
libtpu: 0.0.44.dev20260713+nightly
codegen_flags: <defaults>
</compile_context>

<pallas_src>
import functools

import jax
import jax.numpy as jnp
from jax import lax
from jax.experimental import pallas as pl
from jax.experimental.pallas import tpu as pltpu
from jax.experimental.pallas import tpu_sc as plsc

D = 768
E = 64
T = 2048
TOPK = 2
TR = 128
MAX_TILES = T * TOPK // TR + E
T_PAD = MAX_TILES * TR
NW = 32
_BLK = 128



def _route_plan_body(x_ref, wr_ref, br_ref,
                     wa_ref, wb_ref, da_ref, db_ref, te_ref, nt_ref):
    f32 = jnp.float32
    logits = jnp.dot(x_ref[...], wr_ref[...], preferred_element_type=f32)
    logits = logits + br_ref[...]
    iota = lax.broadcasted_iota(jnp.int32, (T, E), 1)
    m1 = jnp.max(logits, axis=-1, keepdims=True)
    i1 = jnp.min(jnp.where(logits == m1, iota, E), axis=-1, keepdims=True)
    masked = jnp.where(iota == i1, -jnp.inf, logits)
    m2 = jnp.max(masked, axis=-1, keepdims=True)
    i2 = jnp.min(jnp.where(masked == m2, iota, E), axis=-1, keepdims=True)
    e2 = jnp.exp(m2 - m1)
    s = 1.0 + e2
    wa_ref[...] = 1.0 / s
    wb_ref[...] = e2 / s

    ohA = (iota == i1).astype(f32)
    ohB = (iota == i2).astype(f32)
    counts = jnp.sum(ohA + ohB, axis=0, keepdims=True)
    tiles = jnp.floor((counts + (TR - 1)) * (1.0 / TR))
    le = (lax.broadcasted_iota(jnp.int32, (E, E), 0)
          <= lax.broadcasted_iota(jnp.int32, (E, E), 1)).astype(f32)
    cum_tiles = jnp.dot(tiles, le, preferred_element_type=f32)
    padded_off = (cum_tiles - tiles) * TR
    nt = jnp.max(cum_tiles, axis=-1, keepdims=True)
    jcol = lax.broadcasted_iota(jnp.int32, (MAX_TILES, E), 0).astype(f32)
    jcl = jnp.minimum(jcol, nt - 1.0)
    te = jnp.sum(jnp.where(cum_tiles <= jcl, 1.0, 0.0), axis=-1, keepdims=True)
    te_ref[...] = te.astype(jnp.int32)
    nt_ref[...] = nt.astype(jnp.int32)

    bi = lax.broadcasted_iota(jnp.int32, (_BLK, _BLK), 0)
    bj = lax.broadcasted_iota(jnp.int32, (_BLK, _BLK), 1)
    lx = (bj < bi).astype(f32)
    carry = jnp.zeros((1, E), f32)
    for blk in range(T // _BLK):
        lo, hi = blk * _BLK, (blk + 1) * _BLK
        oa = ohA[lo:hi, :]
        ob = ohB[lo:hi, :]
        ra = jnp.dot(lx, oa, preferred_element_type=f32) + carry
        carry = carry + jnp.sum(oa, axis=0, keepdims=True)
        rb = jnp.dot(lx, ob, preferred_element_type=f32) + carry
        carry = carry + jnp.sum(ob, axis=0, keepdims=True)
        da = jnp.sum((ra + padded_off) * oa, axis=-1, keepdims=True)
        db = jnp.sum((rb + padded_off) * ob, axis=-1, keepdims=True)
        da_ref[lo:hi, :] = da.astype(jnp.int32)
        db_ref[lo:hi, :] = db.astype(jnp.int32)


def _route_plan(x, Wr, br, interpret=False):
    return pl.pallas_call(
        _route_plan_body,
        out_shape=[
            jax.ShapeDtypeStruct((T, 1), jnp.float32),
            jax.ShapeDtypeStruct((T, 1), jnp.float32),
            jax.ShapeDtypeStruct((T, 1), jnp.int32),
            jax.ShapeDtypeStruct((T, 1), jnp.int32),
            jax.ShapeDtypeStruct((MAX_TILES, 1), jnp.int32),
            jax.ShapeDtypeStruct((1, 1), jnp.int32),
        ],
        interpret=interpret,
    )(x, Wr, br.reshape(1, E))



_SC_MESH = dict(core_axis_name="c", subcore_axis_name="s")
_S_ROWS = T // NW


def _scatter_sc(x, da, db):
    @functools.partial(
        pl.kernel,
        mesh=plsc.VectorSubcoreMesh(**_SC_MESH),
        out_type=jax.ShapeDtypeStruct((T_PAD, D), jnp.float32),
        scratch_types=[
            pltpu.VMEM((_S_ROWS,), jnp.int32),
            pltpu.VMEM((_S_ROWS,), jnp.int32),
            pltpu.VMEM((_S_ROWS, D), jnp.float32),
            pltpu.SemaphoreType.DMA,
            pltpu.SemaphoreType.DMA,
        ],
    )
    def k(x_hbm, da_hbm, db_hbm, xs_hbm, ia, ib, rows_v, s1, s2):
        wid = lax.axis_index("s") * 2 + lax.axis_index("c")
        base = wid * _S_ROWS
        pltpu.sync_copy(x_hbm.at[pl.ds(base, _S_ROWS)], rows_v)
        pltpu.sync_copy(da_hbm.at[pl.ds(base, _S_ROWS)], ia)
        pltpu.sync_copy(db_hbm.at[pl.ds(base, _S_ROWS)], ib)
        ca = pltpu.async_copy(rows_v, xs_hbm.at[ia], s1)
        cb = pltpu.async_copy(rows_v, xs_hbm.at[ib], s2)
        ca.wait()
        cb.wait()

    return k(x, da, db)



_NSPLIT = 2


def _mlp_body(te_ref, nt_ref, xs_ref, *refs):
    w1_refs = refs[:_NSPLIT]
    b1_ref = refs[_NSPLIT]
    w2_refs = refs[_NSPLIT + 1:2 * _NSPLIT + 1]
    b2_ref = refs[2 * _NSPLIT + 1]
    ys_ref = refs[2 * _NSPLIT + 2]
    j = pl.program_id(0)
    hc = 4 * D // _NSPLIT

    @pl.when(j < nt_ref[0])
    def _():
        xt = xs_ref[...]
        y = b2_ref[0, 0, :]
        for c in range(_NSPLIT):
            h = jnp.dot(xt, w1_refs[c][0], preferred_element_type=jnp.float32)
            h = jnp.maximum(h + b1_ref[0, 0, c * hc:(c + 1) * hc], 0.0)
            y = y + jnp.dot(h, w2_refs[c][0],
                            preferred_element_type=jnp.float32)
        ys_ref[...] = y


def _mlp(tile_expert, n_tiles, xs, W1, b1, W2, b2, interpret=False):
    hc = 4 * D // _NSPLIT
    grid_spec = pltpu.PrefetchScalarGridSpec(
        num_scalar_prefetch=2,
        grid=(MAX_TILES,),
        in_specs=(
            [pl.BlockSpec((TR, D), lambda j, te, nt: (j, 0))]
            + [pl.BlockSpec((1, D, hc),
                            lambda j, te, nt, c=c: (te[j], 0, c))
               for c in range(_NSPLIT)]
            + [pl.BlockSpec((1, 1, 4 * D), lambda j, te, nt: (te[j], 0, 0))]
            + [pl.BlockSpec((1, hc, D),
                            lambda j, te, nt, c=c: (te[j], c, 0))
               for c in range(_NSPLIT)]
            + [pl.BlockSpec((1, 1, D), lambda j, te, nt: (te[j], 0, 0))]
        ),
        out_specs=pl.BlockSpec((TR, D), lambda j, te, nt: (j, 0)),
    )
    return pl.pallas_call(
        _mlp_body,
        grid_spec=grid_spec,
        out_shape=jax.ShapeDtypeStruct((T_PAD, D), jnp.float32),
        compiler_params=pltpu.CompilerParams(
            dimension_semantics=("arbitrary",),
            vmem_limit_bytes=120 * 1024 * 1024,
        ),
        interpret=interpret,
    )(tile_expert, n_tiles, xs, *([W1] * _NSPLIT),
      b1.reshape(E, 1, 4 * D), *([W2] * _NSPLIT), b2.reshape(E, 1, D))



_C_ROWS = T // NW
_LANES = 16


def _combine_sc(ys, posA, posB, wA, wB):
    @functools.partial(
        pl.kernel,
        mesh=plsc.VectorSubcoreMesh(**_SC_MESH),
        out_type=jax.ShapeDtypeStruct((T, D), jnp.float32),
        compiler_params=pltpu.CompilerParams(needs_layout_passes=False),
        scratch_types=[
            pltpu.VMEM((_C_ROWS,), jnp.int32),
            pltpu.VMEM((_C_ROWS,), jnp.int32),
            pltpu.VMEM((_C_ROWS,), jnp.float32),
            pltpu.VMEM((_C_ROWS,), jnp.float32),
            pltpu.VMEM((_C_ROWS, D), jnp.float32),
            pltpu.VMEM((_C_ROWS, D), jnp.float32),
            pltpu.SemaphoreType.DMA,
        ],
    )
    def k(ys_hbm, pa_hbm, pb_hbm, wa_hbm, wb_hbm, out_hbm,
          ia, ib, va, vb, ra, rb, sem):
        wid = lax.axis_index("s") * 2 + lax.axis_index("c")
        base = wid * _C_ROWS
        pltpu.sync_copy(pa_hbm.at[pl.ds(base, _C_ROWS)], ia)
        pltpu.sync_copy(pb_hbm.at[pl.ds(base, _C_ROWS)], ib)
        pltpu.sync_copy(wa_hbm.at[pl.ds(base, _C_ROWS)], va)
        pltpu.sync_copy(wb_hbm.at[pl.ds(base, _C_ROWS)], vb)
        ca = pltpu.async_copy(ys_hbm.at[ia], ra, sem)
        cb = pltpu.async_copy(ys_hbm.at[ib], rb, sem)
        ca.wait()
        cb.wait()

        def body(r, carry):
            ridx = jnp.full((_LANES,), r, jnp.int32)
            a = plsc.load_gather(va, [ridx])
            b = plsc.load_gather(vb, [ridx])
            for j in range(D // _LANES):
                s = pl.ds(j * _LANES, _LANES)
                ra[r, s] = a * ra[r, s] + b * rb[r, s]
            return carry

        lax.fori_loop(0, _C_ROWS, body, 0)
        pltpu.sync_copy(ra, out_hbm.at[pl.ds(base, _C_ROWS)])

    return k(ys, posA, posB, wA, wB)



def kernel(x, Wr, br, W1, b1, W2, b2):
    wa, wb, da, db, te, nt = _route_plan(x, Wr, br)
    posA = da.reshape(T)
    posB = db.reshape(T)
    xs = _scatter_sc(x, posA, posB)
    ys = _mlp(te.reshape(MAX_TILES), nt.reshape(1), xs, W1, b1, W2, b2)
    return _combine_sc(ys, posA, posB, wa.reshape(T), wb.reshape(T))

# --- scband reference (transcript-rebuilt; emitter-appended) ---
"""Pipeline reference for scband-mo-elayer-2551210574648 (READ-ONLY COPY).

The authoritative reference and input builder live on the scoring server;
editing this copy changes nothing except your own understanding.
"""

import jax, jax.numpy as jnp
import numpy as np

N_EMBD = 768
NUM_EXPERTS = 64
TOP_K = 2
N_TOKENS = 2048


def setup_inputs(seed: int = 0) -> dict:
    key = jax.random.key(seed)
    ks = jax.random.split(key, 8)
    d = N_EMBD
    E = NUM_EXPERTS
    x = jax.random.normal(ks[0], (N_TOKENS, d), dtype=jnp.float32)
    Wr = jax.random.normal(ks[1], (d, E), dtype=jnp.float32) * (1.0 / np.sqrt(d))
    br = jnp.zeros((E,), dtype=jnp.float32)
    W1 = jax.random.normal(ks[2], (E, d, 4 * d), dtype=jnp.float32) * (1.0 / np.sqrt(d))
    b1 = jnp.zeros((E, 4 * d), dtype=jnp.float32)
    W2 = jax.random.normal(ks[3], (E, 4 * d, d), dtype=jnp.float32) * (1.0 / np.sqrt(4 * d))
    b2 = jnp.zeros((E, d), dtype=jnp.float32)
    return {"x": x, "Wr": Wr, "br": br, "W1": W1, "b1": b1, "W2": W2, "b2": b2}


def reference(x, Wr, br, W1, b1, W2, b2):
    # logits = router(x)
    logits = x @ Wr + br
    # weights, indices = topk(logits, top_k); weights = softmax(weights)
    weights, indices = jax.lax.top_k(logits, TOP_K)
    weights = jax.nn.softmax(weights, axis=-1)
    out = jnp.zeros_like(x)
    for i in range(NUM_EXPERTS):
        # per-token weight for expert i (zero where expert i not in top_k;
        # topk indices are unique per row)
        w_sel = jnp.sum(weights * (indices == i), axis=-1)
        # Expert MLP: Linear(d,4d) -> ReLU -> Linear(4d,d) -> Dropout(eval: identity)
        h = jax.nn.relu(x @ W1[i] + b1[i])
        y = h @ W2[i] + b2[i]
        out = out + y * w_sel[:, None]
    return out

if __name__ == "__main__":
    import jax
    _d = setup_inputs()
    print(jax.jit(kernel)(*tuple(_d.values())))

</pallas_src>

<mosaic_0001>
#map = affine_map<(d0, d1) -> (0, 0)>
#map1 = affine_map<(d0, d1) -> (0)>
module attributes {stable_mosaic.version = 14 : i64} {
  func.func @k(%arg0: i32, %arg1: i32, %arg2: memref<2048x768xf32, #tpu.memory_space<hbm>>, %arg3: memref<2048xi32, #tpu.memory_space<hbm>>, %arg4: memref<2048xi32, #tpu.memory_space<hbm>>, %arg5: memref<12288x768xf32, #tpu.memory_space<hbm>>, %arg6: memref<64xi32, #tpu.memory_space<vmem>>, %arg7: memref<64xi32, #tpu.memory_space<vmem>>, %arg8: memref<64x768xf32, #tpu.memory_space<vmem>>, %arg9: memref<!tpu.dma_semaphore, #tpu.memory_space<semaphore_mem>>, %arg10: memref<!tpu.dma_semaphore, #tpu.memory_space<semaphore_mem>>) attributes {dimension_semantics = [#tpu.dimension_semantics<core_parallel>, #tpu.dimension_semantics<subcore_parallel>], iteration_bounds = array<i64: 2, 16>, scalar_prefetch = 0 : i64, scratch_operands = 5 : i64, tpu.core_type = #tpu.core_type<sc_vector_subcore>, window_params = [{transform_indices = #map}, {transform_indices = #map1}, {transform_indices = #map1}, {transform_indices = #map}]} {
    %mul3A = arith.constant 2 : i32
    %mul3A_0 = arith.muli %arg1, %mul3A : i32
    %add3A = arith.addi %mul3A_0, %arg0 : i32
    %mul3A_1 = arith.constant 64 : i32
    %mul3A_2 = arith.muli %add3A, %mul3A_1 : i32
    "tpu.region"() ({
      %run_scoped3A = tpu.sem_alloc : memref<!tpu.dma_semaphore, #tpu.memory_space<semaphore_mem>>
      %dma_start3A_13 = arith.constant 0 : i32
      %dma_start3A_14 = tpu.memref_slice %arg2[%mul3A_2, %dma_start3A_13] : memref<2048x768xf32, #tpu.memory_space<hbm>> -> memref<64x768xf32, #tpu.memory_space<hbm>>
      %dma_start3A_15 = arith.constant 0 : i32
      %dma_start3A_16 = tpu.memref_slice %arg2[%mul3A_2, %dma_start3A_15] : memref<2048x768xf32, #tpu.memory_space<hbm>> -> memref<64x768xf32, #tpu.memory_space<hbm>>
      tpu.enqueue_dma source(%dma_start3A_16 : memref<64x768xf32, #tpu.memory_space<hbm>>) target(%arg8 : memref<64x768xf32, #tpu.memory_space<vmem>>) target_semaphore(%run_scoped3A : memref<!tpu.dma_semaphore, #tpu.memory_space<semaphore_mem>>)
      %dma_wait3A_17 = arith.constant 0 : i32
      %dma_wait3A_18 = tpu.memref_slice %arg2[%mul3A_2, %dma_wait3A_17] : memref<2048x768xf32, #tpu.memory_space<hbm>> -> memref<64x768xf32, #tpu.memory_space<hbm>>
      %dma_wait3A_19 = arith.constant 0 : i32
      %dma_wait3A_20 = tpu.memref_slice %arg2[%mul3A_2, %dma_wait3A_19] : memref<2048x768xf32, #tpu.memory_space<hbm>> -> memref<64x768xf32, #tpu.memory_space<hbm>>
      tpu.wait_dma2 semaphore(%run_scoped3A : memref<!tpu.dma_semaphore, #tpu.memory_space<semaphore_mem>>) src(%dma_wait3A_20 : memref<64x768xf32, #tpu.memory_space<hbm>>) dst(%arg8 : memref<64x768xf32, #tpu.memory_space<vmem>>)
      tpu.yield
    }) : () -> ()
    "tpu.region"() ({
      %run_scoped3A = tpu.sem_alloc : memref<!tpu.dma_semaphore, #tpu.memory_space<semaphore_mem>>
      %dma_start3A_13 = tpu.memref_slice %arg3[%mul3A_2] : memref<2048xi32, #tpu.memory_space<hbm>> -> memref<64xi32, #tpu.memory_space<hbm>>
      %dma_start3A_14 = tpu.memref_slice %arg3[%mul3A_2] : memref<2048xi32, #tpu.memory_space<hbm>> -> memref<64xi32, #tpu.memory_space<hbm>>
      tpu.enqueue_dma source(%dma_start3A_14 : memref<64xi32, #tpu.memory_space<hbm>>) target(%arg6 : memref<64xi32, #tpu.memory_space<vmem>>) target_semaphore(%run_scoped3A : memref<!tpu.dma_semaphore, #tpu.memory_space<semaphore_mem>>)
      %dma_wait3A_15 = tpu.memref_slice %arg3[%mul3A_2] : memref<2048xi32, #tpu.memory_space<hbm>> -> memref<64xi32, #tpu.memory_space<hbm>>
      %dma_wait3A_16 = tpu.memref_slice %arg3[%mul3A_2] : memref<2048xi32, #tpu.memory_space<hbm>> -> memref<64xi32, #tpu.memory_space<hbm>>
      tpu.wait_dma2 semaphore(%run_scoped3A : memref<!tpu.dma_semaphore, #tpu.memory_space<semaphore_mem>>) src(%dma_wait3A_16 : memref<64xi32, #tpu.memory_space<hbm>>) dst(%arg6 : memref<64xi32, #tpu.memory_space<vmem>>)
      tpu.yield
    }) : () -> ()
    "tpu.region"() ({
      %run_scoped3A = tpu.sem_alloc : memref<!tpu.dma_semaphore, #tpu.memory_space<semaphore_mem>>
      %dma_start3A_13 = tpu.memref_slice %arg4[%mul3A_2] : memref<2048xi32, #tpu.memory_space<hbm>> -> memref<64xi32, #tpu.memory_space<hbm>>
      %dma_start3A_14 = tpu.memref_slice %arg4[%mul3A_2] : memref<2048xi32, #tpu.memory_space<hbm>> -> memref<64xi32, #tpu.memory_space<hbm>>
      tpu.enqueue_dma source(%dma_start3A_14 : memref<64xi32, #tpu.memory_space<hbm>>) target(%arg7 : memref<64xi32, #tpu.memory_space<vmem>>) target_semaphore(%run_scoped3A : memref<!tpu.dma_semaphore, #tpu.memory_space<semaphore_mem>>)
      %dma_wait3A_15 = tpu.memref_slice %arg4[%mul3A_2] : memref<2048xi32, #tpu.memory_space<hbm>> -> memref<64xi32, #tpu.memory_space<hbm>>
      %dma_wait3A_16 = tpu.memref_slice %arg4[%mul3A_2] : memref<2048xi32, #tpu.memory_space<hbm>> -> memref<64xi32, #tpu.memory_space<hbm>>
      tpu.wait_dma2 semaphore(%run_scoped3A : memref<!tpu.dma_semaphore, #tpu.memory_space<semaphore_mem>>) src(%dma_wait3A_16 : memref<64xi32, #tpu.memory_space<hbm>>) dst(%arg7 : memref<64xi32, #tpu.memory_space<vmem>>)
      tpu.yield
    }) : () -> ()
    %dma_start3A = arith.constant 0 : i32
    %dma_start3A_3 = arith.constant 0 : i32
    %dma_start3A_4 = tpu.memref_slice %arg5[%dma_start3A, %dma_start3A_3] : memref<12288x768xf32, #tpu.memory_space<hbm>> -> memref<12288x768xf32, #tpu.memory_space<hbm>>
    tpu.enqueue_indirect_dma source(%arg8 : memref<64x768xf32, #tpu.memory_space<vmem>>) target(%dma_start3A_4 : memref<12288x768xf32, #tpu.memory_space<hbm>>) offsets(%arg6 : memref<64xi32, #tpu.memory_space<vmem>>) semaphore(%arg9 : memref<!tpu.dma_semaphore, #tpu.memory_space<semaphore_mem>>)
    %dma_start3A_5 = arith.constant 0 : i32
    %dma_start3A_6 = arith.constant 0 : i32
    %dma_start3A_7 = tpu.memref_slice %arg5[%dma_start3A_5, %dma_start3A_6] : memref<12288x768xf32, #tpu.memory_space<hbm>> -> memref<12288x768xf32, #tpu.memory_space<hbm>>
    tpu.enqueue_indirect_dma source(%arg8 : memref<64x768xf32, #tpu.memory_space<vmem>>) target(%dma_start3A_7 : memref<12288x768xf32, #tpu.memory_space<hbm>>) offsets(%arg7 : memref<64xi32, #tpu.memory_space<vmem>>) semaphore(%arg10 : memref<!tpu.dma_semaphore, #tpu.memory_space<semaphore_mem>>)
    %dma_wait3A = arith.constant 0 : i32
    %dma_wait3A_8 = arith.constant 0 : i32
    %dma_wait3A_9 = tpu.memref_slice %arg5[%dma_wait3A, %dma_wait3A_8] : memref<12288x768xf32, #tpu.memory_space<hbm>> -> memref<12288x768xf32, #tpu.memory_space<hbm>>
    tpu.wait_indirect_dma semaphore(%arg9 : memref<!tpu.dma_semaphore, #tpu.memory_space<semaphore_mem>>) src(%arg8 : memref<64x768xf32, #tpu.memory_space<vmem>>) dst(%dma_wait3A_9 : memref<12288x768xf32, #tpu.memory_space<hbm>>)
    %dma_wait3A_10 = arith.constant 0 : i32
    %dma_wait3A_11 = arith.constant 0 : i32
    %dma_wait3A_12 = tpu.memref_slice %arg5[%dma_wait3A_10, %dma_wait3A_11] : memref<12288x768xf32, #tpu.memory_space<hbm>> -> memref<12288x768xf32, #tpu.memory_space<hbm>>
    tpu.wait_indirect_dma semaphore(%arg10 : memref<!tpu.dma_semaphore, #tpu.memory_space<semaphore_mem>>) src(%arg8 : memref<64x768xf32, #tpu.memory_space<vmem>>) dst(%dma_wait3A_12 : memref<12288x768xf32, #tpu.memory_space<hbm>>)
    return
  }
}

#map = affine_map<(d0, d1) -> (0, 0)>
#map1 = affine_map<(d0, d1) -> (0)>
module attributes {stable_mosaic.version = 14 : i64} {
  func.func @k(%arg0: i32, %arg1: i32, %arg2: memref<12288x768xf32, #tpu.memory_space<hbm>>, %arg3: memref<2048xi32, #tpu.memory_space<hbm>>, %arg4: memref<2048xi32, #tpu.memory_space<hbm>>, %arg5: memref<2048xf32, #tpu.memory_space<hbm>>, %arg6: memref<2048xf32, #tpu.memory_space<hbm>>, %arg7: memref<2048x768xf32, #tpu.memory_space<hbm>>, %arg8: memref<64xi32, #tpu.memory_space<vmem>>, %arg9: memref<64xi32, #tpu.memory_space<vmem>>, %arg10: memref<64xf32, #tpu.memory_space<vmem>>, %arg11: memref<64xf32, #tpu.memory_space<vmem>>, %arg12: memref<64x768xf32, #tpu.memory_space<vmem>>, %arg13: memref<64x768xf32, #tpu.memory_space<vmem>>, %arg14: memref<!tpu.dma_semaphore, #tpu.memory_space<semaphore_mem>>) attributes {dimension_semantics = [#tpu.dimension_semantics<core_parallel>, #tpu.dimension_semantics<subcore_parallel>], iteration_bounds = array<i64: 2, 16>, scalar_prefetch = 0 : i64, scratch_operands = 7 : i64, tpu.core_type = #tpu.core_type<sc_vector_subcore>, window_params = [{transform_indices = #map}, {transform_indices = #map1}, {transform_indices = #map1}, {transform_indices = #map1}, {transform_indices = #map1}, {transform_indices = #map}]} {
    %mul3A = arith.constant 2 : i32
    %mul3A_0 = arith.muli %arg1, %mul3A : i32
    %add3A = arith.addi %mul3A_0, %arg0 : i32
    %mul3A_1 = arith.constant 64 : i32
    %mul3A_2 = arith.muli %add3A, %mul3A_1 : i32
    "tpu.region"() ({
      %run_scoped3A = tpu.sem_alloc : memref<!tpu.dma_semaphore, #tpu.memory_space<semaphore_mem>>
      %dma_start3A_18 = tpu.memref_slice %arg3[%mul3A_2] : memref<2048xi32, #tpu.memory_space<hbm>> -> memref<64xi32, #tpu.memory_space<hbm>>
      %dma_start3A_19 = tpu.memref_slice %arg3[%mul3A_2] : memref<2048xi32, #tpu.memory_space<hbm>> -> memref<64xi32, #tpu.memory_space<hbm>>
      tpu.enqueue_dma source(%dma_start3A_19 : memref<64xi32, #tpu.memory_space<hbm>>) target(%arg8 : memref<64xi32, #tpu.memory_space<vmem>>) target_semaphore(%run_scoped3A : memref<!tpu.dma_semaphore, #tpu.memory_space<semaphore_mem>>)
      %dma_wait3A_20 = tpu.memref_slice %arg3[%mul3A_2] : memref<2048xi32, #tpu.memory_space<hbm>> -> memref<64xi32, #tpu.memory_space<hbm>>
      %dma_wait3A_21 = tpu.memref_slice %arg3[%mul3A_2] : memref<2048xi32, #tpu.memory_space<hbm>> -> memref<64xi32, #tpu.memory_space<hbm>>
      tpu.wait_dma2 semaphore(%run_scoped3A : memref<!tpu.dma_semaphore, #tpu.memory_space<semaphore_mem>>) src(%dma_wait3A_21 : memref<64xi32, #tpu.memory_space<hbm>>) dst(%arg8 : memref<64xi32, #tpu.memory_space<vmem>>)
      tpu.yield
    }) : () -> ()
    "tpu.region"() ({
      %run_scoped3A = tpu.sem_alloc : memref<!tpu.dma_semaphore, #tpu.memory_space<semaphore_mem>>
      %dma_start3A_18 = tpu.memref_slice %arg4[%mul3A_2] : memref<2048xi32, #tpu.memory_space<hbm>> -> memref<64xi32, #tpu.memory_space<hbm>>
      %dma_start3A_19 = tpu.memref_slice %arg4[%mul3A_2] : memref<2048xi32, #tpu.memory_space<hbm>> -> memref<64xi32, #tpu.memory_space<hbm>>
      tpu.enqueue_dma source(%dma_start3A_19 : memref<64xi32, #tpu.memory_space<hbm>>) target(%arg9 : memref<64xi32, #tpu.memory_space<vmem>>) target_semaphore(%run_scoped3A : memref<!tpu.dma_semaphore, #tpu.memory_space<semaphore_mem>>)
      %dma_wait3A_20 = tpu.memref_slice %arg4[%mul3A_2] : memref<2048xi32, #tpu.memory_space<hbm>> -> memref<64xi32, #tpu.memory_space<hbm>>
      %dma_wait3A_21 = tpu.memref_slice %arg4[%mul3A_2] : memref<2048xi32, #tpu.memory_space<hbm>> -> memref<64xi32, #tpu.memory_space<hbm>>
      tpu.wait_dma2 semaphore(%run_scoped3A : memref<!tpu.dma_semaphore, #tpu.memory_space<semaphore_mem>>) src(%dma_wait3A_21 : memref<64xi32, #tpu.memory_space<hbm>>) dst(%arg9 : memref<64xi32, #tpu.memory_space<vmem>>)
      tpu.yield
    }) : () -> ()
    "tpu.region"() ({
      %run_scoped3A = tpu.sem_alloc : memref<!tpu.dma_semaphore, #tpu.memory_space<semaphore_mem>>
      %dma_start3A_18 = tpu.memref_slice %arg5[%mul3A_2] : memref<2048xf32, #tpu.memory_space<hbm>> -> memref<64xf32, #tpu.memory_space<hbm>>
      %dma_start3A_19 = tpu.memref_slice %arg5[%mul3A_2] : memref<2048xf32, #tpu.memory_space<hbm>> -> memref<64xf32, #tpu.memory_space<hbm>>
      tpu.enqueue_dma source(%dma_start3A_19 : memref<64xf32, #tpu.memory_space<hbm>>) target(%arg10 : memref<64xf32, #tpu.memory_space<vmem>>) target_semaphore(%run_scoped3A : memref<!tpu.dma_semaphore, #tpu.memory_space<semaphore_mem>>)
      %dma_wait3A_20 = tpu.memref_slice %arg5[%mul3A_2] : memref<2048xf32, #tpu.memory_space<hbm>> -> memref<64xf32, #tpu.memory_space<hbm>>
      %dma_wait3A_21 = tpu.memref_slice %arg5[%mul3A_2] : memref<2048xf32, #tpu.memory_space<hbm>> -> memref<64xf32, #tpu.memory_space<hbm>>
      tpu.wait_dma2 semaphore(%run_scoped3A : memref<!tpu.dma_semaphore, #tpu.memory_space<semaphore_mem>>) src(%dma_wait3A_21 : memref<64xf32, #tpu.memory_space<hbm>>) dst(%arg10 : memref<64xf32, #tpu.memory_space<vmem>>)
      tpu.yield
    }) : () -> ()
    "tpu.region"() ({
      %run_scoped3A = tpu.sem_alloc : memref<!tpu.dma_semaphore, #tpu.memory_space<semaphore_mem>>
      %dma_start3A_18 = tpu.memref_slice %arg6[%mul3A_2] : memref<2048xf32, #tpu.memory_space<hbm>> -> memref<64xf32, #tpu.memory_space<hbm>>
      %dma_start3A_19 = tpu.memref_slice %arg6[%mul3A_2] : memref<2048xf32, #tpu.memory_space<hbm>> -> memref<64xf32, #tpu.memory_space<hbm>>
      tpu.enqueue_dma source(%dma_start3A_19 : memref<64xf32, #tpu.memory_space<hbm>>) target(%arg11 : memref<64xf32, #tpu.memory_space<vmem>>) target_semaphore(%run_scoped3A : memref<!tpu.dma_semaphore, #tpu.memory_space<semaphore_mem>>)
      %dma_wait3A_20 = tpu.memref_slice %arg6[%mul3A_2] : memref<2048xf32, #tpu.memory_space<hbm>> -> memref<64xf32, #tpu.memory_space<hbm>>
      %dma_wait3A_21 = tpu.memref_slice %arg6[%mul3A_2] : memref<2048xf32, #tpu.memory_space<hbm>> -> memref<64xf32, #tpu.memory_space<hbm>>
      tpu.wait_dma2 semaphore(%run_scoped3A : memref<!tpu.dma_semaphore, #tpu.memory_space<semaphore_mem>>) src(%dma_wait3A_21 : memref<64xf32, #tpu.memory_space<hbm>>) dst(%arg11 : memref<64xf32, #tpu.memory_space<vmem>>)
      tpu.yield
    }) : () -> ()
    %dma_start3A = arith.constant 0 : i32
    %dma_start3A_3 = arith.constant 0 : i32
    %dma_start3A_4 = tpu.memref_slice %arg2[%dma_start3A, %dma_start3A_3] : memref<12288x768xf32, #tpu.memory_space<hbm>> -> memref<12288x768xf32, #tpu.memory_space<hbm>>
    tpu.enqueue_indirect_dma source(%dma_start3A_4 : memref<12288x768xf32, #tpu.memory_space<hbm>>) target(%arg12 : memref<64x768xf32, #tpu.memory_space<vmem>>) offsets(%arg8 : memref<64xi32, #tpu.memory_space<vmem>>) semaphore(%arg14 : memref<!tpu.dma_semaphore, #tpu.memory_space<semaphore_mem>>)
    %dma_start3A_5 = arith.constant 0 : i32
    %dma_start3A_6 = arith.constant 0 : i32
    %dma_start3A_7 = tpu.memref_slice %arg2[%dma_start3A_5, %dma_start3A_6] : memref<12288x768xf32, #tpu.memory_space<hbm>> -> memref<12288x768xf32, #tpu.memory_space<hbm>>
    tpu.enqueue_indirect_dma source(%dma_start3A_7 : memref<12288x768xf32, #tpu.memory_space<hbm>>) target(%arg13 : memref<64x768xf32, #tpu.memory_space<vmem>>) offsets(%arg9 : memref<64xi32, #tpu.memory_space<vmem>>) semaphore(%arg14 : memref<!tpu.dma_semaphore, #tpu.memory_space<semaphore_mem>>)
    %dma_wait3A = arith.constant 0 : i32
    %dma_wait3A_8 = arith.constant 0 : i32
    %dma_wait3A_9 = tpu.memref_slice %arg2[%dma_wait3A, %dma_wait3A_8] : memref<12288x768xf32, #tpu.memory_space<hbm>> -> memref<12288x768xf32, #tpu.memory_space<hbm>>
    tpu.wait_indirect_dma semaphore(%arg14 : memref<!tpu.dma_semaphore, #tpu.memory_space<semaphore_mem>>) src(%dma_wait3A_9 : memref<12288x768xf32, #tpu.memory_space<hbm>>) dst(%arg12 : memref<64x768xf32, #tpu.memory_space<vmem>>)
    %dma_wait3A_10 = arith.constant 0 : i32
    %dma_wait3A_11 = arith.constant 0 : i32
    %dma_wait3A_12 = tpu.memref_slice %arg2[%dma_wait3A_10, %dma_wait3A_11] : memref<12288x768xf32, #tpu.memory_space<hbm>> -> memref<12288x768xf32, #tpu.memory_space<hbm>>
    tpu.wait_indirect_dma semaphore(%arg14 : memref<!tpu.dma_semaphore, #tpu.memory_space<semaphore_mem>>) src(%dma_wait3A_12 : memref<12288x768xf32, #tpu.memory_space<hbm>>) dst(%arg13 : memref<64x768xf32, #tpu.memory_space<vmem>>)
    %scan3A = arith.constant 0 : i32
    %scan3A_13 = arith.constant 0 : i32
    %scan3A_14 = arith.constant 64 : i32
    %scan3A_15 = arith.addi %scan3A_13, %scan3A_14 : i32
    %scan3A_16 = arith.constant 1 : i32
    scf.for %scan3A_18 = %scan3A_13 to %scan3A_15 step %scan3A_16  : i32 {
      %broadcast_in_dim3A = vector.broadcast %scan3A_18 : i32 to vector<16xi32>
      %gather3A = tpu.vector_load_idx %arg10[%broadcast_in_dim3A] : memref<64xf32, #tpu.memory_space<vmem>>[vector<16xi32>], vector<16xf32>,
      %gather3A_19 = tpu.vector_load_idx %arg11[%broadcast_in_dim3A] : memref<64xf32, #tpu.memory_space<vmem>>[vector<16xi32>], vector<16xf32>,
      %get3A = arith.index_cast %scan3A_18 : i32 to index
      %get3A_20 = arith.constant 0 : index
      %get3A_21 = tpu.vector_load %arg12[%get3A, %get3A_20] {strides = array<i32>} : memref<64x768xf32, #tpu.memory_space<vmem>>, vector<16xf32>,
      %mul3A_22 = arith.mulf %gather3A, %get3A_21 : vector<16xf32>
      %get3A_23 = arith.index_cast %scan3A_18 : i32 to index
      %get3A_24 = arith.constant 0 : index
      %get3A_25 = tpu.vector_load %arg13[%get3A_23, %get3A_24] {strides = array<i32>} : memref<64x768xf32, #tpu.memory_space<vmem>>, vector<16xf32>,
      %mul3A_26 = arith.mulf %gather3A_19, %get3A_25 : vector<16xf32>
      %add3A_27 = arith.addf %mul3A_22, %mul3A_26 : vector<16xf32>
      %swap3A = arith.index_cast %scan3A_18 : i32 to index
      %swap3A_28 = arith.constant 0 : index
      %swap3A_29 = tpu.vector_load %arg12[%swap3A, %swap3A_28] {strides = array<i32>} : memref<64x768xf32, #tpu.memory_space<vmem>>, vector<16xf32>,
      tpu.vector_store %arg12[%swap3A, %swap3A_28], %add3A_27 {strides = array<i32>} : memref<64x768xf32, #tpu.memory_space<vmem>>, vector<16xf32>,
      %get3A_30 = arith.index_cast %scan3A_18 : i32 to index
      %get3A_31 = arith.constant 16 : index
      %get3A_32 = tpu.vector_load %arg12[%get3A_30, %get3A_31] {strides = array<i32>} : memref<64x768xf32, #tpu.memory_space<vmem>>, vector<16xf32>,
      %mul3A_33 = arith.mulf %gather3A, %get3A_32 : vector<16xf32>
      %get3A_34 = arith.index_cast %scan3A_18 : i32 to index
      %get3A_35 = arith.constant 16 : index
      %get3A_36 = tpu.vector_load %arg13[%get3A_34, %get3A_35] {strides = array<i32>} : memref<64x768xf32, #tpu.memory_space<vmem>>, vector<16xf32>,
      %mul3A_37 = arith.mulf %gather3A_19, %get3A_36 : vector<16xf32>
      %add3A_38 = arith.addf %mul3A_33, %mul3A_37 : vector<16xf32>
      %swap3A_39 = arith.index_cast %scan3A_18 : i32 to index
      %swap3A_40 = arith.constant 16 : index
      %swap3A_41 = tpu.vector_load %arg12[%swap3A_39, %swap3A_40] {strides = array<i32>} : memref<64x768xf32, #tpu.memory_space<vmem>>, vector<16xf32>,
      tpu.vector_store %arg12[%swap3A_39, %swap3A_40], %add3A_38 {strides = array<i32>} : memref<64x768xf32, #tpu.memory_space<vmem>>, vector<16xf32>,
      %get3A_42 = arith.index_cast %scan3A_18 : i32 to index
      %get3A_43 = arith.constant 32 : index
      %get3A_44 = tpu.vector_load %arg12[%get3A_42, %get3A_43] {strides = array<i32>} : memref<64x768xf32, #tpu.memory_space<vmem>>, vector<16xf32>,
      %mul3A_45 = arith.mulf %gather3A, %get3A_44 : vector<16xf32>
      %get3A_46 = arith.index_cast %scan3A_18 : i32 to index
      %get3A_47 = arith.constant 32 : index
      %get3A_48 = tpu.vector_load %arg13[%get3A_46, %get3A_47] {strides = array<i32>} : memref<64x768xf32, #tpu.memory_space<vmem>>, vector<16xf32>,
      %mul3A_49 = arith.mulf %gather3A_19, %get3A_48 : vector<16xf32>
      %add3A_50 = arith.addf %mul3A_45, %mul3A_49 : vector<16xf32>
      %swap3A_51 = arith.index_cast %scan3A_18 : i32 to index
      %swap3A_52 = arith.constant 32 : index
      %swap3A_53 = tpu.vector_load %arg12[%swap3A_51, %swap3A_52] {strides = array<i32>} : memref<64x768xf32, #tpu.memory_space<vmem>>, vector<16xf32>,
      tpu.vector_store %arg12[%swap3A_51, %swap3A_52], %add3A_50 {strides = array<i32>} : memref<64x768xf32, #tpu.memory_space<vmem>>, vector<16xf32>,
      %get3A_54 = arith.index_cast %scan3A_18 : i32 to index
      %get3A_55 = arith.constant 48 : index
      %get3A_56 = tpu.vector_load %arg12[%get3A_54, %get3A_55] {strides = array<i32>} : memref<64x768xf32, #tpu.memory_space<vmem>>, vector<16xf32>,
      %mul3A_57 = arith.mulf %gather3A, %get3A_56 : vector<16xf32>
      %get3A_58 = arith.index_cast %scan3A_18 : i32 to index
      %get3A_59 = arith.constant 48 : index
      %get3A_60 = tpu.vector_load %arg13[%get3A_58, %get3A_59] {strides = array<i32>} : memref<64x768xf32, #tpu.memory_space<vmem>>, vector<16xf32>,
      %mul3A_61 = arith.mulf %gather3A_19, %get3A_60 : vector<16xf32>
      %add3A_62 = arith.addf %mul3A_57, %mul3A_61 : vector<16xf32>
      %swap3A_63 = arith.index_cast %scan3A_18 : i32 to index
      %swap3A_64 = arith.constant 48 : index
      %swap3A_65 = tpu.vector_load %arg12[%swap3A_63, %swap3A_64] {strides = array<i32>} : memref<64x768xf32, #tpu.memory_space<vmem>>, vector<16xf32>,
      tpu.vector_store %arg12[%swap3A_63, %swap3A_64], %add3A_62 {strides = array<i32>} : memref<64x768xf32, #tpu.memory_space<vmem>>, vector<16xf32>,
      %get3A_66 = arith.index_cast %scan3A_18 : i32 to index
      %get3A_67 = arith.constant 64 : index
      %get3A_68 = tpu.vector_load %arg12[%get3A_66, %get3A_67] {strides = array<i32>} : memref<64x768xf32, #tpu.memory_space<vmem>>, vector<16xf32>,
      %mul3A_69 = arith.mulf %gather3A, %get3A_68 : vector<16xf32>
      %get3A_70 = arith.index_cast %scan3A_18 : i32 to index
      %get3A_71 = arith.constant 64 : index
      %get3A_72 = tpu.vector_load %arg13[%get3A_70, %get3A_71] {strides = array<i32>} : memref<64x768xf32, #tpu.memory_space<vmem>>, vector<16xf32>,
      %mul3A_73 = arith.mulf %gather3A_19, %get3A_72 : vector<16xf32>
      %add3A_74 = arith.addf %mul3A_69, %mul3A_73 : vector<16xf32>
      %swap3A_75 = arith.index_cast %scan3A_18 : i32 to index
      %swap3A_76 = arith.constant 64 : index
      %swap3A_77 = tpu.vector_load %arg12[%swap3A_75, %swap3A_76] {strides = array<i32>} : memref<64x768xf32, #tpu.memory_space<vmem>>, vector<16xf32>,
      tpu.vector_store %arg12[%swap3A_75, %swap3A_76], %add3A_74 {strides = array<i32>} : memref<64x768xf32, #tpu.memory_space<vmem>>, vector<16xf32>,
      %get3A_78 = arith.index_cast %scan3A_18 : i32 to index
      %get3A_79 = arith.constant 80 : index
      %get3A_80 = tpu.vector_load %arg12[%get3A_78, %get3A_79] {strides = array<i32>} : memref<64x768xf32, #tpu.memory_space<vmem>>, vector<16xf32>,
      %mul3A_81 = arith.mulf %gather3A, %get3A_80 : vector<16xf32>
      %get3A_82 = arith.index_cast %scan3A_18 : i32 to index
      %get3A_83 = arith.constant 80 : index
      %get3A_84 = tpu.vector_load %arg13[%get3A_82, %get3A_83] {strides = array<i32>} : memref<64x768xf32, #tpu.memory_space<vmem>>, vector<16xf32>,
      %mul3A_85 = arith.mulf %gather3A_19, %get3A_84 : vector<16xf32>
      %add3A_86 = arith.addf %mul3A_81, %mul3A_85 : vector<16xf32>
      %swap3A_87 = arith.index_cast %scan3A_18 : i32 to index
      %swap3A_88 = arith.constant 80 : index
      %swap3A_89 = tpu.vector_load %arg12[%swap3A_87, %swap3A_88] {strides = array<i32>} : memref<64x768xf32, #tpu.memory_space<vmem>>, vector<16xf32>,
      tpu.vector_store %arg12[%swap3A_87, %swap3A_88], %add3A_86 {strides = array<i32>} : memref<64x768xf32, #tpu.memory_space<vmem>>, vector<16xf32>,
      %get3A_90 = arith.index_cast %scan3A_18 : i32 to index
      %get3A_91 = arith.constant 96 : index
      %get3A_92 = tpu.vector_load %arg12[%get3A_90, %get3A_91] {strides = array<i32>} : memref<64x768xf32, #tpu.memory_space<vmem>>, vector<16xf32>,
      %mul3A_93 = arith.mulf %gather3A, %get3A_92 : vector<16xf32>
      %get3A_94 = arith.index_cast %scan3A_18 : i32 to index
      %get3A_95 = arith.constant 96 : index
      %get3A_96 = tpu.vector_load %arg13[%get3A_94, %get3A_95] {strides = array<i32>} : memref<64x768xf32, #tpu.memory_space<vmem>>, vector<16xf32>,
      %mul3A_97 = arith.mulf %gather3A_19, %get3A_96 : vector<16xf32>
      %add3A_98 = arith.addf %mul3A_93, %mul3A_97 : vector<16xf32>
      %swap3A_99 = arith.index_cast %scan3A_18 : i32 to index
      %swap3A_100 = arith.constant 96 : index
      %swap3A_101 = tpu.vector_load %arg12[%swap3A_99, %swap3A_100] {strides = array<i32>} : memref<64x768xf32, #tpu.memory_space<vmem>>, vector<16xf32>,
      tpu.vector_store %arg12[%swap3A_99, %swap3A_100], %add3A_98 {strides = array<i32>} : memref<64x768xf32, #tpu.memory_space<vmem>>, vector<16xf32>,
      %get3A_102 = arith.index_cast %scan3A_18 : i32 to index
      %get3A_103 = arith.constant 112 : index
      %get3A_104 = tpu.vector_load %arg12[%get3A_102, %get3A_103] {strides = array<i32>} : memref<64x768xf32, #tpu.memory_space<vmem>>, vector<16xf32>,
      %mul3A_105 = arith.mulf %gather3A, %get3A_104 : vector<16xf32>
      %get3A_106 = arith.index_cast %scan3A_18 : i32 to index
      %get3A_107 = arith.constant 112 : index
      %get3A_108 = tpu.vector_load %arg13[%get3A_106, %get3A_107] {strides = array<i32>} : memref<64x768xf32, #tpu.memory_space<vmem>>, vector<16xf32>,
      %mul3A_109 = arith.mulf %gather3A_19, %get3A_108 : vector<16xf32>
      %add3A_110 = arith.addf %mul3A_105, %mul3A_109 : vector<16xf32>
      %swap3A_111 = arith.index_cast %scan3A_18 : i32 to index
      %swap3A_112 = arith.constant 112 : index
      %swap3A_113 = tpu.vector_load %arg12[%swap3A_111, %swap3A_112] {strides = array<i32>} : memref<64x768xf32, #tpu.memory_space<vmem>>, vector<16xf32>,
      tpu.vector_store %arg12[%swap3A_111, %swap3A_112], %add3A_110 {strides = array<i32>} : memref<64x768xf32, #tpu.memory_space<vmem>>, vector<16xf32>,
      %get3A_114 = arith.index_cast %scan3A_18 : i32 to index
      %get3A_115 = arith.constant 128 : index
      %get3A_116 = tpu.vector_load %arg12[%get3A_114, %get3A_115] {strides = array<i32>} : memref<64x768xf32, #tpu.memory_space<vmem>>, vector<16xf32>,
      %mul3A_117 = arith.mulf %gather3A, %get3A_116 : vector<16xf32>
      %get3A_118 = arith.index_cast %scan3A_18 : i32 to index
      %get3A_119 = arith.constant 128 : index
      %get3A_120 = tpu.vector_load %arg13[%get3A_118, %get3A_119] {strides = array<i32>} : memref<64x768xf32, #tpu.memory_space<vmem>>, vector<16xf32>,
      %mul3A_121 = arith.mulf %gather3A_19, %get3A_120 : vector<16xf32>
      %add3A_122 = arith.addf %mul3A_117, %mul3A_121 : vector<16xf32>
      %swap3A_123 = arith.index_cast %scan3A_18 : i32 to index
      %swap3A_124 = arith.constant 128 : index
      %swap3A_125 = tpu.vector_load %arg12[%swap3A_123, %swap3A_124] {strides = array<i32>} : memref<64x768xf32, #tpu.memory_space<vmem>>, vector<16xf32>,
      tpu.vector_store %arg12[%swap3A_123, %swap3A_124], %add3A_122 {strides = array<i32>} : memref<64x768xf32, #tpu.memory_space<vmem>>, vector<16xf32>,
      %get3A_126 = arith.index_cast %scan3A_18 : i32 to index
      %get3A_127 = arith.constant 144 : index
      %get3A_128 = tpu.vector_load %arg12[%get3A_126, %get3A_127] {strides = array<i32>} : memref<64x768xf32, #tpu.memory_space<vmem>>, vector<16xf32>,
      %mul3A_129 = arith.mulf %gather3A, %get3A_128 : vector<16xf32>
      %get3A_130 = arith.index_cast %scan3A_18 : i32 to index
      %get3A_131 = arith.constant 144 : index
      %get3A_132 = tpu.vector_load %arg13[%get3A_130, %get3A_131] {strides = array<i32>} : memref<64x768xf32, #tpu.memory_space<vmem>>, vector<16xf32>,
      %mul3A_133 = arith.mulf %gather3A_19, %get3A_132 : vector<16xf32>
      %add3A_134 = arith.addf %mul3A_129, %mul3A_133 : vector<16xf32>
      %swap3A_135 = arith.index_cast %scan3A_18 : i32 to index
      %swap3A_136 = arith.constant 144 : index
      %swap3A_137 = tpu.vector_load %arg12[%swap3A_135, %swap3A_136] {strides = array<i32>} : memref<64x768xf32, #tpu.memory_space<vmem>>, vector<16xf32>,
      tpu.vector_store %arg12[%swap3A_135, %swap3A_136], %add3A_134 {strides = array<i32>} : memref<64x768xf32, #tpu.memory_space<vmem>>, vector<16xf32>,
      %get3A_138 = arith.index_cast %scan3A_18 : i32 to index
      %get3A_139 = arith.constant 160 : index
      %get3A_140 = tpu.vector_load %arg12[%get3A_138, %get3A_139] {strides = array<i32>} : memref<64x768xf32, #tpu.memory_space<vmem>>, vector<16xf32>,
      %mul3A_141 = arith.mulf %gather3A, %get3A_140 : vector<16xf32>
      %get3A_142 = arith.index_cast %scan3A_18 : i32 to index
      %get3A_143 = arith.constant 160 : index
      %get3A_144 = tpu.vector_load %arg13[%get3A_142, %get3A_143] {strides = array<i32>} : memref<64x768xf32, #tpu.memory_space<vmem>>, vector<16xf32>,
      %mul3A_145 = arith.mulf %gather3A_19, %get3A_144 : vector<16xf32>
      %add3A_146 = arith.addf %mul3A_141, %mul3A_145 : vector<16xf32>
      %swap3A_147 = arith.index_cast %scan3A_18 : i32 to index
      %swap3A_148 = arith.constant 160 : index
      %swap3A_149 = tpu.vector_load %arg12[%swap3A_147, %swap3A_148] {strides = array<i32>} : memref<64x768xf32, #tpu.memory_space<vmem>>, vector<16xf32>,
      tpu.vector_store %arg12[%swap3A_147, %swap3A_148], %add3A_146 {strides = array<i32>} : memref<64x768xf32, #tpu.memory_space<vmem>>, vector<16xf32>,
      %get3A_150 = arith.index_cast %scan3A_18 : i32 to index
      %get3A_151 = arith.constant 176 : index
      %get3A_152 = tpu.vector_load %arg12[%get3A_150, %get3A_151] {strides = array<i32>} : memref<64x768xf32, #tpu.memory_space<vmem>>, vector<16xf32>,
      %mul3A_153 = arith.mulf %gather3A, %get3A_152 : vector<16xf32>
      %get3A_154 = arith.index_cast %scan3A_18 : i32 to index
      %get3A_155 = arith.constant 176 : index
      %get3A_156 = tpu.vector_load %arg13[%get3A_154, %get3A_155] {strides = array<i32>} : memref<64x768xf32, #tpu.memory_space<vmem>>, vector<16xf32>,
      %mul3A_157 = arith.mulf %gather3A_19, %get3A_156 : vector<16xf32>
      %add3A_158 = arith.addf %mul3A_153, %mul3A_157 : vector<16xf32>
      %swap3A_159 = arith.index_cast %scan3A_18 : i32 to index
      %swap3A_160 = arith.constant 176 : index
      %swap3A_161 = tpu.vector_load %arg12[%swap3A_159, %swap3A_160] {strides = array<i32>} : memref<64x768xf32, #tpu.memory_space<vmem>>, vector<16xf32>,
      tpu.vector_store %arg12[%swap3A_159, %swap3A_160], %add3A_158 {strides = array<i32>} : memref<64x768xf32, #tpu.memory_space<vmem>>, vector<16xf32>,
      %get3A_162 = arith.index_cast %scan3A_18 : i32 to index
      %get3A_163 = arith.constant 192 : index
      %get3A_164 = tpu.vector_load %arg12[%get3A_162, %get3A_163] {strides = array<i32>} : memref<64x768xf32, #tpu.memory_space<vmem>>, vector<16xf32>,
      %mul3A_165 = arith.mulf %gather3A, %get3A_164 : vector<16xf32>
      %get3A_166 = arith.index_cast %scan3A_18 : i32 to index
      %get3A_167 = arith.constant 192 : index
      %get3A_168 = tpu.vector_load %arg13[%get3A_166, %get3A_167] {strides = array<i32>} : memref<64x768xf32, #tpu.memory_space<vmem>>, vector<16xf32>,
      %mul3A_169 = arith.mulf %gather3A_19, %get3A_168 : vector<16xf32>
      %add3A_170 = arith.addf %mul3A_165, %mul3A_169 : vector<16xf32>
      %swap3A_171 = arith.index_cast %scan3A_18 : i32 to index
      %swap3A_172 = arith.constant 192 : index
      %swap3A_173 = tpu.vector_load %arg12[%swap3A_171, %swap3A_172] {strides = array<i32>} : memref<64x768xf32, #tpu.memory_space<vmem>>, vector<16xf32>,
      tpu.vector_store %arg12[%swap3A_171, %swap3A_172], %add3A_170 {strides = array<i32>} : memref<64x768xf32, #tpu.memory_space<vmem>>, vector<16xf32>,
      %get3A_174 = arith.index_cast %scan3A_18 : i32 to index
      %get3A_175 = arith.constant 208 : index
      %get3A_176 = tpu.vector_load %arg12[%get3A_174, %get3A_175] {strides = array<i32>} : memref<64x768xf32, #tpu.memory_space<vmem>>, vector<16xf32>,
      %mul3A_177 = arith.mulf %gather3A, %get3A_176 : vector<16xf32>
      %get3A_178 = arith.index_cast %scan3A_18 : i32 to index
      %get3A_179 = arith.constant 208 : index
      %get3A_180 = tpu.vector_load %arg13[%get3A_178, %get3A_179] {strides = array<i32>} : memref<64x768xf32, #tpu.memory_space<vmem>>, vector<16xf32>,
      %mul3A_181 = arith.mulf %gather3A_19, %get3A_180 : vector<16xf32>
      %add3A_182 = arith.addf %mul3A_177, %mul3A_181 : vector<16xf32>
      %swap3A_183 = arith.index_cast %scan3A_18 : i32 to index
      %swap3A_184 = arith.constant 208 : index
      %swap3A_185 = tpu.vector_load %arg12[%swap3A_183, %swap3A_184] {strides = array<i32>} : memref<64x768xf32, #tpu.memory_space<vmem>>, vector<16xf32>,
      tpu.vector_store %arg12[%swap3A_183, %swap3A_184], %add3A_182 {strides = array<i32>} : memref<64x768xf32, #tpu.memory_space<vmem>>, vector<16xf32>,
      %get3A_186 = arith.index_cast %scan3A_18 : i32 to index
      %get3A_187 = arith.constant 224 : index
      %get3A_188 = tpu.vector_load %arg12[%get3A_186, %get3A_187] {strides = array<i32>} : memref<64x768xf32, #tpu.memory_space<vmem>>, vector<16xf32>,
      %mul3A_189 = arith.mulf %gather3A, %get3A_188 : vector<16xf32>
      %get3A_190 = arith.index_cast %scan3A_18 : i32 to index
      %get3A_191 = arith.constant 224 : index
      %get3A_192 = tpu.vector_load %arg13[%get3A_190, %get3A_191] {strides = array<i32>} : memref<64x768xf32, #tpu.memory_space<vmem>>, vector<16xf32>,
      %mul3A_193 = arith.mulf %gather3A_19, %get3A_192 : vector<16xf32>
      %add3A_194 = arith.addf %mul3A_189, %mul3A_193 : vector<16xf32>
      %swap3A_195 = arith.index_cast %scan3A_18 : i32 to index
      %swap3A_196 = arith.constant 224 : index
      %swap3A_197 = tpu.vector_load %arg12[%swap3A_195, %swap3A_196] {strides = array<i32>} : memref<64x768xf32, #tpu.memory_space<vmem>>, vector<16xf32>,
      tpu.vector_store %arg12[%swap3A_195, %swap3A_196], %add3A_194 {strides = array<i32>} : memref<64x768xf32, #tpu.memory_space<vmem>>, vector<16xf32>,
      %get3A_198 = arith.index_cast %scan3A_18 : i32 to index
      %get3A_199 = arith.constant 240 : index
      %get3A_200 = tpu.vector_load %arg12[%get3A_198, %get3A_199] {strides = array<i32>} : memref<64x768xf32, #tpu.memory_space<vmem>>, vector<16xf32>,
      %mul3A_201 = arith.mulf %gather3A, %get3A_200 : vector<16xf32>
      %get3A_202 = arith.index_cast %scan3A_18 : i32 to index
      %get3A_203 = arith.constant 240 : index
      %get3A_204 = tpu.vector_load %arg13[%get3A_202, %get3A_203] {strides = array<i32>} : memref<64x768xf32, #tpu.memory_space<vmem>>, vector<16xf32>,
      %mul3A_205 = arith.mulf %gather3A_19, %get3A_204 : vector<16xf32>
      %add3A_206 = arith.addf %mul3A_201, %mul3A_205 : vector<16xf32>
      %swap3A_207 = arith.index_cast %scan3A_18 : i32 to index
      %swap3A_208 = arith.constant 240 : index
      %swap3A_209 = tpu.vector_load %arg12[%swap3A_207, %swap3A_208] {strides = array<i32>} : memref<64x768xf32, #tpu.memory_space<vmem>>, vector<16xf32>,
      tpu.vector_store %arg12[%swap3A_207, %swap3A_208], %add3A_206 {strides = array<i32>} : memref<64x768xf32, #tpu.memory_space<vmem>>, vector<16xf32>,
      %get3A_210 = arith.index_cast %scan3A_18 : i32 to index
      %get3A_211 = arith.constant 256 : index
      %get3A_212 = tpu.vector_load %arg12[%get3A_210, %get3A_211] {strides = array<i32>} : memref<64x768xf32, #tpu.memory_space<vmem>>, vector<16xf32>,
      %mul3A_213 = arith.mulf %gather3A, %get3A_212 : vector<16xf32>
      %get3A_214 = arith.index_cast %scan3A_18 : i32 to index
      %get3A_215 = arith.constant 256 : index
      %get3A_216 = tpu.vector_load %arg13[%get3A_214, %get3A_215] {strides = array<i32>} : memref<64x768xf32, #tpu.memory_space<vmem>>, vector<16xf32>,
      %mul3A_217 = arith.mulf %gather3A_19, %get3A_216 : vector<16xf32>
      %add3A_218 = arith.addf %mul3A_213, %mul3A_217 : vector<16xf32>
      %swap3A_219 = arith.index_cast %scan3A_18 : i32 to index
      %swap3A_220 = arith.constant 256 : index
      %swap3A_221 = tpu.vector_load %arg12[%swap3A_219, %swap3A_220] {strides = array<i32>} : memref<64x768xf32, #tpu.memory_space<vmem>>, vector<16xf32>,
      tpu.vector_store %arg12[%swap3A_219, %swap3A_220], %add3A_218 {strides = array<i32>} : memref<64x768xf32, #tpu.memory_space<vmem>>, vector<16xf32>,
      %get3A_222 = arith.index_cast %scan3A_18 : i32 to index
      %get3A_223 = arith.constant 272 : index
      %get3A_224 = tpu.vector_load %arg12[%get3A_222, %get3A_223] {strides = array<i32>} : memref<64x768xf32, #tpu.memory_space<vmem>>, vector<16xf32>,
      %mul3A_225 = arith.mulf %gather3A, %get3A_224 : vector<16xf32>
      %get3A_226 = arith.index_cast %scan3A_18 : i32 to index
      %get3A_227 = arith.constant 272 : index
      %get3A_228 = tpu.vector_load %arg13[%get3A_226, %get3A_227] {strides = array<i32>} : memref<64x768xf32, #tpu.memory_space<vmem>>, vector<16xf32>,
      %mul3A_229 = arith.mulf %gather3A_19, %get3A_228 : vector<16xf32>
      %add3A_230 = arith.addf %mul3A_225, %mul3A_229 : vector<16xf32>
      %swap3A_231 = arith.index_cast %scan3A_18 : i32 to index
      %swap3A_232 = arith.constant 272 : index
      %swap3A_233 = tpu.vector_load %arg12[%swap3A_231, %swap3A_232] {strides = array<i32>} : memref<64x768xf32, #tpu.memory_space<vmem>>, vector<16xf32>,
      tpu.vector_store %arg12[%swap3A_231, %swap3A_232], %add3A_230 {strides = array<i32>} : memref<64x768xf32, #tpu.memory_space<vmem>>, vector<16xf32>,
      %get3A_234 = arith.index_cast %scan3A_18 : i32 to index
      %get3A_235 = arith.constant 288 : index
      %get3A_236 = tpu.vector_load %arg12[%get3A_234, %get3A_235] {strides = array<i32>} : memref<64x768xf32, #tpu.memory_space<vmem>>, vector<16xf32>,
      %mul3A_237 = arith.mulf %gather3A, %get3A_236 : vector<16xf32>
      %get3A_238 = arith.index_cast %scan3A_18 : i32 to index
      %get3A_239 = arith.constant 288 : index
      %get3A_240 = tpu.vector_load %arg13[%get3A_238, %get3A_239] {strides = array<i32>} : memref<64x768xf32, #tpu.memory_space<vmem>>, vector<16xf32>,
      %mul3A_241 = arith.mulf %gather3A_19, %get3A_240 : vector<16xf32>
      %add3A_242 = arith.addf %mul3A_237, %mul3A_241 : vector<16xf32>
      %swap3A_243 = arith.index_cast %scan3A_18 : i32 to index
      %swap3A_244 = arith.constant 288 : index
      %swap3A_245 = tpu.vector_load %arg12[%swap3A_243, %swap3A_244] {strides = array<i32>} : memref<64x768xf32, #tpu.memory_space<vmem>>, vector<16xf32>,
      tpu.vector_store %arg12[%swap3A_243, %swap3A_244], %add3A_242 {strides = array<i32>} : memref<64x768xf32, #tpu.memory_space<vmem>>, vector<16xf32>,
      %get3A_246 = arith.index_cast %scan3A_18 : i32 to index
      %get3A_247 = arith.constant 304 : index
      %get3A_248 = tpu.vector_load %arg12[%get3A_246, %get3A_247] {strides = array<i32>} : memref<64x768xf32, #tpu.memory_space<vmem>>, vector<16xf32>,
      %mul3A_249 = arith.mulf %gather3A, %get3A_248 : vector<16xf32>
      %get3A_250 = arith.index_cast %scan3A_18 : i32 to index
      %get3A_251 = arith.constant 304 : index
      %get3A_252 = tpu.vector_load %arg13[%get3A_250, %get3A_251] {strides = array<i32>} : memref<64x768xf32, #tpu.memory_space<vmem>>, vector<16xf32>,
      %mul3A_253 = arith.mulf %gather3A_19, %get3A_252 : vector<16xf32>
      %add3A_254 = arith.addf %mul3A_249, %mul3A_253 : vector<16xf32>
      %swap3A_255 = arith.index_cast %scan3A_18 : i32 to index
      %swap3A_256 = arith.constant 304 : index
      %swap3A_257 = tpu.vector_load %arg12[%swap3A_255, %swap3A_256] {strides = array<i32>} : memref<64x768xf32, #tpu.memory_space<vmem>>, vector<16xf32>,
      tpu.vector_store %arg12[%swap3A_255, %swap3A_256], %add3A_254 {strides = array<i32>} : memref<64x768xf32, #tpu.memory_space<vmem>>, vector<16xf32>,
      %get3A_258 = arith.index_cast %scan3A_18 : i32 to index
      %get3A_259 = arith.constant 320 : index
      %get3A_260 = tpu.vector_load %arg12[%get3A_258, %get3A_259] {strides = array<i32>} : memref<64x768xf32, #tpu.memory_space<vmem>>, vector<16xf32>,
      %mul3A_261 = arith.mulf %gather3A, %get3A_260 : vector<16xf32>
      %get3A_262 = arith.index_cast %scan3A_18 : i32 to index
      %get3A_263 = arith.constant 320 : index
      %get3A_264 = tpu.vector_load %arg13[%get3A_262, %get3A_263] {strides = array<i32>} : memref<64x768xf32, #tpu.memory_space<vmem>>, vector<16xf32>,
      %mul3A_265 = arith.mulf %gather3A_19, %get3A_264 : vector<16xf32>
      %add3A_266 = arith.addf %mul3A_261, %mul3A_265 : vector<16xf32>
      %swap3A_267 = arith.index_cast %scan3A_18 : i32 to index
      %swap3A_268 = arith.constant 320 : index
      %swap3A_269 = tpu.vector_load %arg12[%swap3A_267, %swap3A_268] {strides = array<i32>} : memref<64x768xf32, #tpu.memory_space<vmem>>, vector<16xf32>,
      tpu.vector_store %arg12[%swap3A_267, %swap3A_268], %add3A_266 {strides = array<i32>} : memref<64x768xf32, #tpu.memory_space<vmem>>, vector<16xf32>,
      %get3A_270 = arith.index_cast %scan3A_18 : i32 to index
      %get3A_271 = arith.constant 336 : index
      %get3A_272 = tpu.vector_load %arg12[%get3A_270, %get3A_271] {strides = array<i32>} : memref<64x768xf32, #tpu.memory_space<vmem>>, vector<16xf32>,
      %mul3A_273 = arith.mulf %gather3A, %get3A_272 : vector<16xf32>
      %get3A_274 = arith.index_cast %scan3A_18 : i32 to index
      %get3A_275 = arith.constant 336 : index
      %get3A_276 = tpu.vector_load %arg13[%get3A_274, %get3A_275] {strides = array<i32>} : memref<64x768xf32, #tpu.memory_space<vmem>>, vector<16xf32>,
      %mul3A_277 = arith.mulf %gather3A_19, %get3A_276 : vector<16xf32>
      %add3A_278 = arith.addf %mul3A_273, %mul3A_277 : vector<16xf32>
      %swap3A_279 = arith.index_cast %scan3A_18 : i32 to index
      %swap3A_280 = arith.constant 336 : index
      %swap3A_281 = tpu.vector_load %arg12[%swap3A_279, %swap3A_280] {strides = array<i32>} : memref<64x768xf32, #tpu.memory_space<vmem>>, vector<16xf32>,
      tpu.vector_store %arg12[%swap3A_279, %swap3A_280], %add3A_278 {strides = array<i32>} : memref<64x768xf32, #tpu.memory_space<vmem>>, vector<16xf32>,
      %get3A_282 = arith.index_cast %scan3A_18 : i32 to index
      %get3A_283 = arith.constant 352 : index
      %get3A_284 = tpu.vector_load %arg12[%get3A_282, %get3A_283] {strides = array<i32>} : memref<64x768xf32, #tpu.memory_space<vmem>>, vector<16xf32>,
      %mul3A_285 = arith.mulf %gather3A, %get3A_284 : vector<16xf32>
      %get3A_286 = arith.index_cast %scan3A_18 : i32 to index
      %get3A_287 = arith.constant 352 : index
      %get3A_288 = tpu.vector_load %arg13[%get3A_286, %get3A_287] {strides = array<i32>} : memref<64x768xf32, #tpu.memory_space<vmem>>, vector<16xf32>,
      %mul3A_289 = arith.mulf %gather3A_19, %get3A_288 : vector<16xf32>
      %add3A_290 = arith.addf %mul3A_285, %mul3A_289 : vector<16xf32>
      %swap3A_291 = arith.index_cast %scan3A_18 : i32 to index
      %swap3A_292 = arith.constant 352 : index
      %swap3A_293 = tpu.vector_load %arg12[%swap3A_291, %swap3A_292] {strides = array<i32>} : memref<64x768xf32, #tpu.memory_space<vmem>>, vector<16xf32>,
      tpu.vector_store %arg12[%swap3A_291, %swap3A_292], %add3A_290 {strides = array<i32>} : memref<64x768xf32, #tpu.memory_space<vmem>>, vector<16xf32>,
      %get3A_294 = arith.index_cast %scan3A_18 : i32 to index
      %get3A_295 = arith.constant 368 : index
      %get3A_296 = tpu.vector_load %arg12[%get3A_294, %get3A_295] {strides = array<i32>} : memref<64x768xf32, #tpu.memory_space<vmem>>, vector<16xf32>,
      %mul3A_297 = arith.mulf %gather3A, %get3A_296 : vector<16xf32>
      %get3A_298 = arith.index_cast %scan3A_18 : i32 to index
      %get3A_299 = arith.constant 368 : index
      %get3A_300 = tpu.vector_load %arg13[%get3A_298, %get3A_299] {strides = array<i32>} : memref<64x768xf32, #tpu.memory_space<vmem>>, vector<16xf32>,
      %mul3A_301 = arith.mulf %gather3A_19, %get3A_300 : vector<16xf32>
      %add3A_302 = arith.addf %mul3A_297, %mul3A_301 : vector<16xf32>
      %swap3A_303 = arith.index_cast %scan3A_18 : i32 to index
      %swap3A_304 = arith.constant 368 : index
      %swap3A_305 = tpu.vector_load %arg12[%swap3A_303, %swap3A_304] {strides = array<i32>} : memref<64x768xf32, #tpu.memory_space<vmem>>, vector<16xf32>,
      tpu.vector_store %arg12[%swap3A_303, %swap3A_304], %add3A_302 {strides = array<i32>} : memref<64x768xf32, #tpu.memory_space<vmem>>, vector<16xf32>,
      %get3A_306 = arith.index_cast %scan3A_18 : i32 to index
      %get3A_307 = arith.constant 384 : index
      %get3A_308 = tpu.vector_load %arg12[%get3A_306, %get3A_307] {strides = array<i32>} : memref<64x768xf32, #tpu.memory_space<vmem>>, vector<16xf32>,
      %mul3A_309 = arith.mulf %gather3A, %get3A_308 : vector<16xf32>
      %get3A_310 = arith.index_cast %scan3A_18 : i32 to index
      %get3A_311 = arith.constant 384 : index
      %get3A_312 = tpu.vector_load %arg13[%get3A_310, %get3A_311] {strides = array<i32>} : memref<64x768xf32, #tpu.memory_space<vmem>>, vector<16xf32>,
      %mul3A_313 = arith.mulf %gather3A_19, %get3A_312 : vector<16xf32>
      %add3A_314 = arith.addf %mul3A_309, %mul3A_313 : vector<16xf32>
      %swap3A_315 = arith.index_cast %scan3A_18 : i32 to index
      %swap3A_316 = arith.constant 384 : index
      %swap3A_317 = tpu.vector_load %arg12[%swap3A_315, %swap3A_316] {strides = array<i32>} : memref<64x768xf32, #tpu.memory_space<vmem>>, vector<16xf32>,
      tpu.vector_store %arg12[%swap3A_315, %swap3A_316], %add3A_314 {strides = array<i32>} : memref<64x768xf32, #tpu.memory_space<vmem>>, vector<16xf32>,
      %get3A_318 = arith.index_cast %scan3A_18 : i32 to index
      %get3A_319 = arith.constant 400 : index
      %get3A_320 = tpu.vector_load %arg12[%get3A_318, %get3A_319] {strides = array<i32>} : memref<64x768xf32, #tpu.memory_space<vmem>>, vector<16xf32>,
      %mul3A_321 = arith.mulf %gather3A, %get3A_320 : vector<16xf32>
      %get3A_322 = arith.index_cast %scan3A_18 : i32 to index
      %get3A_323 = arith.constant 400 : index
      %get3A_324 = tpu.vector_load %arg13[%get3A_322, %get3A_323] {strides = array<i32>} : memref<64x768xf32, #tpu.memory_space<vmem>>, vector<16xf32>,
      %mul3A_325 = arith.mulf %gather3A_19, %get3A_324 : vector<16xf32>
      %add3A_326 = arith.addf %mul3A_321, %mul3A_325 : vector<16xf32>
      %swap3A_327 = arith.index_cast %scan3A_18 : i32 to index
      %swap3A_328 = arith.constant 400 : index
      %swap3A_329 = tpu.vector_load %arg12[%swap3A_327, %swap3A_328] {strides = array<i32>} : memref<64x768xf32, #tpu.memory_space<vmem>>, vector<16xf32>,
      tpu.vector_store %arg12[%swap3A_327, %swap3A_328], %add3A_326 {strides = array<i32>} : memref<64x768xf32, #tpu.memory_space<vmem>>, vector<16xf32>,
      %get3A_330 = arith.index_cast %scan3A_18 : i32 to index
      %get3A_331 = arith.constant 416 : index
      %get3A_332 = tpu.vector_load %arg12[%get3A_330, %get3A_331] {strides = array<i32>} : memref<64x768xf32, #tpu.memory_space<vmem>>, vector<16xf32>,
      %mul3A_333 = arith.mulf %gather3A, %get3A_332 : vector<16xf32>
      %get3A_334 = arith.index_cast %scan3A_18 : i32 to index
      %get3A_335 = arith.constant 416 : index
      %get3A_336 = tpu.vector_load %arg13[%get3A_334, %get3A_335] {strides = array<i32>} : memref<64x768xf32, #tpu.memory_space<vmem>>, vector<16xf32>,
      %mul3A_337 = arith.mulf %gather3A_19, %get3A_336 : vector<16xf32>
      %add3A_338 = arith.addf %mul3A_333, %mul3A_337 : vector<16xf32>
      %swap3A_339 = arith.index_cast %scan3A_18 : i32 to index
      %swap3A_340 = arith.constant 416 : index
      %swap3A_341 = tpu.vector_load %arg12[%swap3A_339, %swap3A_340] {strides = array<i32>} : memref<64x768xf32, #tpu.memory_space<vmem>>, vector<16xf32>,
      tpu.vector_store %arg12[%swap3A_339, %swap3A_340], %add3A_338 {strides = array<i32>} : memref<64x768xf32, #tpu.memory_space<vmem>>, vector<16xf32>,
      %get3A_342 = arith.index_cast %scan3A_18 : i32 to index
      %get3A_343 = arith.constant 432 : index
      %get3A_344 = tpu.vector_load %arg12[%get3A_342, %get3A_343] {strides = array<i32>} : memref<64x768xf32, #tpu.memory_space<vmem>>, vector<16xf32>,
      %mul3A_345 = arith.mulf %gather3A, %get3A_344 : vector<16xf32>
      %get3A_346 = arith.index_cast %scan3A_18 : i32 to index
      %get3A_347 = arith.constant 432 : index
      %get3A_348 = tpu.vector_load %arg13[%get3A_346, %get3A_347] {strides = array<i32>} : memref<64x768xf32, #tpu.memory_space<vmem>>, vector<16xf32>,
      %mul3A_349 = arith.mulf %gather3A_19, %get3A_348 : vector<16xf32>
      %add3A_350 = arith.addf %mul3A_345, %mul3A_349 : vector<16xf32>
      %swap3A_351 = arith.index_cast %scan3A_18 : i32 to index
      %swap3A_352 = arith.constant 432 : index
      %swap3A_353 = tpu.vector_load %arg12[%swap3A_351, %swap3A_352] {strides = array<i32>} : memref<64x768xf32, #tpu.memory_space<vmem>>, vector<16xf32>,
      tpu.vector_store %arg12[%swap3A_351, %swap3A_352], %add3A_350 {strides = array<i32>} : memref<64x768xf32, #tpu.memory_space<vmem>>, vector<16xf32>,
      %get3A_354 = arith.index_cast %scan3A_18 : i32 to index
      %get3A_355 = arith.constant 448 : index
      %get3A_356 = tpu.vector_load %arg12[%get3A_354, %get3A_355] {strides = array<i32>} : memref<64x768xf32, #tpu.memory_space<vmem>>, vector<16xf32>,
      %mul3A_357 = arith.mulf %gather3A, %get3A_356 : vector<16xf32>
      %get3A_358 = arith.index_cast %scan3A_18 : i32 to index
      %get3A_359 = arith.constant 448 : index
      %get3A_360 = tpu.vector_load %arg13[%get3A_358, %get3A_359] {strides = array<i32>} : memref<64x768xf32, #tpu.memory_space<vmem>>, vector<16xf32>,
      %mul3A_361 = arith.mulf %gather3A_19, %get3A_360 : vector<16xf32>
      %add3A_362 = arith.addf %mul3A_357, %mul3A_361 : vector<16xf32>
      %swap3A_363 = arith.index_cast %scan3A_18 : i32 to index
      %swap3A_364 = arith.constant 448 : index
      %swap3A_365 = tpu.vector_load %arg12[%swap3A_363, %swap3A_364] {strides = array<i32>} : memref<64x768xf32, #tpu.memory_space<vmem>>, vector<16xf32>,
      tpu.vector_store %arg12[%swap3A_363, %swap3A_364], %add3A_362 {strides = array<i32>} : memref<64x768xf32, #tpu.memory_space<vmem>>, vector<16xf32>,
      %get3A_366 = arith.index_cast %scan3A_18 : i32 to index
      %get3A_367 = arith.constant 464 : index
      %get3A_368 = tpu.vector_load %arg12[%get3A_366, %get3A_367] {strides = array<i32>} : memref<64x768xf32, #tpu.memory_space<vmem>>, vector<16xf32>,
      %mul3A_369 = arith.mulf %gather3A, %get3A_368 : vector<16xf32>
      %get3A_370 = arith.index_cast %scan3A_18 : i32 to index
      %get3A_371 = arith.constant 464 : index
      %get3A_372 = tpu.vector_load %arg13[%get3A_370, %get3A_371] {strides = array<i32>} : memref<64x768xf32, #tpu.memory_space<vmem>>, vector<16xf32>,
      %mul3A_373 = arith.mulf %gather3A_19, %get3A_372 : vector<16xf32>
      %add3A_374 = arith.addf %mul3A_369, %mul3A_373 : vector<16xf32>
      %swap3A_375 = arith.index_cast %scan3A_18 : i32 to index
      %swap3A_376 = arith.constant 464 : index
      %swap3A_377 = tpu.vector_load %arg12[%swap3A_375, %swap3A_376] {strides = array<i32>} : memref<64x768xf32, #tpu.memory_space<vmem>>, vector<16xf32>,
      tpu.vector_store %arg12[%swap3A_375, %swap3A_376], %add3A_374 {strides = array<i32>} : memref<64x768xf32, #tpu.memory_space<vmem>>, vector<16xf32>,
      %get3A_378 = arith.index_cast %scan3A_18 : i32 to index
      %get3A_379 = arith.constant 480 : index
      %get3A_380 = tpu.vector_load %arg12[%get3A_378, %get3A_379] {strides = array<i32>} : memref<64x768xf32, #tpu.memory_space<vmem>>, vector<16xf32>,
      %mul3A_381 = arith.mulf %gather3A, %get3A_380 : vector<16xf32>
      %get3A_382 = arith.index_cast %scan3A_18 : i32 to index
      %get3A_383 = arith.constant 480 : index
      %get3A_384 = tpu.vector_load %arg13[%get3A_382, %get3A_383] {strides = array<i32>} : memref<64x768xf32, #tpu.memory_space<vmem>>, vector<16xf32>,
      %mul3A_385 = arith.mulf %gather3A_19, %get3A_384 : vector<16xf32>
      %add3A_386 = arith.addf %mul3A_381, %mul3A_385 : vector<16xf32>
      %swap3A_387 = arith.index_cast %scan3A_18 : i32 to index
      %swap3A_388 = arith.constant 480 : index
      %swap3A_389 = tpu.vector_load %arg12[%swap3A_387, %swap3A_388] {strides = array<i32>} : memref<64x768xf32, #tpu.memory_space<vmem>>, vector<16xf32>,
      tpu.vector_store %arg12[%swap3A_387, %swap3A_388], %add3A_386 {strides = array<i32>} : memref<64x768xf32, #tpu.memory_space<vmem>>, vector<16xf32>,
      %get3A_390 = arith.index_cast %scan3A_18 : i32 to index
      %get3A_391 = arith.constant 496 : index
      %get3A_392 = tpu.vector_load %arg12[%get3A_390, %get3A_391] {strides = array<i32>} : memref<64x768xf32, #tpu.memory_space<vmem>>, vector<16xf32>,
      %mul3A_393 = arith.mulf %gather3A, %get3A_392 : vector<16xf32>
      %get3A_394 = arith.index_cast %scan3A_18 : i32 to index
      %get3A_395 = arith.constant 496 : index
      %get3A_396 = tpu.vector_load %arg13[%get3A_394, %get3A_395] {strides = array<i32>} : memref<64x768xf32, #tpu.memory_space<vmem>>, vector<16xf32>,
      %mul3A_397 = arith.mulf %gather3A_19, %get3A_396 : vector<16xf32>
      %add3A_398 = arith.addf %mul3A_393, %mul3A_397 : vector<16xf32>
      %swap3A_399 = arith.index_cast %scan3A_18 : i32 to index
      %swap3A_400 = arith.constant 496 : index
      %swap3A_401 = tpu.vector_load %arg12[%swap3A_399, %swap3A_400] {strides = array<i32>} : memref<64x768xf32, #tpu.memory_space<vmem>>, vector<16xf32>,
      tpu.vector_store %arg12[%swap3A_399, %swap3A_400], %add3A_398 {strides = array<i32>} : memref<64x768xf32, #tpu.memory_space<vmem>>, vector<16xf32>,
      %get3A_402 = arith.index_cast %scan3A_18 : i32 to index
      %get3A_403 = arith.constant 512 : index
      %get3A_404 = tpu.vector_load %arg12[%get3A_402, %get3A_403] {strides = array<i32>} : memref<64x768xf32, #tpu.memory_space<vmem>>, vector<16xf32>,
      %mul3A_405 = arith.mulf %gather3A, %get3A_404 : vector<16xf32>
      %get3A_406 = arith.index_cast %scan3A_18 : i32 to index
      %get3A_407 = arith.constant 512 : index
      %get3A_408 = tpu.vector_load %arg13[%get3A_406, %get3A_407] {strides = array<i32>} : memref<64x768xf32, #tpu.memory_space<vmem>>, vector<16xf32>,
      %mul3A_409 = arith.mulf %gather3A_19, %get3A_408 : vector<16xf32>
      %add3A_410 = arith.addf %mul3A_405, %mul3A_409 : vector<16xf32>
      %swap3A_411 = arith.index_cast %scan3A_18 : i32 to index
      %swap3A_412 = arith.constant 512 : index
      %swap3A_413 = tpu.vector_load %arg12[%swap3A_411, %swap3A_412] {strides = array<i32>} : memref<64x768xf32, #tpu.memory_space<vmem>>, vector<16xf32>,
      tpu.vector_store %arg12[%swap3A_411, %swap3A_412], %add3A_410 {strides = array<i32>} : memref<64x768xf32, #tpu.memory_space<vmem>>, vector<16xf32>,
      %get3A_414 = arith.index_cast %scan3A_18 : i32 to index
      %get3A_415 = arith.constant 528 : index
      %get3A_416 = tpu.vector_load %arg12[%get3A_414, %get3A_415] {strides = array<i32>} : memref<64x768xf32, #tpu.memory_space<vmem>>, vector<16xf32>,
      %mul3A_417 = arith.mulf %gather3A, %get3A_416 : vector<16xf32>
      %get3A_418 = arith.index_cast %scan3A_18 : i32 to index
      %get3A_419 = arith.constant 528 : index
      %get3A_420 = tpu.vector_load %arg13[%get3A_418, %get3A_419] {strides = array<i32>} : memref<64x768xf32, #tpu.memory_space<vmem>>, vector<16xf32>,
      %mul3A_421 = arith.mulf %gather3A_19, %get3A_420 : vector<16xf32>
      %add3A_422 = arith.addf %mul3A_417, %mul3A_421 : vector<16xf32>
      %swap3A_423 = arith.index_cast %scan3A_18 : i32 to index
      %swap3A_424 = arith.constant 528 : index
      %swap3A_425 = tpu.vector_load %arg12[%swap3A_423, %swap3A_424] {strides = array<i32>} : memref<64x768xf32, #tpu.memory_space<vmem>>, vector<16xf32>,
      tpu.vector_store %arg12[%swap3A_423, %swap3A_424], %add3A_422 {strides = array<i32>} : memref<64x768xf32, #tpu.memory_space<vmem>>, vector<16xf32>,
      %get3A_426 = arith.index_cast %scan3A_18 : i32 to index
      %get3A_427 = arith.constant 544 : index
      %get3A_428 = tpu.vector_load %arg12[%get3A_426, %get3A_427] {strides = array<i32>} : memref<64x768xf32, #tpu.memory_space<vmem>>, vector<16xf32>,
      %mul3A_429 = arith.mulf %gather3A, %get3A_428 : vector<16xf32>
      %get3A_430 = arith.index_cast %scan3A_18 : i32 to index
      %get3A_431 = arith.constant 544 : index
      %get3A_432 = tpu.vector_load %arg13[%get3A_430, %get3A_431] {strides = array<i32>} : memref<64x768xf32, #tpu.memory_space<vmem>>, vector<16xf32>,
      %mul3A_433 = arith.mulf %gather3A_19, %get3A_432 : vector<16xf32>
      %add3A_434 = arith.addf %mul3A_429, %mul3A_433 : vector<16xf32>
      %swap3A_435 = arith.index_cast %scan3A_18 : i32 to index
      %swap3A_436 = arith.constant 544 : index
      %swap3A_437 = tpu.vector_load %arg12[%swap3A_435, %swap3A_436] {strides = array<i32>} : memref<64x768xf32, #tpu.memory_space<vmem>>, vector<16xf32>,
      tpu.vector_store %arg12[%swap3A_435, %swap3A_436], %add3A_434 {strides = array<i32>} : memref<64x768xf32, #tpu.memory_space<vmem>>, vector<16xf32>,
      %get3A_438 = arith.index_cast %scan3A_18 : i32 to index
      %get3A_439 = arith.constant 560 : index
      %get3A_440 = tpu.vector_load %arg12[%get3A_438, %get3A_439] {strides = array<i32>} : memref<64x768xf32, #tpu.memory_space<vmem>>, vector<16xf32>,
      %mul3A_441 = arith.mulf %gather3A, %get3A_440 : vector<16xf32>
      %get3A_442 = arith.index_cast %scan3A_18 : i32 to index
      %get3A_443 = arith.constant 560 : index
      %get3A_444 = tpu.vector_load %arg13[%get3A_442, %get3A_443] {strides = array<i32>} : memref<64x768xf32, #tpu.memory_space<vmem>>, vector<16xf32>,
      %mul3A_445 = arith.mulf %gather3A_19, %get3A_444 : vector<16xf32>
      %add3A_446 = arith.addf %mul3A_441, %mul3A_445 : vector<16xf32>
      %swap3A_447 = arith.index_cast %scan3A_18 : i32 to index
      %swap3A_448 = arith.constant 560 : index
      %swap3A_449 = tpu.vector_load %arg12[%swap3A_447, %swap3A_448] {strides = array<i32>} : memref<64x768xf32, #tpu.memory_space<vmem>>, vector<16xf32>,
      tpu.vector_store %arg12[%swap3A_447, %swap3A_448], %add3A_446 {strides = array<i32>} : memref<64x768xf32, #tpu.memory_space<vmem>>, vector<16xf32>,
      %get3A_450 = arith.index_cast %scan3A_18 : i32 to index
      %get3A_451 = arith.constant 576 : index
      %get3A_452 = tpu.vector_load %arg12[%get3A_450, %get3A_451] {strides = array<i32>} : memref<64x768xf32, #tpu.memory_space<vmem>>, vector<16xf32>,
      %mul3A_453 = arith.mulf %gather3A, %get3A_452 : vector<16xf32>
      %get3A_454 = arith.index_cast %scan3A_18 : i32 to index
      %get3A_455 = arith.constant 576 : index
      %get3A_456 = tpu.vector_load %arg13[%get3A_454, %get3A_455] {strides = array<i32>} : memref<64x768xf32, #tpu.memory_space<vmem>>, vector<16xf32>,
      %mul3A_457 = arith.mulf %gather3A_19, %get3A_456 : vector<16xf32>
      %add3A_458 = arith.addf %mul3A_453, %mul3A_457 : vector<16xf32>
      %swap3A_459 = arith.index_cast %scan3A_18 : i32 to index
      %swap3A_460 = arith.constant 576 : index
      %swap3A_461 = tpu.vector_load %arg12[%swap3A_459, %swap3A_460] {strides = array<i32>} : memref<64x768xf32, #tpu.memory_space<vmem>>, vector<16xf32>,
      tpu.vector_store %arg12[%swap3A_459, %swap3A_460], %add3A_458 {strides = array<i32>} : memref<64x768xf32, #tpu.memory_space<vmem>>, vector<16xf32>,
      %get3A_462 = arith.index_cast %scan3A_18 : i32 to index
      %get3A_463 = arith.constant 592 : index
      %get3A_464 = tpu.vector_load %arg12[%get3A_462, %get3A_463] {strides = array<i32>} : memref<64x768xf32, #tpu.memory_space<vmem>>, vector<16xf32>,
      %mul3A_465 = arith.mulf %gather3A, %get3A_464 : vector<16xf32>
      %get3A_466 = arith.index_cast %scan3A_18 : i32 to index
      %get3A_467 = arith.constant 592 : index
      %get3A_468 = tpu.vector_load %arg13[%get3A_466, %get3A_467] {strides = array<i32>} : memref<64x768xf32, #tpu.memory_space<vmem>>, vector<16xf32>,
      %mul3A_469 = arith.mulf %gather3A_19, %get3A_468 : vector<16xf32>
      %add3A_470 = arith.addf %mul3A_465, %mul3A_469 : vector<16xf32>
      %swap3A_471 = arith.index_cast %scan3A_18 : i32 to index
      %swap3A_472 = arith.constant 592 : index
      %swap3A_473 = tpu.vector_load %arg12[%swap3A_471, %swap3A_472] {strides = array<i32>} : memref<64x768xf32, #tpu.memory_space<vmem>>, vector<16xf32>,
      tpu.vector_store %arg12[%swap3A_471, %swap3A_472], %add3A_470 {strides = array<i32>} : memref<64x768xf32, #tpu.memory_space<vmem>>, vector<16xf32>,
      %get3A_474 = arith.index_cast %scan3A_18 : i32 to index
      %get3A_475 = arith.constant 608 : index
      %get3A_476 = tpu.vector_load %arg12[%get3A_474, %get3A_475] {strides = array<i32>} : memref<64x768xf32, #tpu.memory_space<vmem>>, vector<16xf32>,
      %mul3A_477 = arith.mulf %gather3A, %get3A_476 : vector<16xf32>
      %get3A_478 = arith.index_cast %scan3A_18 : i32 to index
      %get3A_479 = arith.constant 608 : index
      %get3A_480 = tpu.vector_load %arg13[%get3A_478, %get3A_479] {strides = array<i32>} : memref<64x768xf32, #tpu.memory_space<vmem>>, vector<16xf32>,
      %mul3A_481 = arith.mulf %gather3A_19, %get3A_480 : vector<16xf32>
      %add3A_482 = arith.addf %mul3A_477, %mul3A_481 : vector<16xf32>
      %swap3A_483 = arith.index_cast %scan3A_18 : i32 to index
      %swap3A_484 = arith.constant 608 : index
      %swap3A_485 = tpu.vector_load %arg12[%swap3A_483, %swap3A_484] {strides = array<i32>} : memref<64x768xf32, #tpu.memory_space<vmem>>, vector<16xf32>,
      tpu.vector_store %arg12[%swap3A_483, %swap3A_484], %add3A_482 {strides = array<i32>} : memref<64x768xf32, #tpu.memory_space<vmem>>, vector<16xf32>,
      %get3A_486 = arith.index_cast %scan3A_18 : i32 to index
      %get3A_487 = arith.constant 624 : index
      %get3A_488 = tpu.vector_load %arg12[%get3A_486, %get3A_487] {strides = array<i32>} : memref<64x768xf32, #tpu.memory_space<vmem>>, vector<16xf32>,
      %mul3A_489 = arith.mulf %gather3A, %get3A_488 : vector<16xf32>
      %get3A_490 = arith.index_cast %scan3A_18 : i32 to index
      %get3A_491 = arith.constant 624 : index
      %get3A_492 = tpu.vector_load %arg13[%get3A_490, %get3A_491] {strides = array<i32>} : memref<64x768xf32, #tpu.memory_space<vmem>>, vector<16xf32>,
      %mul3A_493 = arith.mulf %gather3A_19, %get3A_492 : vector<16xf32>
      %add3A_494 = arith.addf %mul3A_489, %mul3A_493 : vector<16xf32>
      %swap3A_495 = arith.index_cast %scan3A_18 : i32 to index
      %swap3A_496 = arith.constant 624 : index
      %swap3A_497 = tpu.vector_load %arg12[%swap3A_495, %swap3A_496] {strides = array<i32>} : memref<64x768xf32, #tpu.memory_space<vmem>>, vector<16xf32>,
      tpu.vector_store %arg12[%swap3A_495, %swap3A_496], %add3A_494 {strides = array<i32>} : memref<64x768xf32, #tpu.memory_space<vmem>>, vector<16xf32>,
      %get3A_498 = arith.index_cast %scan3A_18 : i32 to index
      %get3A_499 = arith.constant 640 : index
      %get3A_500 = tpu.vector_load %arg12[%get3A_498, %get3A_499] {strides = array<i32>} : memref<64x768xf32, #tpu.memory_space<vmem>>, vector<16xf32>,
      %mul3A_501 = arith.mulf %gather3A, %get3A_500 : vector<16xf32>
      %get3A_502 = arith.index_cast %scan3A_18 : i32 to index
      %get3A_503 = arith.constant 640 : index
      %get3A_504 = tpu.vector_load %arg13[%get3A_502, %get3A_503] {strides = array<i32>} : memref<64x768xf32, #tpu.memory_space<vmem>>, vector<16xf32>,
      %mul3A_505 = arith.mulf %gather3A_19, %get3A_504 : vector<16xf32>
      %add3A_506 = arith.addf %mul3A_501, %mul3A_505 : vector<16xf32>
      %swap3A_507 = arith.index_cast %scan3A_18 : i32 to index
      %swap3A_508 = arith.constant 640 : index
      %swap3A_509 = tpu.vector_load %arg12[%swap3A_507, %swap3A_508] {strides = array<i32>} : memref<64x768xf32, #tpu.memory_space<vmem>>, vector<16xf32>,
      tpu.vector_store %arg12[%swap3A_507, %swap3A_508], %add3A_506 {strides = array<i32>} : memref<64x768xf32, #tpu.memory_space<vmem>>, vector<16xf32>,
      %get3A_510 = arith.index_cast %scan3A_18 : i32 to index
      %get3A_511 = arith.constant 656 : index
      %get3A_512 = tpu.vector_load %arg12[%get3A_510, %get3A_511] {strides = array<i32>} : memref<64x768xf32, #tpu.memory_space<vmem>>, vector<16xf32>,
      %mul3A_513 = arith.mulf %gather3A, %get3A_512 : vector<16xf32>
      %get3A_514 = arith.index_cast %scan3A_18 : i32 to index
      %get3A_515 = arith.constant 656 : index
      %get3A_516 = tpu.vector_load %arg13[%get3A_514, %get3A_515] {strides = array<i32>} : memref<64x768xf32, #tpu.memory_space<vmem>>, vector<16xf32>,
      %mul3A_517 = arith.mulf %gather3A_19, %get3A_516 : vector<16xf32>
      %add3A_518 = arith.addf %mul3A_513, %mul3A_517 : vector<16xf32>
      %swap3A_519 = arith.index_cast %scan3A_18 : i32 to index
      %swap3A_520 = arith.constant 656 : index
      %swap3A_521 = tpu.vector_load %arg12[%swap3A_519, %swap3A_520] {strides = array<i32>} : memref<64x768xf32, #tpu.memory_space<vmem>>, vector<16xf32>,
      tpu.vector_store %arg12[%swap3A_519, %swap3A_520], %add3A_518 {strides = array<i32>} : memref<64x768xf32, #tpu.memory_space<vmem>>, vector<16xf32>,
      %get3A_522 = arith.index_cast %scan3A_18 : i32 to index
      %get3A_523 = arith.constant 672 : index
      %get3A_524 = tpu.vector_load %arg12[%get3A_522, %get3A_523] {strides = array<i32>} : memref<64x768xf32, #tpu.memory_space<vmem>>, vector<16xf32>,
      %mul3A_525 = arith.mulf %gather3A, %get3A_524 : vector<16xf32>
      %get3A_526 = arith.index_cast %scan3A_18 : i32 to index
      %get3A_527 = arith.constant 672 : index
      %get3A_528 = tpu.vector_load %arg13[%get3A_526, %get3A_527] {strides = array<i32>} : memref<64x768xf32, #tpu.memory_space<vmem>>, vector<16xf32>,
      %mul3A_529 = arith.mulf %gather3A_19, %get3A_528 : vector<16xf32>
      %add3A_530 = arith.addf %mul3A_525, %mul3A_529 : vector<16xf32>
      %swap3A_531 = arith.index_cast %scan3A_18 : i32 to index
      %swap3A_532 = arith.constant 672 : index
      %swap3A_533 = tpu.vector_load %arg12[%swap3A_531, %swap3A_532] {strides = array<i32>} : memref<64x768xf32, #tpu.memory_space<vmem>>, vector<16xf32>,
      tpu.vector_store %arg12[%swap3A_531, %swap3A_532], %add3A_530 {strides = array<i32>} : memref<64x768xf32, #tpu.memory_space<vmem>>, vector<16xf32>,
      %get3A_534 = arith.index_cast %scan3A_18 : i32 to index
      %get3A_535 = arith.constant 688 : index
      %get3A_536 = tpu.vector_load %arg12[%get3A_534, %get3A_535] {strides = array<i32>} : memref<64x768xf32, #tpu.memory_space<vmem>>, vector<16xf32>,
      %mul3A_537 = arith.mulf %gather3A, %get3A_536 : vector<16xf32>
      %get3A_538 = arith.index_cast %scan3A_18 : i32 to index
      %get3A_539 = arith.constant 688 : index
      %get3A_540 = tpu.vector_load %arg13[%get3A_538, %get3A_539] {strides = array<i32>} : memref<64x768xf32, #tpu.memory_space<vmem>>, vector<16xf32>,
      %mul3A_541 = arith.mulf %gather3A_19, %get3A_540 : vector<16xf32>
      %add3A_542 = arith.addf %mul3A_537, %mul3A_541 : vector<16xf32>
      %swap3A_543 = arith.index_cast %scan3A_18 : i32 to index
      %swap3A_544 = arith.constant 688 : index
      %swap3A_545 = tpu.vector_load %arg12[%swap3A_543, %swap3A_544] {strides = array<i32>} : memref<64x768xf32, #tpu.memory_space<vmem>>, vector<16xf32>,
      tpu.vector_store %arg12[%swap3A_543, %swap3A_544], %add3A_542 {strides = array<i32>} : memref<64x768xf32, #tpu.memory_space<vmem>>, vector<16xf32>,
      %get3A_546 = arith.index_cast %scan3A_18 : i32 to index
      %get3A_547 = arith.constant 704 : index
      %get3A_548 = tpu.vector_load %arg12[%get3A_546, %get3A_547] {strides = array<i32>} : memref<64x768xf32, #tpu.memory_space<vmem>>, vector<16xf32>,
      %mul3A_549 = arith.mulf %gather3A, %get3A_548 : vector<16xf32>
      %get3A_550 = arith.index_cast %scan3A_18 : i32 to index
      %get3A_551 = arith.constant 704 : index
      %get3A_552 = tpu.vector_load %arg13[%get3A_550, %get3A_551] {strides = array<i32>} : memref<64x768xf32, #tpu.memory_space<vmem>>, vector<16xf32>,
      %mul3A_553 = arith.mulf %gather3A_19, %get3A_552 : vector<16xf32>
      %add3A_554 = arith.addf %mul3A_549, %mul3A_553 : vector<16xf32>
      %swap3A_555 = arith.index_cast %scan3A_18 : i32 to index
      %swap3A_556 = arith.constant 704 : index
      %swap3A_557 = tpu.vector_load %arg12[%swap3A_555, %swap3A_556] {strides = array<i32>} : memref<64x768xf32, #tpu.memory_space<vmem>>, vector<16xf32>,
      tpu.vector_store %arg12[%swap3A_555, %swap3A_556], %add3A_554 {strides = array<i32>} : memref<64x768xf32, #tpu.memory_space<vmem>>, vector<16xf32>,
      %get3A_558 = arith.index_cast %scan3A_18 : i32 to index
      %get3A_559 = arith.constant 720 : index
      %get3A_560 = tpu.vector_load %arg12[%get3A_558, %get3A_559] {strides = array<i32>} : memref<64x768xf32, #tpu.memory_space<vmem>>, vector<16xf32>,
      %mul3A_561 = arith.mulf %gather3A, %get3A_560 : vector<16xf32>
      %get3A_562 = arith.index_cast %scan3A_18 : i32 to index
      %get3A_563 = arith.constant 720 : index
      %get3A_564 = tpu.vector_load %arg13[%get3A_562, %get3A_563] {strides = array<i32>} : memref<64x768xf32, #tpu.memory_space<vmem>>, vector<16xf32>,
      %mul3A_565 = arith.mulf %gather3A_19, %get3A_564 : vector<16xf32>
      %add3A_566 = arith.addf %mul3A_561, %mul3A_565 : vector<16xf32>
      %swap3A_567 = arith.index_cast %scan3A_18 : i32 to index
      %swap3A_568 = arith.constant 720 : index
      %swap3A_569 = tpu.vector_load %arg12[%swap3A_567, %swap3A_568] {strides = array<i32>} : memref<64x768xf32, #tpu.memory_space<vmem>>, vector<16xf32>,
      tpu.vector_store %arg12[%swap3A_567, %swap3A_568], %add3A_566 {strides = array<i32>} : memref<64x768xf32, #tpu.memory_space<vmem>>, vector<16xf32>,
      %get3A_570 = arith.index_cast %scan3A_18 : i32 to index
      %get3A_571 = arith.constant 736 : index
      %get3A_572 = tpu.vector_load %arg12[%get3A_570, %get3A_571] {strides = array<i32>} : memref<64x768xf32, #tpu.memory_space<vmem>>, vector<16xf32>,
      %mul3A_573 = arith.mulf %gather3A, %get3A_572 : vector<16xf32>
      %get3A_574 = arith.index_cast %scan3A_18 : i32 to index
      %get3A_575 = arith.constant 736 : index
      %get3A_576 = tpu.vector_load %arg13[%get3A_574, %get3A_575] {strides = array<i32>} : memref<64x768xf32, #tpu.memory_space<vmem>>, vector<16xf32>,
      %mul3A_577 = arith.mulf %gather3A_19, %get3A_576 : vector<16xf32>
      %add3A_578 = arith.addf %mul3A_573, %mul3A_577 : vector<16xf32>
      %swap3A_579 = arith.index_cast %scan3A_18 : i32 to index
      %swap3A_580 = arith.constant 736 : index
      %swap3A_581 = tpu.vector_load %arg12[%swap3A_579, %swap3A_580] {strides = array<i32>} : memref<64x768xf32, #tpu.memory_space<vmem>>, vector<16xf32>,
      tpu.vector_store %arg12[%swap3A_579, %swap3A_580], %add3A_578 {strides = array<i32>} : memref<64x768xf32, #tpu.memory_space<vmem>>, vector<16xf32>,
      %get3A_582 = arith.index_cast %scan3A_18 : i32 to index
      %get3A_583 = arith.constant 752 : index
      %get3A_584 = tpu.vector_load %arg12[%get3A_582, %get3A_583] {strides = array<i32>} : memref<64x768xf32, #tpu.memory_space<vmem>>, vector<16xf32>,
      %mul3A_585 = arith.mulf %gather3A, %get3A_584 : vector<16xf32>
      %get3A_586 = arith.index_cast %scan3A_18 : i32 to index
      %get3A_587 = arith.constant 752 : index
      %get3A_588 = tpu.vector_load %arg13[%get3A_586, %get3A_587] {strides = array<i32>} : memref<64x768xf32, #tpu.memory_space<vmem>>, vector<16xf32>,
      %mul3A_589 = arith.mulf %gather3A_19, %get3A_588 : vector<16xf32>
      %add3A_590 = arith.addf %mul3A_585, %mul3A_589 : vector<16xf32>
      %swap3A_591 = arith.index_cast %scan3A_18 : i32 to index
      %swap3A_592 = arith.constant 752 : index
      %swap3A_593 = tpu.vector_load %arg12[%swap3A_591, %swap3A_592] {strides = array<i32>} : memref<64x768xf32, #tpu.memory_space<vmem>>, vector<16xf32>,
      tpu.vector_store %arg12[%swap3A_591, %swap3A_592], %add3A_590 {strides = array<i32>} : memref<64x768xf32, #tpu.memory_space<vmem>>, vector<16xf32>,
    }
    %scan3A_17 = arith.constant 64 : i32
    "tpu.region"() ({
      %run_scoped3A = tpu.sem_alloc : memref<!tpu.dma_semaphore, #tpu.memory_space<semaphore_mem>>
      %dma_start3A_18 = arith.constant 0 : i32
      %dma_start3A_19 = tpu.memref_slice %arg7[%mul3A_2, %dma_start3A_18] : memref<2048x768xf32, #tpu.memory_space<hbm>> -> memref<64x768xf32, #tpu.memory_space<hbm>>
      %dma_start3A_20 = arith.constant 0 : i32
      %dma_start3A_21 = tpu.memref_slice %arg7[%mul3A_2, %dma_start3A_20] : memref<2048x768xf32, #tpu.memory_space<hbm>> -> memref<64x768xf32, #tpu.memory_space<hbm>>
      tpu.enqueue_dma source(%arg12 : memref<64x768xf32, #tpu.memory_space<vmem>>) target(%dma_start3A_21 : memref<64x768xf32, #tpu.memory_space<hbm>>) target_semaphore(%run_scoped3A : memref<!tpu.dma_semaphore, #tpu.memory_space<semaphore_mem>>)
      %dma_wait3A_22 = arith.constant 0 : i32
      %dma_wait3A_23 = tpu.memref_slice %arg7[%mul3A_2, %dma_wait3A_22] : memref<2048x768xf32, #tpu.memory_space<hbm>> -> memref<64x768xf32, #tpu.memory_space<hbm>>
      %dma_wait3A_24 = arith.constant 0 : i32
      %dma_wait3A_25 = tpu.memref_slice %arg7[%mul3A_2, %dma_wait3A_24] : memref<2048x768xf32, #tpu.memory_space<hbm>> -> memref<64x768xf32, #tpu.memory_space<hbm>>
      tpu.wait_dma2 semaphore(%run_scoped3A : memref<!tpu.dma_semaphore, #tpu.memory_space<semaphore_mem>>) src(%arg12 : memref<64x768xf32, #tpu.memory_space<vmem>>) dst(%dma_wait3A_25 : memref<64x768xf32, #tpu.memory_space<hbm>>)
      tpu.yield
    }) : () -> ()
    return
  }
}

module attributes {stable_mosaic.version = 14 : i64} {
  func.func @_route_plan_body(%arg0: memref<2048x768xf32, #tpu.memory_space<vmem>>, %arg1: memref<768x64xf32, #tpu.memory_space<vmem>>, %arg2: memref<1x64xf32, #tpu.memory_space<vmem>>, %arg3: memref<2048x1xf32, #tpu.memory_space<vmem>>, %arg4: memref<2048x1xf32, #tpu.memory_space<vmem>>, %arg5: memref<2048x1xi32, #tpu.memory_space<vmem>>, %arg6: memref<2048x1xi32, #tpu.memory_space<vmem>>, %arg7: memref<96x1xi32, #tpu.memory_space<vmem>>, %arg8: memref<1x1xi32, #tpu.memory_space<vmem>>) attributes {dimension_semantics = [], scalar_prefetch = 0 : i64, scratch_operands = 0 : i64, tpu.core_type = #tpu.core_type<tc>} {
    %get3A = arith.constant 0 : index
    %get3A_0 = arith.constant 0 : index
    %get3A_1 = vector.load %arg0[%get3A, %get3A_0] : memref<2048x768xf32, #tpu.memory_space<vmem>>, vector<2048x768xf32>
    %get3A_2 = arith.constant 0 : index
    %get3A_3 = arith.constant 0 : index
    %get3A_4 = vector.load %arg1[%get3A_2, %get3A_3] : memref<768x64xf32, #tpu.memory_space<vmem>>, vector<768x64xf32>
    %dot_general3A = arith.constant dense<0.000000e+00> : vector<2048x64xf32>
    %dot_general3A_5 = tpu.matmul %get3A_1, %get3A_4, %dot_general3A {dimension_numbers = #tpu.dot_dimension_numbers<[1], [0], [0], [1], [0, 0, 1, 1], [], []>, transpose_lhs_hint = false} : vector<2048x768xf32>, vector<768x64xf32>, vector<2048x64xf32> -> vector<2048x64xf32>
    %get3A_6 = arith.constant 0 : index
    %get3A_7 = arith.constant 0 : index
    %get3A_8 = vector.load %arg2[%get3A_6, %get3A_7] : memref<1x64xf32, #tpu.memory_space<vmem>>, vector<1x64xf32>
    %add3A = vector.broadcast %get3A_8 : vector<1x64xf32> to vector<2048x64xf32>
    %add3A_9 = arith.addf %dot_general3A_5, %add3A : vector<2048x64xf32>
    %iota3A = tpu.iota {dimensions = array<i32: 1>} : vector<2048x64xi32>
    %reduce_max3A = arith.constant dense<0xFF800000> : vector<2048xf32>
    %reduce_max3A_10 = vector.multi_reduction <maximumf>, %add3A_9, %reduce_max3A [1] : vector<2048x64xf32> to vector<2048xf32>
    %broadcast_in_dim3A = vector.shape_cast %reduce_max3A_10 : vector<2048xf32> to vector<2048x1xf32>
    %eq3A = vector.broadcast %broadcast_in_dim3A : vector<2048x1xf32> to vector<2048x64xf32>
    %eq3A_11 = arith.cmpf oeq, %add3A_9, %eq3A : vector<2048x64xf32>
    %jit3A = arith.constant 64 : i32
    %broadcast_in_dim3A_12 = vector.broadcast %jit3A : i32 to vector<2048x64xi32>
    %select_n3A = arith.select %eq3A_11, %iota3A, %broadcast_in_dim3A_12 : vector<2048x64xi1>, vector<2048x64xi32>
    %reduce_min3A = arith.constant dense<2147483647> : vector<2048xi32>
    %reduce_min3A_13 = vector.multi_reduction <minsi>, %select_n3A, %reduce_min3A [1] : vector<2048x64xi32> to vector<2048xi32>
    %broadcast_in_dim3A_14 = vector.shape_cast %reduce_min3A_13 : vector<2048xi32> to vector<2048x1xi32>
    %eq3A_15 = vector.broadcast %broadcast_in_dim3A_14 : vector<2048x1xi32> to vector<2048x64xi32>
    %eq3A_16 = arith.cmpi eq, %iota3A, %eq3A_15 : vector<2048x64xi32>
    %jit3A_17 = arith.constant 0xFF800000 : f32
    %broadcast_in_dim3A_18 = vector.broadcast %jit3A_17 : f32 to vector<2048x64xf32>
    %select_n3A_19 = arith.select %eq3A_16, %broadcast_in_dim3A_18, %add3A_9 : vector<2048x64xi1>, vector<2048x64xf32>
    %reduce_max3A_20 = arith.constant dense<0xFF800000> : vector<2048xf32>
    %reduce_max3A_21 = vector.multi_reduction <maximumf>, %select_n3A_19, %reduce_max3A_20 [1] : vector<2048x64xf32> to vector<2048xf32>
    %broadcast_in_dim3A_22 = vector.shape_cast %reduce_max3A_21 : vector<2048xf32> to vector<2048x1xf32>
    %eq3A_23 = vector.broadcast %broadcast_in_dim3A_22 : vector<2048x1xf32> to vector<2048x64xf32>
    %eq3A_24 = arith.cmpf oeq, %select_n3A_19, %eq3A_23 : vector<2048x64xf32>
    %jit3A_25 = arith.constant 64 : i32
    %broadcast_in_dim3A_26 = vector.broadcast %jit3A_25 : i32 to vector<2048x64xi32>
    %select_n3A_27 = arith.select %eq3A_24, %iota3A, %broadcast_in_dim3A_26 : vector<2048x64xi1>, vector<2048x64xi32>
    %reduce_min3A_28 = arith.constant dense<2147483647> : vector<2048xi32>
    %reduce_min3A_29 = vector.multi_reduction <minsi>, %select_n3A_27, %reduce_min3A_28 [1] : vector<2048x64xi32> to vector<2048xi32>
    %broadcast_in_dim3A_30 = vector.shape_cast %reduce_min3A_29 : vector<2048xi32> to vector<2048x1xi32>
    %sub3A = arith.subf %broadcast_in_dim3A_22, %broadcast_in_dim3A : vector<2048x1xf32>
    %exp3A = math.exp %sub3A : vector<2048x1xf32>
    %add3A_31 = arith.constant 1.000000e+00 : f32
    %add3A_32 = vector.broadcast %add3A_31 : f32 to vector<2048x1xf32>
    %add3A_33 = arith.addf %add3A_32, %exp3A : vector<2048x1xf32>
    %div3A = arith.constant 1.000000e+00 : f32
    %div3A_34 = vector.broadcast %div3A : f32 to vector<2048x1xf32>
    %div3A_35 = arith.divf %div3A_34, %add3A_33 : vector<2048x1xf32>
    %swap3A = arith.constant 0 : index
    %swap3A_36 = arith.constant 0 : index
    %swap3A_37 = vector.load %arg3[%swap3A, %swap3A_36] : memref<2048x1xf32, #tpu.memory_space<vmem>>, vector<2048x1xf32>
    tpu.vector_store %arg3[%swap3A, %swap3A_36], %div3A_35 {strides = array<i32>} : memref<2048x1xf32, #tpu.memory_space<vmem>>, vector<2048x1xf32>,
    %div3A_38 = arith.divf %exp3A, %add3A_33 : vector<2048x1xf32>
    %swap3A_39 = arith.constant 0 : index
    %swap3A_40 = arith.constant 0 : index
    %swap3A_41 = vector.load %arg4[%swap3A_39, %swap3A_40] : memref<2048x1xf32, #tpu.memory_space<vmem>>, vector<2048x1xf32>
    tpu.vector_store %arg4[%swap3A_39, %swap3A_40], %div3A_38 {strides = array<i32>} : memref<2048x1xf32, #tpu.memory_space<vmem>>, vector<2048x1xf32>,
    %eq3A_42 = vector.broadcast %broadcast_in_dim3A_14 : vector<2048x1xi32> to vector<2048x64xi32>
    %eq3A_43 = arith.cmpi eq, %iota3A, %eq3A_42 : vector<2048x64xi32>
    %convert_element_type3A = arith.extui %eq3A_43 : vector<2048x64xi1> to vector<2048x64xi32>
    %convert_element_type3A_44 = arith.sitofp %convert_element_type3A : vector<2048x64xi32> to vector<2048x64xf32>
    %eq3A_45 = vector.broadcast %broadcast_in_dim3A_30 : vector<2048x1xi32> to vector<2048x64xi32>
    %eq3A_46 = arith.cmpi eq, %iota3A, %eq3A_45 : vector<2048x64xi32>
    %convert_element_type3A_47 = arith.extui %eq3A_46 : vector<2048x64xi1> to vector<2048x64xi32>
    %convert_element_type3A_48 = arith.sitofp %convert_element_type3A_47 : vector<2048x64xi32> to vector<2048x64xf32>
    %add3A_49 = arith.addf %convert_element_type3A_44, %convert_element_type3A_48 : vector<2048x64xf32>
    %reduce_sum3A = arith.constant dense<0.000000e+00> : vector<64xf32>
    %reduce_sum3A_50 = vector.multi_reduction <add>, %add3A_49, %reduce_sum3A [0] : vector<2048x64xf32> to vector<64xf32>
    %broadcast_in_dim3A_51 = vector.shape_cast %reduce_sum3A_50 : vector<64xf32> to vector<1x64xf32>
    %add3A_52 = arith.constant 1.270000e+02 : f32
    %add3A_53 = vector.broadcast %add3A_52 : f32 to vector<1x64xf32>
    %add3A_54 = arith.addf %broadcast_in_dim3A_51, %add3A_53 : vector<1x64xf32>
    %mul3A = arith.constant 7.812500e-03 : f32
    %mul3A_55 = vector.broadcast %mul3A : f32 to vector<1x64xf32>
    %mul3A_56 = arith.mulf %add3A_54, %mul3A_55 : vector<1x64xf32>
    %floor3A = math.floor %mul3A_56 : vector<1x64xf32>
    %iota3A_57 = tpu.iota {dimensions = array<i32: 0>} : vector<64x64xi32>
    %iota3A_58 = tpu.iota {dimensions = array<i32: 1>} : vector<64x64xi32>
    %le3A = arith.cmpi sle, %iota3A_57, %iota3A_58 : vector<64x64xi32>
    %convert_element_type3A_59 = arith.extui %le3A : vector<64x64xi1> to vector<64x64xi32>
    %convert_element_type3A_60 = arith.sitofp %convert_element_type3A_59 : vector<64x64xi32> to vector<64x64xf32>
    %dot_general3A_61 = arith.constant dense<0.000000e+00> : vector<1x64xf32>
    %dot_general3A_62 = tpu.matmul %floor3A, %convert_element_type3A_60, %dot_general3A_61 {dimension_numbers = #tpu.dot_dimension_numbers<[1], [0], [0], [1], [0, 0, 1, 1], [], []>, transpose_lhs_hint = false} : vector<1x64xf32>, vector<64x64xf32>, vector<1x64xf32> -> vector<1x64xf32>
    %sub3A_63 = arith.subf %dot_general3A_62, %floor3A : vector<1x64xf32>
    %mul3A_64 = arith.constant 1.280000e+02 : f32
    %mul3A_65 = vector.broadcast %mul3A_64 : f32 to vector<1x64xf32>
    %mul3A_66 = arith.mulf %sub3A_63, %mul3A_65 : vector<1x64xf32>
    %reduce_max3A_67 = arith.constant dense<0xFF800000> : vector<1xf32>
    %reduce_max3A_68 = vector.multi_reduction <maximumf>, %dot_general3A_62, %reduce_max3A_67 [1] : vector<1x64xf32> to vector<1xf32>
    %broadcast_in_dim3A_69 = vector.shape_cast %reduce_max3A_68 : vector<1xf32> to vector<1x1xf32>
    %iota3A_70 = tpu.iota {dimensions = array<i32: 0>} : vector<96x64xi32>
    %convert_element_type3A_71 = arith.sitofp %iota3A_70 : vector<96x64xi32> to vector<96x64xf32>
    %sub3A_72 = arith.constant 1.000000e+00 : f32
    %sub3A_73 = vector.broadcast %sub3A_72 : f32 to vector<1x1xf32>
    %sub3A_74 = arith.subf %broadcast_in_dim3A_69, %sub3A_73 : vector<1x1xf32>
    %min3A = vector.broadcast %sub3A_74 : vector<1x1xf32> to vector<96x64xf32>
    %min3A_75 = arith.minimumf %convert_element_type3A_71, %min3A : vector<96x64xf32>
    %le3A_76 = vector.broadcast %dot_general3A_62 : vector<1x64xf32> to vector<96x64xf32>
    %le3A_77 = arith.cmpf ole, %le3A_76, %min3A_75 : vector<96x64xf32>
    %jit3A_78 = arith.constant 1.000000e+00 : f32
    %jit3A_79 = arith.constant 0.000000e+00 : f32
    %broadcast_in_dim3A_80 = vector.broadcast %jit3A_78 : f32 to vector<96x64xf32>
    %broadcast_in_dim3A_81 = vector.broadcast %jit3A_79 : f32 to vector<96x64xf32>
    %select_n3A_82 = arith.select %le3A_77, %broadcast_in_dim3A_80, %broadcast_in_dim3A_81 : vector<96x64xi1>, vector<96x64xf32>
    %reduce_sum3A_83 = arith.constant dense<0.000000e+00> : vector<96xf32>
    %reduce_sum3A_84 = vector.multi_reduction <add>, %select_n3A_82, %reduce_sum3A_83 [1] : vector<96x64xf32> to vector<96xf32>
    %broadcast_in_dim3A_85 = vector.shape_cast %reduce_sum3A_84 : vector<96xf32> to vector<96x1xf32>
    %convert_element_type3A_86 = arith.fptosi %broadcast_in_dim3A_85 : vector<96x1xf32> to vector<96x1xi32>
    %swap3A_87 = arith.constant 0 : index
    %swap3A_88 = arith.constant 0 : index
    %swap3A_89 = vector.load %arg7[%swap3A_87, %swap3A_88] : memref<96x1xi32, #tpu.memory_space<vmem>>, vector<96x1xi32>
    tpu.vector_store %arg7[%swap3A_87, %swap3A_88], %convert_element_type3A_86 {strides = array<i32>} : memref<96x1xi32, #tpu.memory_space<vmem>>, vector<96x1xi32>,
    %convert_element_type3A_90 = arith.fptosi %broadcast_in_dim3A_69 : vector<1x1xf32> to vector<1x1xi32>
    %swap3A_91 = arith.constant 0 : index
    %swap3A_92 = arith.constant 0 : index
    %swap3A_93 = vector.load %arg8[%swap3A_91, %swap3A_92] : memref<1x1xi32, #tpu.memory_space<vmem>>, vector<1x1xi32>
    tpu.vector_store %arg8[%swap3A_91, %swap3A_92], %convert_element_type3A_90 {strides = array<i32>} : memref<1x1xi32, #tpu.memory_space<vmem>>, vector<1x1xi32>,
    %iota3A_94 = tpu.iota {dimensions = array<i32: 0>} : vector<128x128xi32>
    %iota3A_95 = tpu.iota {dimensions = array<i32: 1>} : vector<128x128xi32>
    %lt3A = arith.cmpi slt, %iota3A_95, %iota3A_94 : vector<128x128xi32>
    %convert_element_type3A_96 = arith.extui %lt3A : vector<128x128xi1> to vector<128x128xi32>
    %convert_element_type3A_97 = arith.sitofp %convert_element_type3A_96 : vector<128x128xi32> to vector<128x128xf32>
    %broadcast_in_dim3A_98 = arith.constant 0.000000e+00 : f32
    %broadcast_in_dim3A_99 = vector.broadcast %broadcast_in_dim3A_98 : f32 to vector<1x64xf32>
    %slice3A = vector.extract_strided_slice %convert_element_type3A_44 {offsets = [0, 0], sizes = [128, 64], strides = [1, 1]} : vector<2048x64xf32> to vector<128x64xf32>
    %slice3A_100 = vector.extract_strided_slice %convert_element_type3A_48 {offsets = [0, 0], sizes = [128, 64], strides = [1, 1]} : vector<2048x64xf32> to vector<128x64xf32>
    %dot_general3A_101 = arith.constant dense<0.000000e+00> : vector<128x64xf32>
    %dot_general3A_102 = tpu.matmul %convert_element_type3A_97, %slice3A, %dot_general3A_101 {dimension_numbers = #tpu.dot_dimension_numbers<[1], [0], [0], [1], [0, 0, 1, 1], [], []>, transpose_lhs_hint = false} : vector<128x128xf32>, vector<128x64xf32>, vector<128x64xf32> -> vector<128x64xf32>
    %add3A_103 = vector.broadcast %broadcast_in_dim3A_99 : vector<1x64xf32> to vector<128x64xf32>
    %add3A_104 = arith.addf %dot_general3A_102, %add3A_103 : vector<128x64xf32>
    %reduce_sum3A_105 = arith.constant dense<0.000000e+00> : vector<64xf32>
    %reduce_sum3A_106 = vector.multi_reduction <add>, %slice3A, %reduce_sum3A_105 [0] : vector<128x64xf32> to vector<64xf32>
    %broadcast_in_dim3A_107 = vector.shape_cast %reduce_sum3A_106 : vector<64xf32> to vector<1x64xf32>
    %add3A_108 = arith.addf %broadcast_in_dim3A_99, %broadcast_in_dim3A_107 : vector<1x64xf32>
    %dot_general3A_109 = arith.constant dense<0.000000e+00> : vector<128x64xf32>
    %dot_general3A_110 = tpu.matmul %convert_element_type3A_97, %slice3A_100, %dot_general3A_109 {dimension_numbers = #tpu.dot_dimension_numbers<[1], [0], [0], [1], [0, 0, 1, 1], [], []>, transpose_lhs_hint = false} : vector<128x128xf32>, vector<128x64xf32>, vector<128x64xf32> -> vector<128x64xf32>
    %add3A_111 = vector.broadcast %add3A_108 : vector<1x64xf32> to vector<128x64xf32>
    %add3A_112 = arith.addf %dot_general3A_110, %add3A_111 : vector<128x64xf32>
    %reduce_sum3A_113 = arith.constant dense<0.000000e+00> : vector<64xf32>
    %reduce_sum3A_114 = vector.multi_reduction <add>, %slice3A_100, %reduce_sum3A_113 [0] : vector<128x64xf32> to vector<64xf32>
    %broadcast_in_dim3A_115 = vector.shape_cast %reduce_sum3A_114 : vector<64xf32> to vector<1x64xf32>
    %add3A_116 = arith.addf %add3A_108, %broadcast_in_dim3A_115 : vector<1x64xf32>
    %add3A_117 = vector.broadcast %mul3A_66 : vector<1x64xf32> to vector<128x64xf32>
    %add3A_118 = arith.addf %add3A_104, %add3A_117 : vector<128x64xf32>
    %mul3A_119 = arith.mulf %add3A_118, %slice3A : vector<128x64xf32>
    %reduce_sum3A_120 = arith.constant dense<0.000000e+00> : vector<128xf32>
    %reduce_sum3A_121 = vector.multi_reduction <add>, %mul3A_119, %reduce_sum3A_120 [1] : vector<128x64xf32> to vector<128xf32>
    %broadcast_in_dim3A_122 = vector.shape_cast %reduce_sum3A_121 : vector<128xf32> to vector<128x1xf32>
    %add3A_123 = vector.broadcast %mul3A_66 : vector<1x64xf32> to vector<128x64xf32>
    %add3A_124 = arith.addf %add3A_112, %add3A_123 : vector<128x64xf32>
    %mul3A_125 = arith.mulf %add3A_124, %slice3A_100 : vector<128x64xf32>
    %reduce_sum3A_126 = arith.constant dense<0.000000e+00> : vector<128xf32>
    %reduce_sum3A_127 = vector.multi_reduction <add>, %mul3A_125, %reduce_sum3A_126 [1] : vector<128x64xf32> to vector<128xf32>
    %broadcast_in_dim3A_128 = vector.shape_cast %reduce_sum3A_127 : vector<128xf32> to vector<128x1xf32>
    %convert_element_type3A_129 = arith.fptosi %broadcast_in_dim3A_122 : vector<128x1xf32> to vector<128x1xi32>
    %swap3A_130 = arith.constant 0 : index
    %swap3A_131 = arith.constant 0 : index
    %swap3A_132 = vector.load %arg5[%swap3A_130, %swap3A_131] : memref<2048x1xi32, #tpu.memory_space<vmem>>, vector<128x1xi32>
    tpu.vector_store %arg5[%swap3A_130, %swap3A_131], %convert_element_type3A_129 {strides = array<i32>} : memref<2048x1xi32, #tpu.memory_space<vmem>>, vector<128x1xi32>,
    %convert_element_type3A_133 = arith.fptosi %broadcast_in_dim3A_128 : vector<128x1xf32> to vector<128x1xi32>
    %swap3A_134 = arith.constant 0 : index
    %swap3A_135 = arith.constant 0 : index
    %swap3A_136 = vector.load %arg6[%swap3A_134, %swap3A_135] : memref<2048x1xi32, #tpu.memory_space<vmem>>, vector<128x1xi32>
    tpu.vector_store %arg6[%swap3A_134, %swap3A_135], %convert_element_type3A_133 {strides = array<i32>} : memref<2048x1xi32, #tpu.memory_space<vmem>>, vector<128x1xi32>,
    %slice3A_137 = vector.extract_strided_slice %convert_element_type3A_44 {offsets = [128, 0], sizes = [128, 64], strides = [1, 1]} : vector<2048x64xf32> to vector<128x64xf32>
    %slice3A_138 = vector.extract_strided_slice %convert_element_type3A_48 {offsets = [128, 0], sizes = [128, 64], strides = [1, 1]} : vector<2048x64xf32> to vector<128x64xf32>
    %dot_general3A_139 = arith.constant dense<0.000000e+00> : vector<128x64xf32>
    %dot_general3A_140 = tpu.matmul %convert_element_type3A_97, %slice3A_137, %dot_general3A_139 {dimension_numbers = #tpu.dot_dimension_numbers<[1], [0], [0], [1], [0, 0, 1, 1], [], []>, transpose_lhs_hint = false} : vector<128x128xf32>, vector<128x64xf32>, vector<128x64xf32> -> vector<128x64xf32>
    %add3A_141 = vector.broadcast %add3A_116 : vector<1x64xf32> to vector<128x64xf32>
    %add3A_142 = arith.addf %dot_general3A_140, %add3A_141 : vector<128x64xf32>
    %reduce_sum3A_143 = arith.constant dense<0.000000e+00> : vector<64xf32>
    %reduce_sum3A_144 = vector.multi_reduction <add>, %slice3A_137, %reduce_sum3A_143 [0] : vector<128x64xf32> to vector<64xf32>
    %broadcast_in_dim3A_145 = vector.shape_cast %reduce_sum3A_144 : vector<64xf32> to vector<1x64xf32>
    %add3A_146 = arith.addf %add3A_116, %broadcast_in_dim3A_145 : vector<1x64xf32>
    %dot_general3A_147 = arith.constant dense<0.000000e+00> : vector<128x64xf32>
    %dot_general3A_148 = tpu.matmul %convert_element_type3A_97, %slice3A_138, %dot_general3A_147 {dimension_numbers = #tpu.dot_dimension_numbers<[1], [0], [0], [1], [0, 0, 1, 1], [], []>, transpose_lhs_hint = false} : vector<128x128xf32>, vector<128x64xf32>, vector<128x64xf32> -> vector<128x64xf32>
    %add3A_149 = vector.broadcast %add3A_146 : vector<1x64xf32> to vector<128x64xf32>
    %add3A_150 = arith.addf %dot_general3A_148, %add3A_149 : vector<128x64xf32>
    %reduce_sum3A_151 = arith.constant dense<0.000000e+00> : vector<64xf32>
    %reduce_sum3A_152 = vector.multi_reduction <add>, %slice3A_138, %reduce_sum3A_151 [0] : vector<128x64xf32> to vector<64xf32>
    %broadcast_in_dim3A_153 = vector.shape_cast %reduce_sum3A_152 : vector<64xf32> to vector<1x64xf32>
    %add3A_154 = arith.addf %add3A_146, %broadcast_in_dim3A_153 : vector<1x64xf32>
    %add3A_155 = vector.broadcast %mul3A_66 : vector<1x64xf32> to vector<128x64xf32>
    %add3A_156 = arith.addf %add3A_142, %add3A_155 : vector<128x64xf32>
    %mul3A_157 = arith.mulf %add3A_156, %slice3A_137 : vector<128x64xf32>
    %reduce_sum3A_158 = arith.constant dense<0.000000e+00> : vector<128xf32>
    %reduce_sum3A_159 = vector.multi_reduction <add>, %mul3A_157, %reduce_sum3A_158 [1] : vector<128x64xf32> to vector<128xf32>
    %broadcast_in_dim3A_160 = vector.shape_cast %reduce_sum3A_159 : vector<128xf32> to vector<128x1xf32>
    %add3A_161 = vector.broadcast %mul3A_66 : vector<1x64xf32> to vector<128x64xf32>
    %add3A_162 = arith.addf %add3A_150, %add3A_161 : vector<128x64xf32>
    %mul3A_163 = arith.mulf %add3A_162, %slice3A_138 : vector<128x64xf32>
    %reduce_sum3A_164 = arith.constant dense<0.000000e+00> : vector<128xf32>
    %reduce_sum3A_165 = vector.multi_reduction <add>, %mul3A_163, %reduce_sum3A_164 [1] : vector<128x64xf32> to vector<128xf32>
    %broadcast_in_dim3A_166 = vector.shape_cast %reduce_sum3A_165 : vector<128xf32> to vector<128x1xf32>
    %convert_element_type3A_167 = arith.fptosi %broadcast_in_dim3A_160 : vector<128x1xf32> to vector<128x1xi32>
    %swap3A_168 = arith.constant 128 : index
    %swap3A_169 = arith.constant 0 : index
    %swap3A_170 = vector.load %arg5[%swap3A_168, %swap3A_169] : memref<2048x1xi32, #tpu.memory_space<vmem>>, vector<128x1xi32>
    tpu.vector_store %arg5[%swap3A_168, %swap3A_169], %convert_element_type3A_167 {strides = array<i32>} : memref<2048x1xi32, #tpu.memory_space<vmem>>, vector<128x1xi32>,
    %convert_element_type3A_171 = arith.fptosi %broadcast_in_dim3A_166 : vector<128x1xf32> to vector<128x1xi32>
    %swap3A_172 = arith.constant 128 : index
    %swap3A_173 = arith.constant 0 : index
    %swap3A_174 = vector.load %arg6[%swap3A_172, %swap3A_173] : memref<2048x1xi32, #tpu.memory_space<vmem>>, vector<128x1xi32>
    tpu.vector_store %arg6[%swap3A_172, %swap3A_173], %convert_element_type3A_171 {strides = array<i32>} : memref<2048x1xi32, #tpu.memory_space<vmem>>, vector<128x1xi32>,
    %slice3A_175 = vector.extract_strided_slice %convert_element_type3A_44 {offsets = [256, 0], sizes = [128, 64], strides = [1, 1]} : vector<2048x64xf32> to vector<128x64xf32>
    %slice3A_176 = vector.extract_strided_slice %convert_element_type3A_48 {offsets = [256, 0], sizes = [128, 64], strides = [1, 1]} : vector<2048x64xf32> to vector<128x64xf32>
    %dot_general3A_177 = arith.constant dense<0.000000e+00> : vector<128x64xf32>
    %dot_general3A_178 = tpu.matmul %convert_element_type3A_97, %slice3A_175, %dot_general3A_177 {dimension_numbers = #tpu.dot_dimension_numbers<[1], [0], [0], [1], [0, 0, 1, 1], [], []>, transpose_lhs_hint = false} : vector<128x128xf32>, vector<128x64xf32>, vector<128x64xf32> -> vector<128x64xf32>
    %add3A_179 = vector.broadcast %add3A_154 : vector<1x64xf32> to vector<128x64xf32>
    %add3A_180 = arith.addf %dot_general3A_178, %add3A_179 : vector<128x64xf32>
    %reduce_sum3A_181 = arith.constant dense<0.000000e+00> : vector<64xf32>
    %reduce_sum3A_182 = vector.multi_reduction <add>, %slice3A_175, %reduce_sum3A_181 [0] : vector<128x64xf32> to vector<64xf32>
    %broadcast_in_dim3A_183 = vector.shape_cast %reduce_sum3A_182 : vector<64xf32> to vector<1x64xf32>
    %add3A_184 = arith.addf %add3A_154, %broadcast_in_dim3A_183 : vector<1x64xf32>
    %dot_general3A_185 = arith.constant dense<0.000000e+00> : vector<128x64xf32>
    %dot_general3A_186 = tpu.matmul %convert_element_type3A_97, %slice3A_176, %dot_general3A_185 {dimension_numbers = #tpu.dot_dimension_numbers<[1], [0], [0], [1], [0, 0, 1, 1], [], []>, transpose_lhs_hint = false} : vector<128x128xf32>, vector<128x64xf32>, vector<128x64xf32> -> vector<128x64xf32>
    %add3A_187 = vector.broadcast %add3A_184 : vector<1x64xf32> to vector<128x64xf32>
    %add3A_188 = arith.addf %dot_general3A_186, %add3A_187 : vector<128x64xf32>
    %reduce_sum3A_189 = arith.constant dense<0.000000e+00> : vector<64xf32>
    %reduce_sum3A_190 = vector.multi_reduction <add>, %slice3A_176, %reduce_sum3A_189 [0] : vector<128x64xf32> to vector<64xf32>
    %broadcast_in_dim3A_191 = vector.shape_cast %reduce_sum3A_190 : vector<64xf32> to vector<1x64xf32>
    %add3A_192 = arith.addf %add3A_184, %broadcast_in_dim3A_191 : vector<1x64xf32>
    %add3A_193 = vector.broadcast %mul3A_66 : vector<1x64xf32> to vector<128x64xf32>
    %add3A_194 = arith.addf %add3A_180, %add3A_193 : vector<128x64xf32>
    %mul3A_195 = arith.mulf %add3A_194, %slice3A_175 : vector<128x64xf32>
    %reduce_sum3A_196 = arith.constant dense<0.000000e+00> : vector<128xf32>
    %reduce_sum3A_197 = vector.multi_reduction <add>, %mul3A_195, %reduce_sum3A_196 [1] : vector<128x64xf32> to vector<128xf32>
    %broadcast_in_dim3A_198 = vector.shape_cast %reduce_sum3A_197 : vector<128xf32> to vector<128x1xf32>
    %add3A_199 = vector.broadcast %mul3A_66 : vector<1x64xf32> to vector<128x64xf32>
    %add3A_200 = arith.addf %add3A_188, %add3A_199 : vector<128x64xf32>
    %mul3A_201 = arith.mulf %add3A_200, %slice3A_176 : vector<128x64xf32>
    %reduce_sum3A_202 = arith.constant dense<0.000000e+00> : vector<128xf32>
    %reduce_sum3A_203 = vector.multi_reduction <add>, %mul3A_201, %reduce_sum3A_202 [1] : vector<128x64xf32> to vector<128xf32>
    %broadcast_in_dim3A_204 = vector.shape_cast %reduce_sum3A_203 : vector<128xf32> to vector<128x1xf32>
    %convert_element_type3A_205 = arith.fptosi %broadcast_in_dim3A_198 : vector<128x1xf32> to vector<128x1xi32>
    %swap3A_206 = arith.constant 256 : index
    %swap3A_207 = arith.constant 0 : index
    %swap3A_208 = vector.load %arg5[%swap3A_206, %swap3A_207] : memref<2048x1xi32, #tpu.memory_space<vmem>>, vector<128x1xi32>
    tpu.vector_store %arg5[%swap3A_206, %swap3A_207], %convert_element_type3A_205 {strides = array<i32>} : memref<2048x1xi32, #tpu.memory_space<vmem>>, vector<128x1xi32>,
    %convert_element_type3A_209 = arith.fptosi %broadcast_in_dim3A_204 : vector<128x1xf32> to vector<128x1xi32>
    %swap3A_210 = arith.constant 256 : index
    %swap3A_211 = arith.constant 0 : index
    %swap3A_212 = vector.load %arg6[%swap3A_210, %swap3A_211] : memref<2048x1xi32, #tpu.memory_space<vmem>>, vector<128x1xi32>
    tpu.vector_store %arg6[%swap3A_210, %swap3A_211], %convert_element_type3A_209 {strides = array<i32>} : memref<2048x1xi32, #tpu.memory_space<vmem>>, vector<128x1xi32>,
    %slice3A_213 = vector.extract_strided_slice %convert_element_type3A_44 {offsets = [384, 0], sizes = [128, 64], strides = [1, 1]} : vector<2048x64xf32> to vector<128x64xf32>
    %slice3A_214 = vector.extract_strided_slice %convert_element_type3A_48 {offsets = [384, 0], sizes = [128, 64], strides = [1, 1]} : vector<2048x64xf32> to vector<128x64xf32>
    %dot_general3A_215 = arith.constant dense<0.000000e+00> : vector<128x64xf32>
    %dot_general3A_216 = tpu.matmul %convert_element_type3A_97, %slice3A_213, %dot_general3A_215 {dimension_numbers = #tpu.dot_dimension_numbers<[1], [0], [0], [1], [0, 0, 1, 1], [], []>, transpose_lhs_hint = false} : vector<128x128xf32>, vector<128x64xf32>, vector<128x64xf32> -> vector<128x64xf32>
    %add3A_217 = vector.broadcast %add3A_192 : vector<1x64xf32> to vector<128x64xf32>
    %add3A_218 = arith.addf %dot_general3A_216, %add3A_217 : vector<128x64xf32>
    %reduce_sum3A_219 = arith.constant dense<0.000000e+00> : vector<64xf32>
    %reduce_sum3A_220 = vector.multi_reduction <add>, %slice3A_213, %reduce_sum3A_219 [0] : vector<128x64xf32> to vector<64xf32>
    %broadcast_in_dim3A_221 = vector.shape_cast %reduce_sum3A_220 : vector<64xf32> to vector<1x64xf32>
    %add3A_222 = arith.addf %add3A_192, %broadcast_in_dim3A_221 : vector<1x64xf32>
    %dot_general3A_223 = arith.constant dense<0.000000e+00> : vector<128x64xf32>
    %dot_general3A_224 = tpu.matmul %convert_element_type3A_97, %slice3A_214, %dot_general3A_223 {dimension_numbers = #tpu.dot_dimension_numbers<[1], [0], [0], [1], [0, 0, 1, 1], [], []>, transpose_lhs_hint = false} : vector<128x128xf32>, vector<128x64xf32>, vector<128x64xf32> -> vector<128x64xf32>
    %add3A_225 = vector.broadcast %add3A_222 : vector<1x64xf32> to vector<128x64xf32>
    %add3A_226 = arith.addf %dot_general3A_224, %add3A_225 : vector<128x64xf32>
    %reduce_sum3A_227 = arith.constant dense<0.000000e+00> : vector<64xf32>
    %reduce_sum3A_228 = vector.multi_reduction <add>, %slice3A_214, %reduce_sum3A_227 [0] : vector<128x64xf32> to vector<64xf32>
    %broadcast_in_dim3A_229 = vector.shape_cast %reduce_sum3A_228 : vector<64xf32> to vector<1x64xf32>
    %add3A_230 = arith.addf %add3A_222, %broadcast_in_dim3A_229 : vector<1x64xf32>
    %add3A_231 = vector.broadcast %mul3A_66 : vector<1x64xf32> to vector<128x64xf32>
    %add3A_232 = arith.addf %add3A_218, %add3A_231 : vector<128x64xf32>
    %mul3A_233 = arith.mulf %add3A_232, %slice3A_213 : vector<128x64xf32>
    %reduce_sum3A_234 = arith.constant dense<0.000000e+00> : vector<128xf32>
    %reduce_sum3A_235 = vector.multi_reduction <add>, %mul3A_233, %reduce_sum3A_234 [1] : vector<128x64xf32> to vector<128xf32>
    %broadcast_in_dim3A_236 = vector.shape_cast %reduce_sum3A_235 : vector<128xf32> to vector<128x1xf32>
    %add3A_237 = vector.broadcast %mul3A_66 : vector<1x64xf32> to vector<128x64xf32>
    %add3A_238 = arith.addf %add3A_226, %add3A_237 : vector<128x64xf32>
    %mul3A_239 = arith.mulf %add3A_238, %slice3A_214 : vector<128x64xf32>
    %reduce_sum3A_240 = arith.constant dense<0.000000e+00> : vector<128xf32>
    %reduce_sum3A_241 = vector.multi_reduction <add>, %mul3A_239, %reduce_sum3A_240 [1] : vector<128x64xf32> to vector<128xf32>
    %broadcast_in_dim3A_242 = vector.shape_cast %reduce_sum3A_241 : vector<128xf32> to vector<128x1xf32>
    %convert_element_type3A_243 = arith.fptosi %broadcast_in_dim3A_236 : vector<128x1xf32> to vector<128x1xi32>
    %swap3A_244 = arith.constant 384 : index
    %swap3A_245 = arith.constant 0 : index
    %swap3A_246 = vector.load %arg5[%swap3A_244, %swap3A_245] : memref<2048x1xi32, #tpu.memory_space<vmem>>, vector<128x1xi32>
    tpu.vector_store %arg5[%swap3A_244, %swap3A_245], %convert_element_type3A_243 {strides = array<i32>} : memref<2048x1xi32, #tpu.memory_space<vmem>>, vector<128x1xi32>,
    %convert_element_type3A_247 = arith.fptosi %broadcast_in_dim3A_242 : vector<128x1xf32> to vector<128x1xi32>
    %swap3A_248 = arith.constant 384 : index
    %swap3A_249 = arith.constant 0 : index
    %swap3A_250 = vector.load %arg6[%swap3A_248, %swap3A_249] : memref<2048x1xi32, #tpu.memory_space<vmem>>, vector<128x1xi32>
    tpu.vector_store %arg6[%swap3A_248, %swap3A_249], %convert_element_type3A_247 {strides = array<i32>} : memref<2048x1xi32, #tpu.memory_space<vmem>>, vector<128x1xi32>,
    %slice3A_251 = vector.extract_strided_slice %convert_element_type3A_44 {offsets = [512, 0], sizes = [128, 64], strides = [1, 1]} : vector<2048x64xf32> to vector<128x64xf32>
    %slice3A_252 = vector.extract_strided_slice %convert_element_type3A_48 {offsets = [512, 0], sizes = [128, 64], strides = [1, 1]} : vector<2048x64xf32> to vector<128x64xf32>
    %dot_general3A_253 = arith.constant dense<0.000000e+00> : vector<128x64xf32>
    %dot_general3A_254 = tpu.matmul %convert_element_type3A_97, %slice3A_251, %dot_general3A_253 {dimension_numbers = #tpu.dot_dimension_numbers<[1], [0], [0], [1], [0, 0, 1, 1], [], []>, transpose_lhs_hint = false} : vector<128x128xf32>, vector<128x64xf32>, vector<128x64xf32> -> vector<128x64xf32>
    %add3A_255 = vector.broadcast %add3A_230 : vector<1x64xf32> to vector<128x64xf32>
    %add3A_256 = arith.addf %dot_general3A_254, %add3A_255 : vector<128x64xf32>
    %reduce_sum3A_257 = arith.constant dense<0.000000e+00> : vector<64xf32>
    %reduce_sum3A_258 = vector.multi_reduction <add>, %slice3A_251, %reduce_sum3A_257 [0] : vector<128x64xf32> to vector<64xf32>
    %broadcast_in_dim3A_259 = vector.shape_cast %reduce_sum3A_258 : vector<64xf32> to vector<1x64xf32>
    %add3A_260 = arith.addf %add3A_230, %broadcast_in_dim3A_259 : vector<1x64xf32>
    %dot_general3A_261 = arith.constant dense<0.000000e+00> : vector<128x64xf32>
    %dot_general3A_262 = tpu.matmul %convert_element_type3A_97, %slice3A_252, %dot_general3A_261 {dimension_numbers = #tpu.dot_dimension_numbers<[1], [0], [0], [1], [0, 0, 1, 1], [], []>, transpose_lhs_hint = false} : vector<128x128xf32>, vector<128x64xf32>, vector<128x64xf32> -> vector<128x64xf32>
    %add3A_263 = vector.broadcast %add3A_260 : vector<1x64xf32> to vector<128x64xf32>
    %add3A_264 = arith.addf %dot_general3A_262, %add3A_263 : vector<128x64xf32>
    %reduce_sum3A_265 = arith.constant dense<0.000000e+00> : vector<64xf32>
    %reduce_sum3A_266 = vector.multi_reduction <add>, %slice3A_252, %reduce_sum3A_265 [0] : vector<128x64xf32> to vector<64xf32>
    %broadcast_in_dim3A_267 = vector.shape_cast %reduce_sum3A_266 : vector<64xf32> to vector<1x64xf32>
    %add3A_268 = arith.addf %add3A_260, %broadcast_in_dim3A_267 : vector<1x64xf32>
    %add3A_269 = vector.broadcast %mul3A_66 : vector<1x64xf32> to vector<128x64xf32>
    %add3A_270 = arith.addf %add3A_256, %add3A_269 : vector<128x64xf32>
    %mul3A_271 = arith.mulf %add3A_270, %slice3A_251 : vector<128x64xf32>
    %reduce_sum3A_272 = arith.constant dense<0.000000e+00> : vector<128xf32>
    %reduce_sum3A_273 = vector.multi_reduction <add>, %mul3A_271, %reduce_sum3A_272 [1] : vector<128x64xf32> to vector<128xf32>
    %broadcast_in_dim3A_274 = vector.shape_cast %reduce_sum3A_273 : vector<128xf32> to vector<128x1xf32>
    %add3A_275 = vector.broadcast %mul3A_66 : vector<1x64xf32> to vector<128x64xf32>
    %add3A_276 = arith.addf %add3A_264, %add3A_275 : vector<128x64xf32>
    %mul3A_277 = arith.mulf %add3A_276, %slice3A_252 : vector<128x64xf32>
    %reduce_sum3A_278 = arith.constant dense<0.000000e+00> : vector<128xf32>
    %reduce_sum3A_279 = vector.multi_reduction <add>, %mul3A_277, %reduce_sum3A_278 [1] : vector<128x64xf32> to vector<128xf32>
    %broadcast_in_dim3A_280 = vector.shape_cast %reduce_sum3A_279 : vector<128xf32> to vector<128x1xf32>
    %convert_element_type3A_281 = arith.fptosi %broadcast_in_dim3A_274 : vector<128x1xf32> to vector<128x1xi32>
    %swap3A_282 = arith.constant 512 : index
    %swap3A_283 = arith.constant 0 : index
    %swap3A_284 = vector.load %arg5[%swap3A_282, %swap3A_283] : memref<2048x1xi32, #tpu.memory_space<vmem>>, vector<128x1xi32>
    tpu.vector_store %arg5[%swap3A_282, %swap3A_283], %convert_element_type3A_281 {strides = array<i32>} : memref<2048x1xi32, #tpu.memory_space<vmem>>, vector<128x1xi32>,
    %convert_element_type3A_285 = arith.fptosi %broadcast_in_dim3A_280 : vector<128x1xf32> to vector<128x1xi32>
    %swap3A_286 = arith.constant 512 : index
    %swap3A_287 = arith.constant 0 : index
    %swap3A_288 = vector.load %arg6[%swap3A_286, %swap3A_287] : memref<2048x1xi32, #tpu.memory_space<vmem>>, vector<128x1xi32>
    tpu.vector_store %arg6[%swap3A_286, %swap3A_287], %convert_element_type3A_285 {strides = array<i32>} : memref<2048x1xi32, #tpu.memory_space<vmem>>, vector<128x1xi32>,
    %slice3A_289 = vector.extract_strided_slice %convert_element_type3A_44 {offsets = [640, 0], sizes = [128, 64], strides = [1, 1]} : vector<2048x64xf32> to vector<128x64xf32>
    %slice3A_290 = vector.extract_strided_slice %convert_element_type3A_48 {offsets = [640, 0], sizes = [128, 64], strides = [1, 1]} : vector<2048x64xf32> to vector<128x64xf32>
    %dot_general3A_291 = arith.constant dense<0.000000e+00> : vector<128x64xf32>
    %dot_general3A_292 = tpu.matmul %convert_element_type3A_97, %slice3A_289, %dot_general3A_291 {dimension_numbers = #tpu.dot_dimension_numbers<[1], [0], [0], [1], [0, 0, 1, 1], [], []>, transpose_lhs_hint = false} : vector<128x128xf32>, vector<128x64xf32>, vector<128x64xf32> -> vector<128x64xf32>
    %add3A_293 = vector.broadcast %add3A_268 : vector<1x64xf32> to vector<128x64xf32>
    %add3A_294 = arith.addf %dot_general3A_292, %add3A_293 : vector<128x64xf32>
    %reduce_sum3A_295 = arith.constant dense<0.000000e+00> : vector<64xf32>
    %reduce_sum3A_296 = vector.multi_reduction <add>, %slice3A_289, %reduce_sum3A_295 [0] : vector<128x64xf32> to vector<64xf32>
    %broadcast_in_dim3A_297 = vector.shape_cast %reduce_sum3A_296 : vector<64xf32> to vector<1x64xf32>
    %add3A_298 = arith.addf %add3A_268, %broadcast_in_dim3A_297 : vector<1x64xf32>
    %dot_general3A_299 = arith.constant dense<0.000000e+00> : vector<128x64xf32>
    %dot_general3A_300 = tpu.matmul %convert_element_type3A_97, %slice3A_290, %dot_general3A_299 {dimension_numbers = #tpu.dot_dimension_numbers<[1], [0], [0], [1], [0, 0, 1, 1], [], []>, transpose_lhs_hint = false} : vector<128x128xf32>, vector<128x64xf32>, vector<128x64xf32> -> vector<128x64xf32>
    %add3A_301 = vector.broadcast %add3A_298 : vector<1x64xf32> to vector<128x64xf32>
    %add3A_302 = arith.addf %dot_general3A_300, %add3A_301 : vector<128x64xf32>
    %reduce_sum3A_303 = arith.constant dense<0.000000e+00> : vector<64xf32>
    %reduce_sum3A_304 = vector.multi_reduction <add>, %slice3A_290, %reduce_sum3A_303 [0] : vector<128x64xf32> to vector<64xf32>
    %broadcast_in_dim3A_305 = vector.shape_cast %reduce_sum3A_304 : vector<64xf32> to vector<1x64xf32>
    %add3A_306 = arith.addf %add3A_298, %broadcast_in_dim3A_305 : vector<1x64xf32>
    %add3A_307 = vector.broadcast %mul3A_66 : vector<1x64xf32> to vector<128x64xf32>
    %add3A_308 = arith.addf %add3A_294, %add3A_307 : vector<128x64xf32>
    %mul3A_309 = arith.mulf %add3A_308, %slice3A_289 : vector<128x64xf32>
    %reduce_sum3A_310 = arith.constant dense<0.000000e+00> : vector<128xf32>
    %reduce_sum3A_311 = vector.multi_reduction <add>, %mul3A_309, %reduce_sum3A_310 [1] : vector<128x64xf32> to vector<128xf32>
    %broadcast_in_dim3A_312 = vector.shape_cast %reduce_sum3A_311 : vector<128xf32> to vector<128x1xf32>
    %add3A_313 = vector.broadcast %mul3A_66 : vector<1x64xf32> to vector<128x64xf32>
    %add3A_314 = arith.addf %add3A_302, %add3A_313 : vector<128x64xf32>
    %mul3A_315 = arith.mulf %add3A_314, %slice3A_290 : vector<128x64xf32>
    %reduce_sum3A_316 = arith.constant dense<0.000000e+00> : vector<128xf32>
    %reduce_sum3A_317 = vector.multi_reduction <add>, %mul3A_315, %reduce_sum3A_316 [1] : vector<128x64xf32> to vector<128xf32>
    %broadcast_in_dim3A_318 = vector.shape_cast %reduce_sum3A_317 : vector<128xf32> to vector<128x1xf32>
    %convert_element_type3A_319 = arith.fptosi %broadcast_in_dim3A_312 : vector<128x1xf32> to vector<128x1xi32>
    %swap3A_320 = arith.constant 640 : index
    %swap3A_321 = arith.constant 0 : index
    %swap3A_322 = vector.load %arg5[%swap3A_320, %swap3A_321] : memref<2048x1xi32, #tpu.memory_space<vmem>>, vector<128x1xi32>
    tpu.vector_store %arg5[%swap3A_320, %swap3A_321], %convert_element_type3A_319 {strides = array<i32>} : memref<2048x1xi32, #tpu.memory_space<vmem>>, vector<128x1xi32>,
    %convert_element_type3A_323 = arith.fptosi %broadcast_in_dim3A_318 : vector<128x1xf32> to vector<128x1xi32>
    %swap3A_324 = arith.constant 640 : index
    %swap3A_325 = arith.constant 0 : index
    %swap3A_326 = vector.load %arg6[%swap3A_324, %swap3A_325] : memref<2048x1xi32, #tpu.memory_space<vmem>>, vector<128x1xi32>
    tpu.vector_store %arg6[%swap3A_324, %swap3A_325], %convert_element_type3A_323 {strides = array<i32>} : memref<2048x1xi32, #tpu.memory_space<vmem>>, vector<128x1xi32>,
    %slice3A_327 = vector.extract_strided_slice %convert_element_type3A_44 {offsets = [768, 0], sizes = [128, 64], strides = [1, 1]} : vector<2048x64xf32> to vector<128x64xf32>
    %slice3A_328 = vector.extract_strided_slice %convert_element_type3A_48 {offsets = [768, 0], sizes = [128, 64], strides = [1, 1]} : vector<2048x64xf32> to vector<128x64xf32>
    %dot_general3A_329 = arith.constant dense<0.000000e+00> : vector<128x64xf32>
    %dot_general3A_330 = tpu.matmul %convert_element_type3A_97, %slice3A_327, %dot_general3A_329 {dimension_numbers = #tpu.dot_dimension_numbers<[1], [0], [0], [1], [0, 0, 1, 1], [], []>, transpose_lhs_hint = false} : vector<128x128xf32>, vector<128x64xf32>, vector<128x64xf32> -> vector<128x64xf32>
    %add3A_331 = vector.broadcast %add3A_306 : vector<1x64xf32> to vector<128x64xf32>
    %add3A_332 = arith.addf %dot_general3A_330, %add3A_331 : vector<128x64xf32>
    %reduce_sum3A_333 = arith.constant dense<0.000000e+00> : vector<64xf32>
    %reduce_sum3A_334 = vector.multi_reduction <add>, %slice3A_327, %reduce_sum3A_333 [0] : vector<128x64xf32> to vector<64xf32>
    %broadcast_in_dim3A_335 = vector.shape_cast %reduce_sum3A_334 : vector<64xf32> to vector<1x64xf32>
    %add3A_336 = arith.addf %add3A_306, %broadcast_in_dim3A_335 : vector<1x64xf32>
    %dot_general3A_337 = arith.constant dense<0.000000e+00> : vector<128x64xf32>
    %dot_general3A_338 = tpu.matmul %convert_element_type3A_97, %slice3A_328, %dot_general3A_337 {dimension_numbers = #tpu.dot_dimension_numbers<[1], [0], [0], [1], [0, 0, 1, 1], [], []>, transpose_lhs_hint = false} : vector<128x128xf32>, vector<128x64xf32>, vector<128x64xf32> -> vector<128x64xf32>
    %add3A_339 = vector.broadcast %add3A_336 : vector<1x64xf32> to vector<128x64xf32>
    %add3A_340 = arith.addf %dot_general3A_338, %add3A_339 : vector<128x64xf32>
    %reduce_sum3A_341 = arith.constant dense<0.000000e+00> : vector<64xf32>
    %reduce_sum3A_342 = vector.multi_reduction <add>, %slice3A_328, %reduce_sum3A_341 [0] : vector<128x64xf32> to vector<64xf32>
    %broadcast_in_dim3A_343 = vector.shape_cast %reduce_sum3A_342 : vector<64xf32> to vector<1x64xf32>
    %add3A_344 = arith.addf %add3A_336, %broadcast_in_dim3A_343 : vector<1x64xf32>
    %add3A_345 = vector.broadcast %mul3A_66 : vector<1x64xf32> to vector<128x64xf32>
    %add3A_346 = arith.addf %add3A_332, %add3A_345 : vector<128x64xf32>
    %mul3A_347 = arith.mulf %add3A_346, %slice3A_327 : vector<128x64xf32>
    %reduce_sum3A_348 = arith.constant dense<0.000000e+00> : vector<128xf32>
    %reduce_sum3A_349 = vector.multi_reduction <add>, %mul3A_347, %reduce_sum3A_348 [1] : vector<128x64xf32> to vector<128xf32>
    %broadcast_in_dim3A_350 = vector.shape_cast %reduce_sum3A_349 : vector<128xf32> to vector<128x1xf32>
    %add3A_351 = vector.broadcast %mul3A_66 : vector<1x64xf32> to vector<128x64xf32>
    %add3A_352 = arith.addf %add3A_340, %add3A_351 : vector<128x64xf32>
    %mul3A_353 = arith.mulf %add3A_352, %slice3A_328 : vector<128x64xf32>
    %reduce_sum3A_354 = arith.constant dense<0.000000e+00> : vector<128xf32>
    %reduce_sum3A_355 = vector.multi_reduction <add>, %mul3A_353, %reduce_sum3A_354 [1] : vector<128x64xf32> to vector<128xf32>
    %broadcast_in_dim3A_356 = vector.shape_cast %reduce_sum3A_355 : vector<128xf32> to vector<128x1xf32>
    %convert_element_type3A_357 = arith.fptosi %broadcast_in_dim3A_350 : vector<128x1xf32> to vector<128x1xi32>
    %swap3A_358 = arith.constant 768 : index
    %swap3A_359 = arith.constant 0 : index
    %swap3A_360 = vector.load %arg5[%swap3A_358, %swap3A_359] : memref<2048x1xi32, #tpu.memory_space<vmem>>, vector<128x1xi32>
    tpu.vector_store %arg5[%swap3A_358, %swap3A_359], %convert_element_type3A_357 {strides = array<i32>} : memref<2048x1xi32, #tpu.memory_space<vmem>>, vector<128x1xi32>,
    %convert_element_type3A_361 = arith.fptosi %broadcast_in_dim3A_356 : vector<128x1xf32> to vector<128x1xi32>
    %swap3A_362 = arith.constant 768 : index
    %swap3A_363 = arith.constant 0 : index
    %swap3A_364 = vector.load %arg6[%swap3A_362, %swap3A_363] : memref<2048x1xi32, #tpu.memory_space<vmem>>, vector<128x1xi32>
    tpu.vector_store %arg6[%swap3A_362, %swap3A_363], %convert_element_type3A_361 {strides = array<i32>} : memref<2048x1xi32, #tpu.memory_space<vmem>>, vector<128x1xi32>,
    %slice3A_365 = vector.extract_strided_slice %convert_element_type3A_44 {offsets = [896, 0], sizes = [128, 64], strides = [1, 1]} : vector<2048x64xf32> to vector<128x64xf32>
    %slice3A_366 = vector.extract_strided_slice %convert_element_type3A_48 {offsets = [896, 0], sizes = [128, 64], strides = [1, 1]} : vector<2048x64xf32> to vector<128x64xf32>
    %dot_general3A_367 = arith.constant dense<0.000000e+00> : vector<128x64xf32>
    %dot_general3A_368 = tpu.matmul %convert_element_type3A_97, %slice3A_365, %dot_general3A_367 {dimension_numbers = #tpu.dot_dimension_numbers<[1], [0], [0], [1], [0, 0, 1, 1], [], []>, transpose_lhs_hint = false} : vector<128x128xf32>, vector<128x64xf32>, vector<128x64xf32> -> vector<128x64xf32>
    %add3A_369 = vector.broadcast %add3A_344 : vector<1x64xf32> to vector<128x64xf32>
    %add3A_370 = arith.addf %dot_general3A_368, %add3A_369 : vector<128x64xf32>
    %reduce_sum3A_371 = arith.constant dense<0.000000e+00> : vector<64xf32>
    %reduce_sum3A_372 = vector.multi_reduction <add>, %slice3A_365, %reduce_sum3A_371 [0] : vector<128x64xf32> to vector<64xf32>
    %broadcast_in_dim3A_373 = vector.shape_cast %reduce_sum3A_372 : vector<64xf32> to vector<1x64xf32>
    %add3A_374 = arith.addf %add3A_344, %broadcast_in_dim3A_373 : vector<1x64xf32>
    %dot_general3A_375 = arith.constant dense<0.000000e+00> : vector<128x64xf32>
    %dot_general3A_376 = tpu.matmul %convert_element_type3A_97, %slice3A_366, %dot_general3A_375 {dimension_numbers = #tpu.dot_dimension_numbers<[1], [0], [0], [1], [0, 0, 1, 1], [], []>, transpose_lhs_hint = false} : vector<128x128xf32>, vector<128x64xf32>, vector<128x64xf32> -> vector<128x64xf32>
    %add3A_377 = vector.broadcast %add3A_374 : vector<1x64xf32> to vector<128x64xf32>
    %add3A_378 = arith.addf %dot_general3A_376, %add3A_377 : vector<128x64xf32>
    %reduce_sum3A_379 = arith.constant dense<0.000000e+00> : vector<64xf32>
    %reduce_sum3A_380 = vector.multi_reduction <add>, %slice3A_366, %reduce_sum3A_379 [0] : vector<128x64xf32> to vector<64xf32>
    %broadcast_in_dim3A_381 = vector.shape_cast %reduce_sum3A_380 : vector<64xf32> to vector<1x64xf32>
    %add3A_382 = arith.addf %add3A_374, %broadcast_in_dim3A_381 : vector<1x64xf32>
    %add3A_383 = vector.broadcast %mul3A_66 : vector<1x64xf32> to vector<128x64xf32>
    %add3A_384 = arith.addf %add3A_370, %add3A_383 : vector<128x64xf32>
    %mul3A_385 = arith.mulf %add3A_384, %slice3A_365 : vector<128x64xf32>
    %reduce_sum3A_386 = arith.constant dense<0.000000e+00> : vector<128xf32>
    %reduce_sum3A_387 = vector.multi_reduction <add>, %mul3A_385, %reduce_sum3A_386 [1] : vector<128x64xf32> to vector<128xf32>
    %broadcast_in_dim3A_388 = vector.shape_cast %reduce_sum3A_387 : vector<128xf32> to vector<128x1xf32>
    %add3A_389 = vector.broadcast %mul3A_66 : vector<1x64xf32> to vector<128x64xf32>
    %add3A_390 = arith.addf %add3A_378, %add3A_389 : vector<128x64xf32>
    %mul3A_391 = arith.mulf %add3A_390, %slice3A_366 : vector<128x64xf32>
    %reduce_sum3A_392 = arith.constant dense<0.000000e+00> : vector<128xf32>
    %reduce_sum3A_393 = vector.multi_reduction <add>, %mul3A_391, %reduce_sum3A_392 [1] : vector<128x64xf32> to vector<128xf32>
    %broadcast_in_dim3A_394 = vector.shape_cast %reduce_sum3A_393 : vector<128xf32> to vector<128x1xf32>
    %convert_element_type3A_395 = arith.fptosi %broadcast_in_dim3A_388 : vector<128x1xf32> to vector<128x1xi32>
    %swap3A_396 = arith.constant 896 : index
    %swap3A_397 = arith.constant 0 : index
    %swap3A_398 = vector.load %arg5[%swap3A_396, %swap3A_397] : memref<2048x1xi32, #tpu.memory_space<vmem>>, vector<128x1xi32>
    tpu.vector_store %arg5[%swap3A_396, %swap3A_397], %convert_element_type3A_395 {strides = array<i32>} : memref<2048x1xi32, #tpu.memory_space<vmem>>, vector<128x1xi32>,
    %convert_element_type3A_399 = arith.fptosi %broadcast_in_dim3A_394 : vector<128x1xf32> to vector<128x1xi32>
    %swap3A_400 = arith.constant 896 : index
    %swap3A_401 = arith.constant 0 : index
    %swap3A_402 = vector.load %arg6[%swap3A_400, %swap3A_401] : memref<2048x1xi32, #tpu.memory_space<vmem>>, vector<128x1xi32>
    tpu.vector_store %arg6[%swap3A_400, %swap3A_401], %convert_element_type3A_399 {strides = array<i32>} : memref<2048x1xi32, #tpu.memory_space<vmem>>, vector<128x1xi32>,
    %slice3A_403 = vector.extract_strided_slice %convert_element_type3A_44 {offsets = [1024, 0], sizes = [128, 64], strides = [1, 1]} : vector<2048x64xf32> to vector<128x64xf32>
    %slice3A_404 = vector.extract_strided_slice %convert_element_type3A_48 {offsets = [1024, 0], sizes = [128, 64], strides = [1, 1]} : vector<2048x64xf32> to vector<128x64xf32>
    %dot_general3A_405 = arith.constant dense<0.000000e+00> : vector<128x64xf32>
    %dot_general3A_406 = tpu.matmul %convert_element_type3A_97, %slice3A_403, %dot_general3A_405 {dimension_numbers = #tpu.dot_dimension_numbers<[1], [0], [0], [1], [0, 0, 1, 1], [], []>, transpose_lhs_hint = false} : vector<128x128xf32>, vector<128x64xf32>, vector<128x64xf32> -> vector<128x64xf32>
    %add3A_407 = vector.broadcast %add3A_382 : vector<1x64xf32> to vector<128x64xf32>
    %add3A_408 = arith.addf %dot_general3A_406, %add3A_407 : vector<128x64xf32>
    %reduce_sum3A_409 = arith.constant dense<0.000000e+00> : vector<64xf32>
    %reduce_sum3A_410 = vector.multi_reduction <add>, %slice3A_403, %reduce_sum3A_409 [0] : vector<128x64xf32> to vector<64xf32>
    %broadcast_in_dim3A_411 = vector.shape_cast %reduce_sum3A_410 : vector<64xf32> to vector<1x64xf32>
    %add3A_412 = arith.addf %add3A_382, %broadcast_in_dim3A_411 : vector<1x64xf32>
    %dot_general3A_413 = arith.constant dense<0.000000e+00> : vector<128x64xf32>
    %dot_general3A_414 = tpu.matmul %convert_element_type3A_97, %slice3A_404, %dot_general3A_413 {dimension_numbers = #tpu.dot_dimension_numbers<[1], [0], [0], [1], [0, 0, 1, 1], [], []>, transpose_lhs_hint = false} : vector<128x128xf32>, vector<128x64xf32>, vector<128x64xf32> -> vector<128x64xf32>
    %add3A_415 = vector.broadcast %add3A_412 : vector<1x64xf32> to vector<128x64xf32>
    %add3A_416 = arith.addf %dot_general3A_414, %add3A_415 : vector<128x64xf32>
    %reduce_sum3A_417 = arith.constant dense<0.000000e+00> : vector<64xf32>
    %reduce_sum3A_418 = vector.multi_reduction <add>, %slice3A_404, %reduce_sum3A_417 [0] : vector<128x64xf32> to vector<64xf32>
    %broadcast_in_dim3A_419 = vector.shape_cast %reduce_sum3A_418 : vector<64xf32> to vector<1x64xf32>
    %add3A_420 = arith.addf %add3A_412, %broadcast_in_dim3A_419 : vector<1x64xf32>
    %add3A_421 = vector.broadcast %mul3A_66 : vector<1x64xf32> to vector<128x64xf32>
    %add3A_422 = arith.addf %add3A_408, %add3A_421 : vector<128x64xf32>
    %mul3A_423 = arith.mulf %add3A_422, %slice3A_403 : vector<128x64xf32>
    %reduce_sum3A_424 = arith.constant dense<0.000000e+00> : vector<128xf32>
    %reduce_sum3A_425 = vector.multi_reduction <add>, %mul3A_423, %reduce_sum3A_424 [1] : vector<128x64xf32> to vector<128xf32>
    %broadcast_in_dim3A_426 = vector.shape_cast %reduce_sum3A_425 : vector<128xf32> to vector<128x1xf32>
    %add3A_427 = vector.broadcast %mul3A_66 : vector<1x64xf32> to vector<128x64xf32>
    %add3A_428 = arith.addf %add3A_416, %add3A_427 : vector<128x64xf32>
    %mul3A_429 = arith.mulf %add3A_428, %slice3A_404 : vector<128x64xf32>
    %reduce_sum3A_430 = arith.constant dense<0.000000e+00> : vector<128xf32>
    %reduce_sum3A_431 = vector.multi_reduction <add>, %mul3A_429, %reduce_sum3A_430 [1] : vector<128x64xf32> to vector<128xf32>
    %broadcast_in_dim3A_432 = vector.shape_cast %reduce_sum3A_431 : vector<128xf32> to vector<128x1xf32>
    %convert_element_type3A_433 = arith.fptosi %broadcast_in_dim3A_426 : vector<128x1xf32> to vector<128x1xi32>
    %swap3A_434 = arith.constant 1024 : index
    %swap3A_435 = arith.constant 0 : index
    %swap3A_436 = vector.load %arg5[%swap3A_434, %swap3A_435] : memref<2048x1xi32, #tpu.memory_space<vmem>>, vector<128x1xi32>
    tpu.vector_store %arg5[%swap3A_434, %swap3A_435], %convert_element_type3A_433 {strides = array<i32>} : memref<2048x1xi32, #tpu.memory_space<vmem>>, vector<128x1xi32>,
    %convert_element_type3A_437 = arith.fptosi %broadcast_in_dim3A_432 : vector<128x1xf32> to vector<128x1xi32>
    %swap3A_438 = arith.constant 1024 : index
    %swap3A_439 = arith.constant 0 : index
    %swap3A_440 = vector.load %arg6[%swap3A_438, %swap3A_439] : memref<2048x1xi32, #tpu.memory_space<vmem>>, vector<128x1xi32>
    tpu.vector_store %arg6[%swap3A_438, %swap3A_439], %convert_element_type3A_437 {strides = array<i32>} : memref<2048x1xi32, #tpu.memory_space<vmem>>, vector<128x1xi32>,
    %slice3A_441 = vector.extract_strided_slice %convert_element_type3A_44 {offsets = [1152, 0], sizes = [128, 64], strides = [1, 1]} : vector<2048x64xf32> to vector<128x64xf32>
    %slice3A_442 = vector.extract_strided_slice %convert_element_type3A_48 {offsets = [1152, 0], sizes = [128, 64], strides = [1, 1]} : vector<2048x64xf32> to vector<128x64xf32>
    %dot_general3A_443 = arith.constant dense<0.000000e+00> : vector<128x64xf32>
    %dot_general3A_444 = tpu.matmul %convert_element_type3A_97, %slice3A_441, %dot_general3A_443 {dimension_numbers = #tpu.dot_dimension_numbers<[1], [0], [0], [1], [0, 0, 1, 1], [], []>, transpose_lhs_hint = false} : vector<128x128xf32>, vector<128x64xf32>, vector<128x64xf32> -> vector<128x64xf32>
    %add3A_445 = vector.broadcast %add3A_420 : vector<1x64xf32> to vector<128x64xf32>
    %add3A_446 = arith.addf %dot_general3A_444, %add3A_445 : vector<128x64xf32>
    %reduce_sum3A_447 = arith.constant dense<0.000000e+00> : vector<64xf32>
    %reduce_sum3A_448 = vector.multi_reduction <add>, %slice3A_441, %reduce_sum3A_447 [0] : vector<128x64xf32> to vector<64xf32>
    %broadcast_in_dim3A_449 = vector.shape_cast %reduce_sum3A_448 : vector<64xf32> to vector<1x64xf32>
    %add3A_450 = arith.addf %add3A_420, %broadcast_in_dim3A_449 : vector<1x64xf32>
    %dot_general3A_451 = arith.constant dense<0.000000e+00> : vector<128x64xf32>
    %dot_general3A_452 = tpu.matmul %convert_element_type3A_97, %slice3A_442, %dot_general3A_451 {dimension_numbers = #tpu.dot_dimension_numbers<[1], [0], [0], [1], [0, 0, 1, 1], [], []>, transpose_lhs_hint = false} : vector<128x128xf32>, vector<128x64xf32>, vector<128x64xf32> -> vector<128x64xf32>
    %add3A_453 = vector.broadcast %add3A_450 : vector<1x64xf32> to vector<128x64xf32>
    %add3A_454 = arith.addf %dot_general3A_452, %add3A_453 : vector<128x64xf32>
    %reduce_sum3A_455 = arith.constant dense<0.000000e+00> : vector<64xf32>
    %reduce_sum3A_456 = vector.multi_reduction <add>, %slice3A_442, %reduce_sum3A_455 [0] : vector<128x64xf32> to vector<64xf32>
    %broadcast_in_dim3A_457 = vector.shape_cast %reduce_sum3A_456 : vector<64xf32> to vector<1x64xf32>
    %add3A_458 = arith.addf %add3A_450, %broadcast_in_dim3A_457 : vector<1x64xf32>
    %add3A_459 = vector.broadcast %mul3A_66 : vector<1x64xf32> to vector<128x64xf32>
    %add3A_460 = arith.addf %add3A_446, %add3A_459 : vector<128x64xf32>
    %mul3A_461 = arith.mulf %add3A_460, %slice3A_441 : vector<128x64xf32>
    %reduce_sum3A_462 = arith.constant dense<0.000000e+00> : vector<128xf32>
    %reduce_sum3A_463 = vector.multi_reduction <add>, %mul3A_461, %reduce_sum3A_462 [1] : vector<128x64xf32> to vector<128xf32>
    %broadcast_in_dim3A_464 = vector.shape_cast %reduce_sum3A_463 : vector<128xf32> to vector<128x1xf32>
    %add3A_465 = vector.broadcast %mul3A_66 : vector<1x64xf32> to vector<128x64xf32>
    %add3A_466 = arith.addf %add3A_454, %add3A_465 : vector<128x64xf32>
    %mul3A_467 = arith.mulf %add3A_466, %slice3A_442 : vector<128x64xf32>
    %reduce_sum3A_468 = arith.constant dense<0.000000e+00> : vector<128xf32>
    %reduce_sum3A_469 = vector.multi_reduction <add>, %mul3A_467, %reduce_sum3A_468 [1] : vector<128x64xf32> to vector<128xf32>
    %broadcast_in_dim3A_470 = vector.shape_cast %reduce_sum3A_469 : vector<128xf32> to vector<128x1xf32>
    %convert_element_type3A_471 = arith.fptosi %broadcast_in_dim3A_464 : vector<128x1xf32> to vector<128x1xi32>
    %swap3A_472 = arith.constant 1152 : index
    %swap3A_473 = arith.constant 0 : index
    %swap3A_474 = vector.load %arg5[%swap3A_472, %swap3A_473] : memref<2048x1xi32, #tpu.memory_space<vmem>>, vector<128x1xi32>
    tpu.vector_store %arg5[%swap3A_472, %swap3A_473], %convert_element_type3A_471 {strides = array<i32>} : memref<2048x1xi32, #tpu.memory_space<vmem>>, vector<128x1xi32>,
    %convert_element_type3A_475 = arith.fptosi %broadcast_in_dim3A_470 : vector<128x1xf32> to vector<128x1xi32>
    %swap3A_476 = arith.constant 1152 : index
    %swap3A_477 = arith.constant 0 : index
    %swap3A_478 = vector.load %arg6[%swap3A_476, %swap3A_477] : memref<2048x1xi32, #tpu.memory_space<vmem>>, vector<128x1xi32>
    tpu.vector_store %arg6[%swap3A_476, %swap3A_477], %convert_element_type3A_475 {strides = array<i32>} : memref<2048x1xi32, #tpu.memory_space<vmem>>, vector<128x1xi32>,
    %slice3A_479 = vector.extract_strided_slice %convert_element_type3A_44 {offsets = [1280, 0], sizes = [128, 64], strides = [1, 1]} : vector<2048x64xf32> to vector<128x64xf32>
    %slice3A_480 = vector.extract_strided_slice %convert_element_type3A_48 {offsets = [1280, 0], sizes = [128, 64], strides = [1, 1]} : vector<2048x64xf32> to vector<128x64xf32>
    %dot_general3A_481 = arith.constant dense<0.000000e+00> : vector<128x64xf32>
    %dot_general3A_482 = tpu.matmul %convert_element_type3A_97, %slice3A_479, %dot_general3A_481 {dimension_numbers = #tpu.dot_dimension_numbers<[1], [0], [0], [1], [0, 0, 1, 1], [], []>, transpose_lhs_hint = false} : vector<128x128xf32>, vector<128x64xf32>, vector<128x64xf32> -> vector<128x64xf32>
    %add3A_483 = vector.broadcast %add3A_458 : vector<1x64xf32> to vector<128x64xf32>
    %add3A_484 = arith.addf %dot_general3A_482, %add3A_483 : vector<128x64xf32>
    %reduce_sum3A_485 = arith.constant dense<0.000000e+00> : vector<64xf32>
    %reduce_sum3A_486 = vector.multi_reduction <add>, %slice3A_479, %reduce_sum3A_485 [0] : vector<128x64xf32> to vector<64xf32>
    %broadcast_in_dim3A_487 = vector.shape_cast %reduce_sum3A_486 : vector<64xf32> to vector<1x64xf32>
    %add3A_488 = arith.addf %add3A_458, %broadcast_in_dim3A_487 : vector<1x64xf32>
    %dot_general3A_489 = arith.constant dense<0.000000e+00> : vector<128x64xf32>
    %dot_general3A_490 = tpu.matmul %convert_element_type3A_97, %slice3A_480, %dot_general3A_489 {dimension_numbers = #tpu.dot_dimension_numbers<[1], [0], [0], [1], [0, 0, 1, 1], [], []>, transpose_lhs_hint = false} : vector<128x128xf32>, vector<128x64xf32>, vector<128x64xf32> -> vector<128x64xf32>
    %add3A_491 = vector.broadcast %add3A_488 : vector<1x64xf32> to vector<128x64xf32>
    %add3A_492 = arith.addf %dot_general3A_490, %add3A_491 : vector<128x64xf32>
    %reduce_sum3A_493 = arith.constant dense<0.000000e+00> : vector<64xf32>
    %reduce_sum3A_494 = vector.multi_reduction <add>, %slice3A_480, %reduce_sum3A_493 [0] : vector<128x64xf32> to vector<64xf32>
    %broadcast_in_dim3A_495 = vector.shape_cast %reduce_sum3A_494 : vector<64xf32> to vector<1x64xf32>
    %add3A_496 = arith.addf %add3A_488, %broadcast_in_dim3A_495 : vector<1x64xf32>
    %add3A_497 = vector.broadcast %mul3A_66 : vector<1x64xf32> to vector<128x64xf32>
    %add3A_498 = arith.addf %add3A_484, %add3A_497 : vector<128x64xf32>
    %mul3A_499 = arith.mulf %add3A_498, %slice3A_479 : vector<128x64xf32>
    %reduce_sum3A_500 = arith.constant dense<0.000000e+00> : vector<128xf32>
    %reduce_sum3A_501 = vector.multi_reduction <add>, %mul3A_499, %reduce_sum3A_500 [1] : vector<128x64xf32> to vector<128xf32>
    %broadcast_in_dim3A_502 = vector.shape_cast %reduce_sum3A_501 : vector<128xf32> to vector<128x1xf32>
    %add3A_503 = vector.broadcast %mul3A_66 : vector<1x64xf32> to vector<128x64xf32>
    %add3A_504 = arith.addf %add3A_492, %add3A_503 : vector<128x64xf32>
    %mul3A_505 = arith.mulf %add3A_504, %slice3A_480 : vector<128x64xf32>
    %reduce_sum3A_506 = arith.constant dense<0.000000e+00> : vector<128xf32>
    %reduce_sum3A_507 = vector.multi_reduction <add>, %mul3A_505, %reduce_sum3A_506 [1] : vector<128x64xf32> to vector<128xf32>
    %broadcast_in_dim3A_508 = vector.shape_cast %reduce_sum3A_507 : vector<128xf32> to vector<128x1xf32>
    %convert_element_type3A_509 = arith.fptosi %broadcast_in_dim3A_502 : vector<128x1xf32> to vector<128x1xi32>
    %swap3A_510 = arith.constant 1280 : index
    %swap3A_511 = arith.constant 0 : index
    %swap3A_512 = vector.load %arg5[%swap3A_510, %swap3A_511] : memref<2048x1xi32, #tpu.memory_space<vmem>>, vector<128x1xi32>
    tpu.vector_store %arg5[%swap3A_510, %swap3A_511], %convert_element_type3A_509 {strides = array<i32>} : memref<2048x1xi32, #tpu.memory_space<vmem>>, vector<128x1xi32>,
    %convert_element_type3A_513 = arith.fptosi %broadcast_in_dim3A_508 : vector<128x1xf32> to vector<128x1xi32>
    %swap3A_514 = arith.constant 1280 : index
    %swap3A_515 = arith.constant 0 : index
    %swap3A_516 = vector.load %arg6[%swap3A_514, %swap3A_515] : memref<2048x1xi32, #tpu.memory_space<vmem>>, vector<128x1xi32>
    tpu.vector_store %arg6[%swap3A_514, %swap3A_515], %convert_element_type3A_513 {strides = array<i32>} : memref<2048x1xi32, #tpu.memory_space<vmem>>, vector<128x1xi32>,
    %slice3A_517 = vector.extract_strided_slice %convert_element_type3A_44 {offsets = [1408, 0], sizes = [128, 64], strides = [1, 1]} : vector<2048x64xf32> to vector<128x64xf32>
    %slice3A_518 = vector.extract_strided_slice %convert_element_type3A_48 {offsets = [1408, 0], sizes = [128, 64], strides = [1, 1]} : vector<2048x64xf32> to vector<128x64xf32>
    %dot_general3A_519 = arith.constant dense<0.000000e+00> : vector<128x64xf32>
    %dot_general3A_520 = tpu.matmul %convert_element_type3A_97, %slice3A_517, %dot_general3A_519 {dimension_numbers = #tpu.dot_dimension_numbers<[1], [0], [0], [1], [0, 0, 1, 1], [], []>, transpose_lhs_hint = false} : vector<128x128xf32>, vector<128x64xf32>, vector<128x64xf32> -> vector<128x64xf32>
    %add3A_521 = vector.broadcast %add3A_496 : vector<1x64xf32> to vector<128x64xf32>
    %add3A_522 = arith.addf %dot_general3A_520, %add3A_521 : vector<128x64xf32>
    %reduce_sum3A_523 = arith.constant dense<0.000000e+00> : vector<64xf32>
    %reduce_sum3A_524 = vector.multi_reduction <add>, %slice3A_517, %reduce_sum3A_523 [0] : vector<128x64xf32> to vector<64xf32>
    %broadcast_in_dim3A_525 = vector.shape_cast %reduce_sum3A_524 : vector<64xf32> to vector<1x64xf32>
    %add3A_526 = arith.addf %add3A_496, %broadcast_in_dim3A_525 : vector<1x64xf32>
    %dot_general3A_527 = arith.constant dense<0.000000e+00> : vector<128x64xf32>
    %dot_general3A_528 = tpu.matmul %convert_element_type3A_97, %slice3A_518, %dot_general3A_527 {dimension_numbers = #tpu.dot_dimension_numbers<[1], [0], [0], [1], [0, 0, 1, 1], [], []>, transpose_lhs_hint = false} : vector<128x128xf32>, vector<128x64xf32>, vector<128x64xf32> -> vector<128x64xf32>
    %add3A_529 = vector.broadcast %add3A_526 : vector<1x64xf32> to vector<128x64xf32>
    %add3A_530 = arith.addf %dot_general3A_528, %add3A_529 : vector<128x64xf32>
    %reduce_sum3A_531 = arith.constant dense<0.000000e+00> : vector<64xf32>
    %reduce_sum3A_532 = vector.multi_reduction <add>, %slice3A_518, %reduce_sum3A_531 [0] : vector<128x64xf32> to vector<64xf32>
    %broadcast_in_dim3A_533 = vector.shape_cast %reduce_sum3A_532 : vector<64xf32> to vector<1x64xf32>
    %add3A_534 = arith.addf %add3A_526, %broadcast_in_dim3A_533 : vector<1x64xf32>
    %add3A_535 = vector.broadcast %mul3A_66 : vector<1x64xf32> to vector<128x64xf32>
    %add3A_536 = arith.addf %add3A_522, %add3A_535 : vector<128x64xf32>
    %mul3A_537 = arith.mulf %add3A_536, %slice3A_517 : vector<128x64xf32>
    %reduce_sum3A_538 = arith.constant dense<0.000000e+00> : vector<128xf32>
    %reduce_sum3A_539 = vector.multi_reduction <add>, %mul3A_537, %reduce_sum3A_538 [1] : vector<128x64xf32> to vector<128xf32>
    %broadcast_in_dim3A_540 = vector.shape_cast %reduce_sum3A_539 : vector<128xf32> to vector<128x1xf32>
    %add3A_541 = vector.broadcast %mul3A_66 : vector<1x64xf32> to vector<128x64xf32>
    %add3A_542 = arith.addf %add3A_530, %add3A_541 : vector<128x64xf32>
    %mul3A_543 = arith.mulf %add3A_542, %slice3A_518 : vector<128x64xf32>
    %reduce_sum3A_544 = arith.constant dense<0.000000e+00> : vector<128xf32>
    %reduce_sum3A_545 = vector.multi_reduction <add>, %mul3A_543, %reduce_sum3A_544 [1] : vector<128x64xf32> to vector<128xf32>
    %broadcast_in_dim3A_546 = vector.shape_cast %reduce_sum3A_545 : vector<128xf32> to vector<128x1xf32>
    %convert_element_type3A_547 = arith.fptosi %broadcast_in_dim3A_540 : vector<128x1xf32> to vector<128x1xi32>
    %swap3A_548 = arith.constant 1408 : index
    %swap3A_549 = arith.constant 0 : index
    %swap3A_550 = vector.load %arg5[%swap3A_548, %swap3A_549] : memref<2048x1xi32, #tpu.memory_space<vmem>>, vector<128x1xi32>
    tpu.vector_store %arg5[%swap3A_548, %swap3A_549], %convert_element_type3A_547 {strides = array<i32>} : memref<2048x1xi32, #tpu.memory_space<vmem>>, vector<128x1xi32>,
    %convert_element_type3A_551 = arith.fptosi %broadcast_in_dim3A_546 : vector<128x1xf32> to vector<128x1xi32>
    %swap3A_552 = arith.constant 1408 : index
    %swap3A_553 = arith.constant 0 : index
    %swap3A_554 = vector.load %arg6[%swap3A_552, %swap3A_553] : memref<2048x1xi32, #tpu.memory_space<vmem>>, vector<128x1xi32>
    tpu.vector_store %arg6[%swap3A_552, %swap3A_553], %convert_element_type3A_551 {strides = array<i32>} : memref<2048x1xi32, #tpu.memory_space<vmem>>, vector<128x1xi32>,
    %slice3A_555 = vector.extract_strided_slice %convert_element_type3A_44 {offsets = [1536, 0], sizes = [128, 64], strides = [1, 1]} : vector<2048x64xf32> to vector<128x64xf32>
    %slice3A_556 = vector.extract_strided_slice %convert_element_type3A_48 {offsets = [1536, 0], sizes = [128, 64], strides = [1, 1]} : vector<2048x64xf32> to vector<128x64xf32>
    %dot_general3A_557 = arith.constant dense<0.000000e+00> : vector<128x64xf32>
    %dot_general3A_558 = tpu.matmul %convert_element_type3A_97, %slice3A_555, %dot_general3A_557 {dimension_numbers = #tpu.dot_dimension_numbers<[1], [0], [0], [1], [0, 0, 1, 1], [], []>, transpose_lhs_hint = false} : vector<128x128xf32>, vector<128x64xf32>, vector<128x64xf32> -> vector<128x64xf32>
    %add3A_559 = vector.broadcast %add3A_534 : vector<1x64xf32> to vector<128x64xf32>
    %add3A_560 = arith.addf %dot_general3A_558, %add3A_559 : vector<128x64xf32>
    %reduce_sum3A_561 = arith.constant dense<0.000000e+00> : vector<64xf32>
    %reduce_sum3A_562 = vector.multi_reduction <add>, %slice3A_555, %reduce_sum3A_561 [0] : vector<128x64xf32> to vector<64xf32>
    %broadcast_in_dim3A_563 = vector.shape_cast %reduce_sum3A_562 : vector<64xf32> to vector<1x64xf32>
    %add3A_564 = arith.addf %add3A_534, %broadcast_in_dim3A_563 : vector<1x64xf32>
    %dot_general3A_565 = arith.constant dense<0.000000e+00> : vector<128x64xf32>
    %dot_general3A_566 = tpu.matmul %convert_element_type3A_97, %slice3A_556, %dot_general3A_565 {dimension_numbers = #tpu.dot_dimension_numbers<[1], [0], [0], [1], [0, 0, 1, 1], [], []>, transpose_lhs_hint = false} : vector<128x128xf32>, vector<128x64xf32>, vector<128x64xf32> -> vector<128x64xf32>
    %add3A_567 = vector.broadcast %add3A_564 : vector<1x64xf32> to vector<128x64xf32>
    %add3A_568 = arith.addf %dot_general3A_566, %add3A_567 : vector<128x64xf32>
    %reduce_sum3A_569 = arith.constant dense<0.000000e+00> : vector<64xf32>
    %reduce_sum3A_570 = vector.multi_reduction <add>, %slice3A_556, %reduce_sum3A_569 [0] : vector<128x64xf32> to vector<64xf32>
    %broadcast_in_dim3A_571 = vector.shape_cast %reduce_sum3A_570 : vector<64xf32> to vector<1x64xf32>
    %add3A_572 = arith.addf %add3A_564, %broadcast_in_dim3A_571 : vector<1x64xf32>
    %add3A_573 = vector.broadcast %mul3A_66 : vector<1x64xf32> to vector<128x64xf32>
    %add3A_574 = arith.addf %add3A_560, %add3A_573 : vector<128x64xf32>
    %mul3A_575 = arith.mulf %add3A_574, %slice3A_555 : vector<128x64xf32>
    %reduce_sum3A_576 = arith.constant dense<0.000000e+00> : vector<128xf32>
    %reduce_sum3A_577 = vector.multi_reduction <add>, %mul3A_575, %reduce_sum3A_576 [1] : vector<128x64xf32> to vector<128xf32>
    %broadcast_in_dim3A_578 = vector.shape_cast %reduce_sum3A_577 : vector<128xf32> to vector<128x1xf32>
    %add3A_579 = vector.broadcast %mul3A_66 : vector<1x64xf32> to vector<128x64xf32>
    %add3A_580 = arith.addf %add3A_568, %add3A_579 : vector<128x64xf32>
    %mul3A_581 = arith.mulf %add3A_580, %slice3A_556 : vector<128x64xf32>
    %reduce_sum3A_582 = arith.constant dense<0.000000e+00> : vector<128xf32>
    %reduce_sum3A_583 = vector.multi_reduction <add>, %mul3A_581, %reduce_sum3A_582 [1] : vector<128x64xf32> to vector<128xf32>
    %broadcast_in_dim3A_584 = vector.shape_cast %reduce_sum3A_583 : vector<128xf32> to vector<128x1xf32>
    %convert_element_type3A_585 = arith.fptosi %broadcast_in_dim3A_578 : vector<128x1xf32> to vector<128x1xi32>
    %swap3A_586 = arith.constant 1536 : index
    %swap3A_587 = arith.constant 0 : index
    %swap3A_588 = vector.load %arg5[%swap3A_586, %swap3A_587] : memref<2048x1xi32, #tpu.memory_space<vmem>>, vector<128x1xi32>
    tpu.vector_store %arg5[%swap3A_586, %swap3A_587], %convert_element_type3A_585 {strides = array<i32>} : memref<2048x1xi32, #tpu.memory_space<vmem>>, vector<128x1xi32>,
    %convert_element_type3A_589 = arith.fptosi %broadcast_in_dim3A_584 : vector<128x1xf32> to vector<128x1xi32>
    %swap3A_590 = arith.constant 1536 : index
    %swap3A_591 = arith.constant 0 : index
    %swap3A_592 = vector.load %arg6[%swap3A_590, %swap3A_591] : memref<2048x1xi32, #tpu.memory_space<vmem>>, vector<128x1xi32>
    tpu.vector_store %arg6[%swap3A_590, %swap3A_591], %convert_element_type3A_589 {strides = array<i32>} : memref<2048x1xi32, #tpu.memory_space<vmem>>, vector<128x1xi32>,
    %slice3A_593 = vector.extract_strided_slice %convert_element_type3A_44 {offsets = [1664, 0], sizes = [128, 64], strides = [1, 1]} : vector<2048x64xf32> to vector<128x64xf32>
    %slice3A_594 = vector.extract_strided_slice %convert_element_type3A_48 {offsets = [1664, 0], sizes = [128, 64], strides = [1, 1]} : vector<2048x64xf32> to vector<128x64xf32>
    %dot_general3A_595 = arith.constant dense<0.000000e+00> : vector<128x64xf32>
    %dot_general3A_596 = tpu.matmul %convert_element_type3A_97, %slice3A_593, %dot_general3A_595 {dimension_numbers = #tpu.dot_dimension_numbers<[1], [0], [0], [1], [0, 0, 1, 1], [], []>, transpose_lhs_hint = false} : vector<128x128xf32>, vector<128x64xf32>, vector<128x64xf32> -> vector<128x64xf32>
    %add3A_597 = vector.broadcast %add3A_572 : vector<1x64xf32> to vector<128x64xf32>
    %add3A_598 = arith.addf %dot_general3A_596, %add3A_597 : vector<128x64xf32>
    %reduce_sum3A_599 = arith.constant dense<0.000000e+00> : vector<64xf32>
    %reduce_sum3A_600 = vector.multi_reduction <add>, %slice3A_593, %reduce_sum3A_599 [0] : vector<128x64xf32> to vector<64xf32>
    %broadcast_in_dim3A_601 = vector.shape_cast %reduce_sum3A_600 : vector<64xf32> to vector<1x64xf32>
    %add3A_602 = arith.addf %add3A_572, %broadcast_in_dim3A_601 : vector<1x64xf32>
    %dot_general3A_603 = arith.constant dense<0.000000e+00> : vector<128x64xf32>
    %dot_general3A_604 = tpu.matmul %convert_element_type3A_97, %slice3A_594, %dot_general3A_603 {dimension_numbers = #tpu.dot_dimension_numbers<[1], [0], [0], [1], [0, 0, 1, 1], [], []>, transpose_lhs_hint = false} : vector<128x128xf32>, vector<128x64xf32>, vector<128x64xf32> -> vector<128x64xf32>
    %add3A_605 = vector.broadcast %add3A_602 : vector<1x64xf32> to vector<128x64xf32>
    %add3A_606 = arith.addf %dot_general3A_604, %add3A_605 : vector<128x64xf32>
    %reduce_sum3A_607 = arith.constant dense<0.000000e+00> : vector<64xf32>
    %reduce_sum3A_608 = vector.multi_reduction <add>, %slice3A_594, %reduce_sum3A_607 [0] : vector<128x64xf32> to vector<64xf32>
    %broadcast_in_dim3A_609 = vector.shape_cast %reduce_sum3A_608 : vector<64xf32> to vector<1x64xf32>
    %add3A_610 = arith.addf %add3A_602, %broadcast_in_dim3A_609 : vector<1x64xf32>
    %add3A_611 = vector.broadcast %mul3A_66 : vector<1x64xf32> to vector<128x64xf32>
    %add3A_612 = arith.addf %add3A_598, %add3A_611 : vector<128x64xf32>
    %mul3A_613 = arith.mulf %add3A_612, %slice3A_593 : vector<128x64xf32>
    %reduce_sum3A_614 = arith.constant dense<0.000000e+00> : vector<128xf32>
    %reduce_sum3A_615 = vector.multi_reduction <add>, %mul3A_613, %reduce_sum3A_614 [1] : vector<128x64xf32> to vector<128xf32>
    %broadcast_in_dim3A_616 = vector.shape_cast %reduce_sum3A_615 : vector<128xf32> to vector<128x1xf32>
    %add3A_617 = vector.broadcast %mul3A_66 : vector<1x64xf32> to vector<128x64xf32>
    %add3A_618 = arith.addf %add3A_606, %add3A_617 : vector<128x64xf32>
    %mul3A_619 = arith.mulf %add3A_618, %slice3A_594 : vector<128x64xf32>
    %reduce_sum3A_620 = arith.constant dense<0.000000e+00> : vector<128xf32>
    %reduce_sum3A_621 = vector.multi_reduction <add>, %mul3A_619, %reduce_sum3A_620 [1] : vector<128x64xf32> to vector<128xf32>
    %broadcast_in_dim3A_622 = vector.shape_cast %reduce_sum3A_621 : vector<128xf32> to vector<128x1xf32>
    %convert_element_type3A_623 = arith.fptosi %broadcast_in_dim3A_616 : vector<128x1xf32> to vector<128x1xi32>
    %swap3A_624 = arith.constant 1664 : index
    %swap3A_625 = arith.constant 0 : index
    %swap3A_626 = vector.load %arg5[%swap3A_624, %swap3A_625] : memref<2048x1xi32, #tpu.memory_space<vmem>>, vector<128x1xi32>
    tpu.vector_store %arg5[%swap3A_624, %swap3A_625], %convert_element_type3A_623 {strides = array<i32>} : memref<2048x1xi32, #tpu.memory_space<vmem>>, vector<128x1xi32>,
    %convert_element_type3A_627 = arith.fptosi %broadcast_in_dim3A_622 : vector<128x1xf32> to vector<128x1xi32>
    %swap3A_628 = arith.constant 1664 : index
    %swap3A_629 = arith.constant 0 : index
    %swap3A_630 = vector.load %arg6[%swap3A_628, %swap3A_629] : memref<2048x1xi32, #tpu.memory_space<vmem>>, vector<128x1xi32>
    tpu.vector_store %arg6[%swap3A_628, %swap3A_629], %convert_element_type3A_627 {strides = array<i32>} : memref<2048x1xi32, #tpu.memory_space<vmem>>, vector<128x1xi32>,
    %slice3A_631 = vector.extract_strided_slice %convert_element_type3A_44 {offsets = [1792, 0], sizes = [128, 64], strides = [1, 1]} : vector<2048x64xf32> to vector<128x64xf32>
    %slice3A_632 = vector.extract_strided_slice %convert_element_type3A_48 {offsets = [1792, 0], sizes = [128, 64], strides = [1, 1]} : vector<2048x64xf32> to vector<128x64xf32>
    %dot_general3A_633 = arith.constant dense<0.000000e+00> : vector<128x64xf32>
    %dot_general3A_634 = tpu.matmul %convert_element_type3A_97, %slice3A_631, %dot_general3A_633 {dimension_numbers = #tpu.dot_dimension_numbers<[1], [0], [0], [1], [0, 0, 1, 1], [], []>, transpose_lhs_hint = false} : vector<128x128xf32>, vector<128x64xf32>, vector<128x64xf32> -> vector<128x64xf32>
    %add3A_635 = vector.broadcast %add3A_610 : vector<1x64xf32> to vector<128x64xf32>
    %add3A_636 = arith.addf %dot_general3A_634, %add3A_635 : vector<128x64xf32>
    %reduce_sum3A_637 = arith.constant dense<0.000000e+00> : vector<64xf32>
    %reduce_sum3A_638 = vector.multi_reduction <add>, %slice3A_631, %reduce_sum3A_637 [0] : vector<128x64xf32> to vector<64xf32>
    %broadcast_in_dim3A_639 = vector.shape_cast %reduce_sum3A_638 : vector<64xf32> to vector<1x64xf32>
    %add3A_640 = arith.addf %add3A_610, %broadcast_in_dim3A_639 : vector<1x64xf32>
    %dot_general3A_641 = arith.constant dense<0.000000e+00> : vector<128x64xf32>
    %dot_general3A_642 = tpu.matmul %convert_element_type3A_97, %slice3A_632, %dot_general3A_641 {dimension_numbers = #tpu.dot_dimension_numbers<[1], [0], [0], [1], [0, 0, 1, 1], [], []>, transpose_lhs_hint = false} : vector<128x128xf32>, vector<128x64xf32>, vector<128x64xf32> -> vector<128x64xf32>
    %add3A_643 = vector.broadcast %add3A_640 : vector<1x64xf32> to vector<128x64xf32>
    %add3A_644 = arith.addf %dot_general3A_642, %add3A_643 : vector<128x64xf32>
    %reduce_sum3A_645 = arith.constant dense<0.000000e+00> : vector<64xf32>
    %reduce_sum3A_646 = vector.multi_reduction <add>, %slice3A_632, %reduce_sum3A_645 [0] : vector<128x64xf32> to vector<64xf32>
    %broadcast_in_dim3A_647 = vector.shape_cast %reduce_sum3A_646 : vector<64xf32> to vector<1x64xf32>
    %add3A_648 = arith.addf %add3A_640, %broadcast_in_dim3A_647 : vector<1x64xf32>
    %add3A_649 = vector.broadcast %mul3A_66 : vector<1x64xf32> to vector<128x64xf32>
    %add3A_650 = arith.addf %add3A_636, %add3A_649 : vector<128x64xf32>
    %mul3A_651 = arith.mulf %add3A_650, %slice3A_631 : vector<128x64xf32>
    %reduce_sum3A_652 = arith.constant dense<0.000000e+00> : vector<128xf32>
    %reduce_sum3A_653 = vector.multi_reduction <add>, %mul3A_651, %reduce_sum3A_652 [1] : vector<128x64xf32> to vector<128xf32>
    %broadcast_in_dim3A_654 = vector.shape_cast %reduce_sum3A_653 : vector<128xf32> to vector<128x1xf32>
    %add3A_655 = vector.broadcast %mul3A_66 : vector<1x64xf32> to vector<128x64xf32>
    %add3A_656 = arith.addf %add3A_644, %add3A_655 : vector<128x64xf32>
    %mul3A_657 = arith.mulf %add3A_656, %slice3A_632 : vector<128x64xf32>
    %reduce_sum3A_658 = arith.constant dense<0.000000e+00> : vector<128xf32>
    %reduce_sum3A_659 = vector.multi_reduction <add>, %mul3A_657, %reduce_sum3A_658 [1] : vector<128x64xf32> to vector<128xf32>
    %broadcast_in_dim3A_660 = vector.shape_cast %reduce_sum3A_659 : vector<128xf32> to vector<128x1xf32>
    %convert_element_type3A_661 = arith.fptosi %broadcast_in_dim3A_654 : vector<128x1xf32> to vector<128x1xi32>
    %swap3A_662 = arith.constant 1792 : index
    %swap3A_663 = arith.constant 0 : index
    %swap3A_664 = vector.load %arg5[%swap3A_662, %swap3A_663] : memref<2048x1xi32, #tpu.memory_space<vmem>>, vector<128x1xi32>
    tpu.vector_store %arg5[%swap3A_662, %swap3A_663], %convert_element_type3A_661 {strides = array<i32>} : memref<2048x1xi32, #tpu.memory_space<vmem>>, vector<128x1xi32>,
    %convert_element_type3A_665 = arith.fptosi %broadcast_in_dim3A_660 : vector<128x1xf32> to vector<128x1xi32>
    %swap3A_666 = arith.constant 1792 : index
    %swap3A_667 = arith.constant 0 : index
    %swap3A_668 = vector.load %arg6[%swap3A_666, %swap3A_667] : memref<2048x1xi32, #tpu.memory_space<vmem>>, vector<128x1xi32>
    tpu.vector_store %arg6[%swap3A_666, %swap3A_667], %convert_element_type3A_665 {strides = array<i32>} : memref<2048x1xi32, #tpu.memory_space<vmem>>, vector<128x1xi32>,
    %slice3A_669 = vector.extract_strided_slice %convert_element_type3A_44 {offsets = [1920, 0], sizes = [128, 64], strides = [1, 1]} : vector<2048x64xf32> to vector<128x64xf32>
    %slice3A_670 = vector.extract_strided_slice %convert_element_type3A_48 {offsets = [1920, 0], sizes = [128, 64], strides = [1, 1]} : vector<2048x64xf32> to vector<128x64xf32>
    %dot_general3A_671 = arith.constant dense<0.000000e+00> : vector<128x64xf32>
    %dot_general3A_672 = tpu.matmul %convert_element_type3A_97, %slice3A_669, %dot_general3A_671 {dimension_numbers = #tpu.dot_dimension_numbers<[1], [0], [0], [1], [0, 0, 1, 1], [], []>, transpose_lhs_hint = false} : vector<128x128xf32>, vector<128x64xf32>, vector<128x64xf32> -> vector<128x64xf32>
    %add3A_673 = vector.broadcast %add3A_648 : vector<1x64xf32> to vector<128x64xf32>
    %add3A_674 = arith.addf %dot_general3A_672, %add3A_673 : vector<128x64xf32>
    %reduce_sum3A_675 = arith.constant dense<0.000000e+00> : vector<64xf32>
    %reduce_sum3A_676 = vector.multi_reduction <add>, %slice3A_669, %reduce_sum3A_675 [0] : vector<128x64xf32> to vector<64xf32>
    %broadcast_in_dim3A_677 = vector.shape_cast %reduce_sum3A_676 : vector<64xf32> to vector<1x64xf32>
    %add3A_678 = arith.addf %add3A_648, %broadcast_in_dim3A_677 : vector<1x64xf32>
    %dot_general3A_679 = arith.constant dense<0.000000e+00> : vector<128x64xf32>
    %dot_general3A_680 = tpu.matmul %convert_element_type3A_97, %slice3A_670, %dot_general3A_679 {dimension_numbers = #tpu.dot_dimension_numbers<[1], [0], [0], [1], [0, 0, 1, 1], [], []>, transpose_lhs_hint = false} : vector<128x128xf32>, vector<128x64xf32>, vector<128x64xf32> -> vector<128x64xf32>
    %add3A_681 = vector.broadcast %add3A_678 : vector<1x64xf32> to vector<128x64xf32>
    %add3A_682 = arith.addf %dot_general3A_680, %add3A_681 : vector<128x64xf32>
    %add3A_683 = vector.broadcast %mul3A_66 : vector<1x64xf32> to vector<128x64xf32>
    %add3A_684 = arith.addf %add3A_674, %add3A_683 : vector<128x64xf32>
    %mul3A_685 = arith.mulf %add3A_684, %slice3A_669 : vector<128x64xf32>
    %reduce_sum3A_686 = arith.constant dense<0.000000e+00> : vector<128xf32>
    %reduce_sum3A_687 = vector.multi_reduction <add>, %mul3A_685, %reduce_sum3A_686 [1] : vector<128x64xf32> to vector<128xf32>
    %broadcast_in_dim3A_688 = vector.shape_cast %reduce_sum3A_687 : vector<128xf32> to vector<128x1xf32>
    %add3A_689 = vector.broadcast %mul3A_66 : vector<1x64xf32> to vector<128x64xf32>
    %add3A_690 = arith.addf %add3A_682, %add3A_689 : vector<128x64xf32>
    %mul3A_691 = arith.mulf %add3A_690, %slice3A_670 : vector<128x64xf32>
    %reduce_sum3A_692 = arith.constant dense<0.000000e+00> : vector<128xf32>
    %reduce_sum3A_693 = vector.multi_reduction <add>, %mul3A_691, %reduce_sum3A_692 [1] : vector<128x64xf32> to vector<128xf32>
    %broadcast_in_dim3A_694 = vector.shape_cast %reduce_sum3A_693 : vector<128xf32> to vector<128x1xf32>
    %convert_element_type3A_695 = arith.fptosi %broadcast_in_dim3A_688 : vector<128x1xf32> to vector<128x1xi32>
    %swap3A_696 = arith.constant 1920 : index
    %swap3A_697 = arith.constant 0 : index
    %swap3A_698 = vector.load %arg5[%swap3A_696, %swap3A_697] : memref<2048x1xi32, #tpu.memory_space<vmem>>, vector<128x1xi32>
    tpu.vector_store %arg5[%swap3A_696, %swap3A_697], %convert_element_type3A_695 {strides = array<i32>} : memref<2048x1xi32, #tpu.memory_space<vmem>>, vector<128x1xi32>,
    %convert_element_type3A_699 = arith.fptosi %broadcast_in_dim3A_694 : vector<128x1xf32> to vector<128x1xi32>
    %swap3A_700 = arith.constant 1920 : index
    %swap3A_701 = arith.constant 0 : index
    %swap3A_702 = vector.load %arg6[%swap3A_700, %swap3A_701] : memref<2048x1xi32, #tpu.memory_space<vmem>>, vector<128x1xi32>
    tpu.vector_store %arg6[%swap3A_700, %swap3A_701], %convert_element_type3A_699 {strides = array<i32>} : memref<2048x1xi32, #tpu.memory_space<vmem>>, vector<128x1xi32>,
    return
  }
}

module attributes {stable_mosaic.version = 14 : i64} {
  func.func @_mlp_body(%arg0: i32, %arg1: memref<96xi32, #tpu.memory_space<smem>>, %arg2: memref<1xi32, #tpu.memory_space<smem>>, %arg3: memref<128x768xf32, #tpu.memory_space<vmem>>, %arg4: memref<1x768x1536xf32, #tpu.memory_space<vmem>>, %arg5: memref<1x768x1536xf32, #tpu.memory_space<vmem>>, %arg6: memref<1x1x3072xf32, #tpu.memory_space<vmem>>, %arg7: memref<1x1536x768xf32, #tpu.memory_space<vmem>>, %arg8: memref<1x1536x768xf32, #tpu.memory_space<vmem>>, %arg9: memref<1x1x768xf32, #tpu.memory_space<vmem>>, %arg10: memref<128x768xf32, #tpu.memory_space<vmem>>) attributes {dimension_semantics = [#tpu.dimension_semantics<arbitrary>], iteration_bounds = array<i64: 96>, scalar_prefetch = 2 : i64, scratch_operands = 0 : i64, tpu.core_type = #tpu.core_type<tc>, window_params = [{transform_indices = @transform_0, window_bounds = array<i64: 128, 768>}, {transform_indices = @transform_1, window_bounds = array<i64: 1, 768, 1536>}, {transform_indices = @transform_2, window_bounds = array<i64: 1, 768, 1536>}, {transform_indices = @transform_3, window_bounds = array<i64: 1, 1, 3072>}, {transform_indices = @transform_4, window_bounds = array<i64: 1, 1536, 768>}, {transform_indices = @transform_5, window_bounds = array<i64: 1, 1536, 768>}, {transform_indices = @transform_6, window_bounds = array<i64: 1, 1, 768>}, {transform_indices = @transform_7, window_bounds = array<i64: 128, 768>}]} {
    %get3A = arith.constant 0 : index
    %get3A_0 = memref.load %arg2[%get3A] : memref<1xi32, #tpu.memory_space<smem>>
    %lt3A = arith.cmpi slt, %arg0, %get3A_0 : i32
    %convert_element_type3A = arith.extui %lt3A : i1 to i32
    %cond3A = arith.constant 0 : i32
    %cond3A_1 = arith.cmpi ne, %convert_element_type3A, %cond3A : i32
    scf.if %cond3A_1 {
      %get3A_2 = arith.constant 0 : index
      %get3A_3 = arith.constant 0 : index
      %get3A_4 = vector.load %arg3[%get3A_2, %get3A_3] : memref<128x768xf32, #tpu.memory_space<vmem>>, vector<128x768xf32>
      %get3A_5 = arith.constant 0 : index
      %get3A_6 = arith.constant 0 : index
      %get3A_7 = arith.constant 0 : index
      %get3A_8 = vector.load %arg9[%get3A_5, %get3A_6, %get3A_7] : memref<1x1x768xf32, #tpu.memory_space<vmem>>, vector<1x1x768xf32>
      %get3A_9 = vector.shape_cast %get3A_8 : vector<1x1x768xf32> to vector<768xf32>
      %get3A_10 = arith.constant 0 : index
      %get3A_11 = arith.constant 0 : index
      %get3A_12 = arith.constant 0 : index
      %get3A_13 = vector.load %arg4[%get3A_10, %get3A_11, %get3A_12] : memref<1x768x1536xf32, #tpu.memory_space<vmem>>, vector<1x768x1536xf32>
      %get3A_14 = vector.shape_cast %get3A_13 : vector<1x768x1536xf32> to vector<768x1536xf32>
      %dot_general3A = arith.constant dense<0.000000e+00> : vector<128x1536xf32>
      %dot_general3A_15 = tpu.matmul %get3A_4, %get3A_14, %dot_general3A {dimension_numbers = #tpu.dot_dimension_numbers<[1], [0], [0], [1], [0, 0, 1, 1], [], []>, transpose_lhs_hint = false} : vector<128x768xf32>, vector<768x1536xf32>, vector<128x1536xf32> -> vector<128x1536xf32>
      %get3A_16 = arith.constant 0 : index
      %get3A_17 = arith.constant 0 : index
      %get3A_18 = arith.constant 0 : index
      %get3A_19 = vector.load %arg6[%get3A_16, %get3A_17, %get3A_18] : memref<1x1x3072xf32, #tpu.memory_space<vmem>>, vector<1x1x1536xf32>
      %get3A_20 = vector.shape_cast %get3A_19 : vector<1x1x1536xf32> to vector<1536xf32>
      %broadcast_in_dim3A = vector.shape_cast %get3A_20 : vector<1536xf32> to vector<1x1536xf32>
      %add3A = vector.broadcast %broadcast_in_dim3A : vector<1x1536xf32> to vector<128x1536xf32>
      %add3A_21 = arith.addf %dot_general3A_15, %add3A : vector<128x1536xf32>
      %max3A = arith.constant 0.000000e+00 : f32
      %max3A_22 = vector.broadcast %max3A : f32 to vector<128x1536xf32>
      %max3A_23 = arith.maximumf %add3A_21, %max3A_22 : vector<128x1536xf32>
      %get3A_24 = arith.constant 0 : index
      %get3A_25 = arith.constant 0 : index
      %get3A_26 = arith.constant 0 : index
      %get3A_27 = vector.load %arg7[%get3A_24, %get3A_25, %get3A_26] : memref<1x1536x768xf32, #tpu.memory_space<vmem>>, vector<1x1536x768xf32>
      %get3A_28 = vector.shape_cast %get3A_27 : vector<1x1536x768xf32> to vector<1536x768xf32>
      %dot_general3A_29 = arith.constant dense<0.000000e+00> : vector<128x768xf32>
      %dot_general3A_30 = tpu.matmul %max3A_23, %get3A_28, %dot_general3A_29 {dimension_numbers = #tpu.dot_dimension_numbers<[1], [0], [0], [1], [0, 0, 1, 1], [], []>, transpose_lhs_hint = false} : vector<128x1536xf32>, vector<1536x768xf32>, vector<128x768xf32> -> vector<128x768xf32>
      %broadcast_in_dim3A_31 = vector.shape_cast %get3A_9 : vector<768xf32> to vector<1x768xf32>
      %add3A_32 = vector.broadcast %broadcast_in_dim3A_31 : vector<1x768xf32> to vector<128x768xf32>
      %add3A_33 = arith.addf %add3A_32, %dot_general3A_30 : vector<128x768xf32>
      %get3A_34 = arith.constant 0 : index
      %get3A_35 = arith.constant 0 : index
      %get3A_36 = arith.constant 0 : index
      %get3A_37 = vector.load %arg5[%get3A_34, %get3A_35, %get3A_36] : memref<1x768x1536xf32, #tpu.memory_space<vmem>>, vector<1x768x1536xf32>
      %get3A_38 = vector.shape_cast %get3A_37 : vector<1x768x1536xf32> to vector<768x1536xf32>
      %dot_general3A_39 = arith.constant dense<0.000000e+00> : vector<128x1536xf32>
      %dot_general3A_40 = tpu.matmul %get3A_4, %get3A_38, %dot_general3A_39 {dimension_numbers = #tpu.dot_dimension_numbers<[1], [0], [0], [1], [0, 0, 1, 1], [], []>, transpose_lhs_hint = false} : vector<128x768xf32>, vector<768x1536xf32>, vector<128x1536xf32> -> vector<128x1536xf32>
      %get3A_41 = arith.constant 0 : index
      %get3A_42 = arith.constant 0 : index
      %get3A_43 = arith.constant 1536 : index
      %get3A_44 = vector.load %arg6[%get3A_41, %get3A_42, %get3A_43] : memref<1x1x3072xf32, #tpu.memory_space<vmem>>, vector<1x1x1536xf32>
      %get3A_45 = vector.shape_cast %get3A_44 : vector<1x1x1536xf32> to vector<1536xf32>
      %broadcast_in_dim3A_46 = vector.shape_cast %get3A_45 : vector<1536xf32> to vector<1x1536xf32>
      %add3A_47 = vector.broadcast %broadcast_in_dim3A_46 : vector<1x1536xf32> to vector<128x1536xf32>
      %add3A_48 = arith.addf %dot_general3A_40, %add3A_47 : vector<128x1536xf32>
      %max3A_49 = arith.constant 0.000000e+00 : f32
      %max3A_50 = vector.broadcast %max3A_49 : f32 to vector<128x1536xf32>
      %max3A_51 = arith.maximumf %add3A_48, %max3A_50 : vector<128x1536xf32>
      %get3A_52 = arith.constant 0 : index
      %get3A_53 = arith.constant 0 : index
      %get3A_54 = arith.constant 0 : index
      %get3A_55 = vector.load %arg8[%get3A_52, %get3A_53, %get3A_54] : memref<1x1536x768xf32, #tpu.memory_space<vmem>>, vector<1x1536x768xf32>
      %get3A_56 = vector.shape_cast %get3A_55 : vector<1x1536x768xf32> to vector<1536x768xf32>
      %dot_general3A_57 = arith.constant dense<0.000000e+00> : vector<128x768xf32>
      %dot_general3A_58 = tpu.matmul %max3A_51, %get3A_56, %dot_general3A_57 {dimension_numbers = #tpu.dot_dimension_numbers<[1], [0], [0], [1], [0, 0, 1, 1], [], []>, transpose_lhs_hint = false} : vector<128x1536xf32>, vector<1536x768xf32>, vector<128x768xf32> -> vector<128x768xf32>
      %add3A_59 = arith.addf %add3A_33, %dot_general3A_58 : vector<128x768xf32>
      %swap3A = arith.constant 0 : index
      %swap3A_60 = arith.constant 0 : index
      %swap3A_61 = vector.load %arg10[%swap3A, %swap3A_60] : memref<128x768xf32, #tpu.memory_space<vmem>>, vector<128x768xf32>
      tpu.vector_store %arg10[%swap3A, %swap3A_60], %add3A_59 {strides = array<i32>} : memref<128x768xf32, #tpu.memory_space<vmem>>, vector<128x768xf32>,
    } else {
    }
    return
  }
  func.func @transform_0(%arg0: i32, %arg1: memref<96xi32, #tpu.memory_space<smem>>, %arg2: memref<1xi32, #tpu.memory_space<smem>>) -> (i32, i32) {
    %c0_i32 = arith.constant 0 : i32
    %c0_i32_0 = arith.constant 0 : i32
    return %arg0, %c0_i32 : i32, i32
  }
  func.func @transform_1(%arg0: i32, %arg1: memref<96xi32, #tpu.memory_space<smem>>, %arg2: memref<1xi32, #tpu.memory_space<smem>>) -> (i32, i32, i32) {
    %get3A = arith.index_cast %arg0 : i32 to index
    %get3A_0 = memref.load %arg1[%get3A] : memref<96xi32, #tpu.memory_space<smem>>
    %c0_i32 = arith.constant 0 : i32
    %c0_i32_1 = arith.constant 0 : i32
    %c0_i32_2 = arith.constant 0 : i32
    return %get3A_0, %c0_i32, %c0_i32_1 : i32, i32, i32
  }
  func.func @transform_2(%arg0: i32, %arg1: memref<96xi32, #tpu.memory_space<smem>>, %arg2: memref<1xi32, #tpu.memory_space<smem>>) -> (i32, i32, i32) {
    %get3A = arith.index_cast %arg0 : i32 to index
    %get3A_0 = memref.load %arg1[%get3A] : memref<96xi32, #tpu.memory_space<smem>>
    %c0_i32 = arith.constant 0 : i32
    %c1_i32 = arith.constant 1 : i32
    %c0_i32_1 = arith.constant 0 : i32
    return %get3A_0, %c0_i32, %c1_i32 : i32, i32, i32
  }
  func.func @transform_3(%arg0: i32, %arg1: memref<96xi32, #tpu.memory_space<smem>>, %arg2: memref<1xi32, #tpu.memory_space<smem>>) -> (i32, i32, i32) {
    %get3A = arith.index_cast %arg0 : i32 to index
    %get3A_0 = memref.load %arg1[%get3A] : memref<96xi32, #tpu.memory_space<smem>>
    %c0_i32 = arith.constant 0 : i32
    %c0_i32_1 = arith.constant 0 : i32
    %c0_i32_2 = arith.constant 0 : i32
    return %get3A_0, %c0_i32, %c0_i32_1 : i32, i32, i32
  }
  func.func @transform_4(%arg0: i32, %arg1: memref<96xi32, #tpu.memory_space<smem>>, %arg2: memref<1xi32, #tpu.memory_space<smem>>) -> (i32, i32, i32) {
    %get3A = arith.index_cast %arg0 : i32 to index
    %get3A_0 = memref.load %arg1[%get3A] : memref<96xi32, #tpu.memory_space<smem>>
    %c0_i32 = arith.constant 0 : i32
    %c0_i32_1 = arith.constant 0 : i32
    %c0_i32_2 = arith.constant 0 : i32
    return %get3A_0, %c0_i32, %c0_i32_1 : i32, i32, i32
  }
  func.func @transform_5(%arg0: i32, %arg1: memref<96xi32, #tpu.memory_space<smem>>, %arg2: memref<1xi32, #tpu.memory_space<smem>>) -> (i32, i32, i32) {
    %get3A = arith.index_cast %arg0 : i32 to index
    %get3A_0 = memref.load %arg1[%get3A] : memref<96xi32, #tpu.memory_space<smem>>
    %c1_i32 = arith.constant 1 : i32
    %c0_i32 = arith.constant 0 : i32
    %c0_i32_1 = arith.constant 0 : i32
    return %get3A_0, %c1_i32, %c0_i32 : i32, i32, i32
  }
  func.func @transform_6(%arg0: i32, %arg1: memref<96xi32, #tpu.memory_space<smem>>, %arg2: memref<1xi32, #tpu.memory_space<smem>>) -> (i32, i32, i32) {
    %get3A = arith.index_cast %arg0 : i32 to index
    %get3A_0 = memref.load %arg1[%get3A] : memref<96xi32, #tpu.memory_space<smem>>
    %c0_i32 = arith.constant 0 : i32
    %c0_i32_1 = arith.constant 0 : i32
    %c0_i32_2 = arith.constant 0 : i32
    return %get3A_0, %c0_i32, %c0_i32_1 : i32, i32, i32
  }
  func.func @transform_7(%arg0: i32, %arg1: memref<96xi32, #tpu.memory_space<smem>>, %arg2: memref<1xi32, #tpu.memory_space<smem>>) -> (i32, i32) {
    %c0_i32 = arith.constant 0 : i32
    %c0_i32_0 = arith.constant 0 : i32
    return %arg0, %c0_i32 : i32, i32
  }
}

</mosaic_0001>

<sc_bundles>
// kernel: kernel.6.cloned.1.call-start
scs
__scs_entry_jumppad:
0x0: {  	(pc) =	sbr.rel $0x88, $3  }
0x1: {  	(tag) =	ssettag $0x0;
	lr =	simm.s32 $0x1  }
0x2: {  	[smem:$0x3F9A] =	sst lr;
	_ =	strace $0xD0000000  }
0x3: {  	_ = 	snop  }
0x4: {  	_ = 	snop  }
0x5: {  	_ = 	snop  }
0x6: {  	_ = 	snop  }
0x7: {  	_ = 	snop  }
__scs_overlays_trampoline_lowered:
0x8: {  	[smem:$0x3FA9] =	sst s0  }
0x9: {  	[smem:$0x3FAA] =	sst s1  }
0xa: {  	[smem:$0x3FAB] =	sst s2  }
0xb: {  	[smem:$0x3FAC] =	sst s3  }
0xc: {  	[smem:$0x3FAD] =	sst s4  }
0xd: {  	[smem:$0x3FAE] =	sst s5  }
0xe: {  	[smem:$0x3FAF] =	sst s6  }
0xf: {  	[smem:$0x3FB0] =	sst s7  }
0x10: {  	[smem:$0x3FB1] =	sst s8  }
0x11: {  	[smem:$0x3FB2] =	sst s9;
	s0 =	simm.s32 @!p0 $0x0  }
0x12: {  	s1 =	sld [smem:$0x3F98];
	s0 =	simm.s32 @p0 $0x1  }
0x13: {  	[smem:$0x3FB3] =	sst s0;
	s0 =	simm.s32 @!p1 $0x0  }
0x14: {  	s2 =	sld [smem:$0x3F97];
	s0 =	simm.s32 @p1 $0x1  }
0x15: {  	[smem:$0x3FB4] =	sst s0;
	s0 =	simm.s32 @!p2 $0x0  }
0x16: {  	s3 =	sld [smem:$0x3FDB];
	s0 =	simm.s32 @p2 $0x1  }
0x17: {  	s4 =	simm.s32 $0x1BF5;
	[smem:$0x3FB6] =	sst s0  }
0x18: {  	s0 =	sld [smem:$0x3F99];
	_ =	swait.ge [sflag:s4], $0x0  }
0x19: {  	s7 =	sld [smem:$0x3F9A]  }
0x1a: {  	s8 =	sadd.s32 $0xFFFFE003, lr  }
0x1b: {  	s9 =	sadd.s32 $0xFFFFFEF7, lr;
	s5 =	simm.s32 $0xFFFFFFFF;
	p2 =	slt.u32 s8, $0xFFFFF086  }
0x1c: {  	p1 =	slt.u32 s9, $0xF7A;
	s5 =	simm.s32 @!p2 $0x0  }
0x1d: {  	s5 =	simm.s32 @p1 $0x1;
	p0 =	seq.s32 s7, s2  }
0x1e: {  	s7 =	smul.u32 @!p0 $0xF7A, s2;
	p2 =	seq.s32 @!p0 s5, $0x0  }
0x1f: {  	s9 =	smul.u32 $0xF7A, s1;
	s8 =	simm.s32 @!p0 $0x1BF5;
	p2 =	por !p2, p0  }
0x20: {  	[sflag:s8] =	ssyncset.s32 @!p0 $0xFFFFF086;
	s6 =	sadd.s32 @!p0 s3, s7;
	s7 =	simm.s32 @!p0 $0x108  }
0x21: {  	s3 =	sadd.s32 s3, s9;
	s6 =	sadd.s32 @!p0 $0x88, s6;
	s7 =	simm.s32 @p2 $0x1082  }
0x22: {  	[simem:s7], [sflag:s8] =	dma.local @!p0 [hbm:s6], $0xF7A  }
0x23: {  	s9 =	sor.u32 $0xD0000000, s2;
	s6 =	simm.s32 $0x108;
	_ =	swait.ge @!p0 [sflag:s8], $0x0  }
0x24: {  	s3 =	sadd.s32 $0x88, s3;
	s6 =	simm.s32 @!p1 $0x1082;
	[sflag:s4] =	ssyncset.s32 $0xFFFFF086  }
0x25: {  	[simem:s6], [sflag:s4] =	dma.local [hbm:s3], $0xF7A  }
0x26: {  	[smem:$0x3F9A] =	sst s1;
	(tag) =	ssettag s2;
	_ =	strace s9  }
0x27: {  	s1 =	sld [smem:$0x3FAA]  }
0x28: {  	s2 =	sld [smem:$0x3FAB]  }
0x29: {  	s4 =	sld [smem:$0x3FAD]  }
0x2a: {  	p0 =	seq.s32 s5, $0x0;
	s5 =	sld [smem:$0x3FAE]  }
0x2b: {  	s6 =	sld [smem:$0x3FAF]  }
0x2c: {  	s7 =	sld [smem:$0x3FB0]  }
0x2d: {  	s3 =	simm.s32 $0x108;
	s8 =	sld [smem:$0x3FB1]  }
0x2e: {  	s3 =	simm.s32 @!p0 $0x1082;
	s9 =	sld [smem:$0x3FB2]  }
0x2f: {  	lr =	sadd.s32 s0, s3;
	s0 =	sld [smem:$0x3FA9]  }
0x30: {  	s3 =	sld [smem:$0x3FAC]  }
0x31: {  	[smem:$0x3FB5] =	sst s10  }
0x32: {  	s10 =	sld [smem:$0x3FB3];
	_ =	sdelay $0x3  }
0x33: {  	p0 =	seq.s32 s10, $0x1;
	s10 =	sld [smem:$0x3FB5];
	_ =	sdelay $0x3  }
0x34: {  	[smem:$0x3FB5] =	sst s10  }
0x35: {  	s10 =	sld [smem:$0x3FB4];
	_ =	sdelay $0x3  }
0x36: {  	p1 =	seq.s32 s10, $0x1;
	s10 =	sld [smem:$0x3FB5];
	_ =	sdelay $0x3  }
0x37: {  	[smem:$0x3FB5] =	sst s10  }
0x38: {  	s10 =	sld [smem:$0x3FB6]  }
0x39: {  	_ = 	snop;
	(pc) =	sbr.ind lr, $3  }
0x3a: {  	_ = 	snop  }
0x3b: {  	_ = 	snop  }
0x3c: {  	p2 =	seq.s32 s10, $0x1;
	s10 =	sld [smem:$0x3FB5]  }
0x3d: {  	_ =	shalt  }
0x3e: {  	_ =	shalt  }
0x3f: {  	_ =	shalt  }
0x40: {  	_ =	shalt  }
0x41: {  	_ =	shalt  }
0x42: {  	_ =	shalt  }
0x43: {  	_ =	shalt  }
0x44: {  	_ =	shalt  }
0x45: {  	_ =	shalt  }
0x46: {  	_ =	shalt  }
0x47: {  	_ =	shalt  }
0x48: {  	_ =	shalt  }
0x49: {  	_ =	shalt  }
0x4a: {  	_ =	shalt  }
0x4b: {  	_ =	shalt  }
0x4c: {  	_ =	shalt  }
0x4d: {  	_ =	shalt  }
0x4e: {  	_ =	shalt  }
0x4f: {  	_ =	shalt  }
0x50: {  	_ =	shalt  }
0x51: {  	_ =	shalt  }
0x52: {  	_ =	shalt  }
0x53: {  	_ =	shalt  }
0x54: {  	_ =	shalt  }
0x55: {  	_ =	shalt  }
0x56: {  	_ =	shalt  }
0x57: {  	_ =	shalt  }
0x58: {  	_ =	shalt  }
0x59: {  	_ =	shalt  }
0x5a: {  	_ =	shalt  }
0x5b: {  	_ =	shalt  }
0x5c: {  	_ =	shalt  }
0x5d: {  	_ =	shalt  }
0x5e: {  	_ =	shalt  }
0x5f: {  	_ =	shalt  }
0x60: {  	_ =	shalt  }
0x61: {  	_ =	shalt  }
0x62: {  	_ =	shalt  }
0x63: {  	_ =	shalt  }
0x64: {  	_ =	shalt  }
0x65: {  	_ =	shalt  }
0x66: {  	_ =	shalt  }
0x67: {  	_ =	shalt  }
0x68: {  	_ =	shalt  }
0x69: {  	_ =	shalt  }
0x6a: {  	_ =	shalt  }
0x6b: {  	_ =	shalt  }
0x6c: {  	_ =	shalt  }
0x6d: {  	_ =	shalt  }
0x6e: {  	_ =	shalt  }
0x6f: {  	_ =	shalt  }
0x70: {  	_ =	shalt  }
0x71: {  	_ =	shalt  }
0x72: {  	_ =	shalt  }
0x73: {  	_ =	shalt  }
0x74: {  	_ =	shalt  }
0x75: {  	_ =	shalt  }
0x76: {  	_ =	shalt  }
0x77: {  	_ =	shalt  }
0x78: {  	_ =	shalt  }
0x79: {  	_ =	shalt  }
0x7a: {  	_ =	shalt  }
0x7b: {  	_ =	shalt  }
0x7c: {  	_ =	shalt  }
0x7d: {  	_ =	shalt  }
0x7e: {  	_ =	shalt  }
0x7f: {  	_ =	shalt  }
0x80: {  	_ =	shalt  }
0x81: {  	_ =	shalt  }
0x82: {  	_ =	shalt  }
0x83: {  	_ =	shalt  }
0x84: {  	_ =	shalt  }
0x85: {  	_ =	shalt  }
0x86: {  	_ =	shalt  }
0x87: {  	_ =	shalt  }
.Lfunc_end0:
.L_simem_size_0:
called_computation_lowered:
.L_overlay_start_0:
0x88: {  	s2 =	sld [smem:$0x3FD9]  }
0x89: {  	s3 =	sld [smem:$0x3FFE];
	_ =	sdelay $0x1  }
0x8a: {  	s1 =	srdreg.scid  }
0x8b: {  	s0 =	sand.u32 $0x1, s1  }
0x8c: {  	s17 =	sshll.u32 s0, $0xA;
	s2 =	sadd.s32 s3, s2  }
0x8d: {  	s2 =	sadd.s32 s2, s17  }
0x8e: {  	[smem:$0x3FC1] =	sst s2  }
0x8f: {  	_ = 	snop  }
0x90: {  	s2 =	sld [smem:$0x3FC9];
	(tm) =	ssettm $0x1  }
0x91: {  	s18 =	sld [smem:$0x3FFB];
	_ =	sdelay $0x3  }
0x92: {  	_ =	strace s18  }
0x93: {  	s3 =	sld [smem:$0x3FFC];
	_ =	sdelay $0x3  }
0x94: {  	_ =	strace s3  }
0x95: {  	s3 =	sld [smem:$0x3FFD];
	_ =	sdelay $0x3  }
0x96: {  	_ =	strace s3  }
0x97: {  	_ =	strace $0x8FFFFFFF  }
0x98: {  	s19 =	sld [smem:$0x3FDB];
	_ =	sdelay $0x1  }
0x99: {  	s4 =	simm.s32 $_scs_section_size  }
0x9a: {  	s5 =	simm.s32 $_size__tile_overlayer_lowered;
	s6 =	simm.s32 $_tile_overlayer_lowered  }
0x9b: {  	s22 =	simm.s32 $0x1BFF;
	s21 =	sshll.u32 s6, $0x1;
	s3 =	sadd.s32 s4, s19  }
0x9c: {  	s7 =	simm.s32 $0x0;
	s20 =	sshll.u32 s5, $0x1;
	s5 =	sadd.s32 s21, s3  }
0x9d: {  	[timem:s7], [sflag:s22] =	dma.local [hbm:s5], s20  }
0x9e: {  	_ =	swait.ge [sflag:s22], s20  }
0x9f: {  	s4 =	ssub.s32 $0x0, s20;
	[sflag:s22] =	ssyncset.done $0x0  }
0xa0: {  	[sflag:s22] =	ssyncadd.s32 s4;
	_ =	sdelay $0x1  }
0xa1: {  	s23 =	simm.s32 $0x1B8B  }
0xa2: {  	_ =	swait.ge [sflag:s23], $0x1  }
0xa3: {  	[sflag:s23] =	ssyncset.done $0x0  }
0xa4: {  	s25 =	simm.s32 $0x1B8E;
	s24 =	sld [smem:$0x3FFE];
	[sflag:s23] =	ssyncadd.s32 $0xFFFFFFFF  }
0xa5: {  	s26 =	simm.s32 $execute0_lowered;
	[smem:$0x3FD2] =	sst s25  }
0xa6: {  	s5 =	sshll.u32 s26, $0x1;
	_ =	strace $0x80000046;
	[dreg:$0x1] =	wrdreg $0xFFFFFFFF  }
0xa7: {  	s28 =	simm.s32 $_size_execute0_lowered;
	s3 =	sadd.s32 s3, s5;
	[dreg:$0x0] =	wrdreg $0x0  }
0xa8: {  	s5 =	sshll.u32 s28, $0x1;
	[dreg:$0x2] =	wrdreg s3  }
0xa9: {  	[dreg:$0x3] =	wrdreg s5  }
0xaa: {  	[dreg:$0x4] =	wrdreg $0xC0  }
0xab: {  	_ =	task [dreg:s7], $0x5FFFF  }
0xac: {  	[dreg:$0x1] =	wrdreg $0xFFFFFFFF  }
0xad: {  	[dreg:$0x0] =	wrdreg $0x60  }
0xae: {  	[dreg:$0x2] =	wrdreg s2  }
0xaf: {  	[dreg:$0x3] =	wrdreg s24  }
0xb0: {  	[dreg:$0x4] =	wrdreg $0x9  }
0xb1: {  	_ =	task.clear_ibuf [dreg:s7], $0x5FFFF;
	_ =	strace $0x90000046  }
0xb2: {  	s29 =	simm.s32 $0x9;
	_ =	strace $0x80000048  }
0xb3: {  	_ =	swait.ge [sflag:s29], $0x1  }
0xb4: {  	[sflag:s29] =	ssyncadd.s32 $0xFFFFFFFF  }
0xb5: {  	_ =	strace $0x90000048  }
0xb6: {  	_ =	sfence  }
0xb7: {  	s30 =	sld [smem:$0x0];
	_ =	sdelay $0x2  }
0xb8: {  	s31 =	sshll.u32 s1, $0xD;
	s1 =	sshrl.u32 s1, $0x2  }
0xb9: {  	s3 =	sand.u32 $0x4000, s31;
	s1 =	sadd.s32 s1, s30  }
0xba: {  	s0 =	sor.u32 s3, s0;
	s1 =	sshll.u32 s1, $0x11  }
0xbb: {  	s0 =	sor.u32 s1, s0  }
0xbc: {  	s0 =	sadd.s32 $0x8F2B, s0  }
0xbd: {  	[sflag:s0] =	ssyncadd.remote.s32 $0x1  }
0xbe: {  	_ =	sfence.sel $0xFFFF  }
0xbf: {  	[dreg:$0x0] =	wrdreg $0xFFFFFFFF;
	(pc) =	sbr.abs _section_cstart, $3  }
0xc0: {  	[dreg:$0x1] =	wrdreg $0xFFFFFFFF  }
0xc1: {  	_ =	task.clear_ibuf [dreg:s7], $0x2FFFF;
	_ =	strace $0x9FFFFFFF  }
0xc2: {  	(tm) =	ssettm $0x7FFFFFFF  }
0xc3: {  	_ =	shalt  }
tec
execute0_lowered:
.L_overlay_start_1:
0x0: {  	(tag) =	ssettag $0x1  }
0x1: {  	s0 =	srdreg.scid  }
0x2: {  	s1 =	rddreg [dreg:$0x0];
	s2 =	stileid.u32  }
0x3: {  	s5 =	rddreg [dreg:$0x1];
	s26 =	simm.s32 $0x80;
	s8 =	simm.s32 $0x3  }
0x4: {  	s9 =	simm.s32 $0x2;
	s12 =	simm.s32 $0x1900;
	s13 =	simm.s32 $0x2100  }
0x5: {  	s14 =	simm.s32 $0x2900;
	s15 =	simm.s32 $0x3100;
	s16 =	simm.s32 $0x3900  }
0x6: {  	s17 =	simm.s32 $0x4100;
	s18 =	simm.s32 $0x4900;
	s19 =	simm.s32 $0x5100  }
0x7: {  	s20 =	simm.s32 $0x5900;
	s21 =	simm.s32 $0x6100;
	s22 =	simm.s32 $0x6900  }
0x8: {  	s28 =	simm.s32 $0x9100;
	s29 =	simm.s32 $0x9900;
	s30 =	simm.s32 $0xA100  }
0x9: {  	s31 =	simm.s32 $0xA900;
	s7 =	simm.s32 $0xB900;
	s0 =	sand.u32 $0x1, s0  }
0xa: {  	s3 =	sshll.u32 s2, $0x4;
	s2 =	simm.s32 $0x0;
	s4 =	sshll.u32 s0, $0x3  }
0xb: {  	[smem:$0x7FF] =	sst s2;
	s0 =	ssub.s32 $0x2, s0;
	s3 =	sor.u32 s4, s3  }
0xc: {  	_ =	strace $0x80000047;
	s23 =	sshrl.u32 s0, $0x1;
	[dreg:$0x6] =	wrdreg s26  }
0xd: {  	s26 =	simm.s32 $0x8900;
	s4 =	smul.u32 $0x300, s3;
	s6 =	sadd.s32 s3, s5  }
0xe: {  	s3 =	sadd.s32 $0x600, s5;
	s0 =	ssub.s32 s0, s23;
	s24 =	sadd.s32 $0x200, s6  }
0xf: {  	s23 =	simm.s32 $0x7100;
	s25 =	sadd.s32 $0x400, s6;
	[dreg:$0x4] =	wrdreg s24  }
0x10: {  	v2 =	vlaneseq.u32;
	s6 =	smax.u32 s0, $0x1;
	s1 =	sadd.s32 s1, s4;
	[dreg:$0x5] =	wrdreg s25  }
0x11: {  	vm0 =	vmmov $0xffff;
	v1 =	vshrl.u32 v2, $0x3;
	s4 =	sadd.s32 $0x700, s5;
	s5 =	sadd.s32 $0x800, s5;
	s24 =	simm.s32 $0x7900  }
0x12: {  	v0 =	vand.u32 $0x7, v2;
	v2 =	vor.u32 $0x8, v2;
	v1 =	vmul.u32 $0x8, v1;
	s25 =	simm.s32 $0x8100;
	[dreg:$0x3] =	wrdreg s1;
	s1 =	simm.s32 $0xB100  }
.LBB2_1:
0x13: {  	s10 =	rddreg [dreg:$0x3];
	s0 =	simm.s32 $0x100  }
0x14: {  	[tilespmem:s0], [sflag:$0x3] =	stream.linear.gather [hbm4b:s10+s2], $0xC000, $0x38;
	[tilespmem:$0xC100] =	vst v63  }
0x15: {  	_ =	swait.ge [sflag:s8], $0xC000  }
0x16: {  	[sflag:s8] =	ssyncset.done $0x0  }
0x17: {  	s11 =	rddreg [dreg:$0x4];
	[sflag:s8] =	ssyncadd.s32 $0xFFFF4000  }
0x18: {  	[tilespmem:s2], [sflag:$0x3] =	stream.linear.gather [hbm4b:s11+s2], $0x40, $0x38;
	[tilespmem:$0xC100] =	vst v63  }
0x19: {  	_ =	swait.ge [sflag:s8], $0x40  }
0x1a: {  	s10 =	rddreg [dreg:$0x5];
	[sflag:s8] =	ssyncset.done $0x0  }
0x1b: {  	s11 =	rddreg [dreg:$0x6];
	[sflag:s8] =	ssyncadd.s32 $0xFFFFFFC0  }
0x1c: {  	[tilespmem:s11], [sflag:$0x3] =	stream.linear.gather [hbm4b:s10+s2], $0x40, $0x38;
	[tilespmem:$0xC100] =	vst v63  }
0x1d: {  	_ =	swait.ge [sflag:s8], $0x40  }
0x1e: {  	[sflag:s8] =	ssyncset.done $0x0  }
0x1f: {  	[sflag:s8] =	ssyncadd.s32 $0xFFFFFFC0  }
0x20: {  	v3 =	vld [tilespmem:$0x0];
	_ =	sdelay $0x4  }
0x21: {  	v4 =	vshrl.u32 v3, $0x3  }
0x22: {  	v4 =	vmul.u32 $0x30, v4  }
0x23: {  	v3 =	vand.u32 $0x7, v3  }
0x24: {  	v3 =	vor.u32 v3, v4  }
0x25: {  	v4 =	vperm.xlane v3, v0;
	_ =	sdelay $0x1  }
0x26: {  	v4 =	vadd.s32 v1, v4;
	_ =	sdelay $0x3  }
0x27: {  	v3 =	vperm.xlane v3, v2  }
0x28: {  	[hbm4b:s3+s2] =	stream.indirect_vreg.scatter [tilespmem:s0], [sflag:$0x1], $0x80, v4, vm0, $0xb8;
	[tilespmem:$0xC100] =	vst v63  }
0x29: {  	s10 =	simm.s32 $0x900;
	v3 =	vadd.s32 v1, v3  }
0x2a: {  	[hbm4b:s4+s2] =	stream.indirect_vreg.scatter [tilespmem:s10], [sflag:$0x1], $0x80, v4, vm0, $0xb8;
	[tilespmem:$0xC100] =	vst v63  }
0x2b: {  	s11 =	simm.s32 $0x1100  }
0x2c: {  	[hbm4b:s5+s2] =	stream.indirect_vreg.scatter [tilespmem:s11], [sflag:$0x1], $0x80, v4, vm0, $0xb8;
	[tilespmem:$0xC100] =	vst v63  }
0x2d: {  	_ = 	snop  }
0x2e: {  	[hbm4b:s3+s2] =	stream.indirect_vreg.scatter [tilespmem:s12], [sflag:$0x1], $0x80, v3, vm0, $0xb8;
	[tilespmem:$0xC100] =	vst v63  }
0x2f: {  	_ = 	snop  }
0x30: {  	[hbm4b:s4+s2] =	stream.indirect_vreg.scatter [tilespmem:s13], [sflag:$0x1], $0x80, v3, vm0, $0xb8;
	[tilespmem:$0xC100] =	vst v63  }
0x31: {  	_ = 	snop  }
0x32: {  	[hbm4b:s5+s2] =	stream.indirect_vreg.scatter [tilespmem:s14], [sflag:$0x1], $0x80, v3, vm0, $0xb8;
	[tilespmem:$0xC100] =	vst v63  }
0x33: {  	v3 =	vld [tilespmem:$0x10];
	_ =	sdelay $0x4  }
0x34: {  	v57 =	vshrl.u32 v3, $0x3  }
0x35: {  	v4 =	vmul.u32 $0x30, v57  }
0x36: {  	v3 =	vand.u32 $0x7, v3  }
0x37: {  	v3 =	vor.u32 v3, v4  }
0x38: {  	v4 =	vperm.xlane v3, v0;
	_ =	sdelay $0x1  }
0x39: {  	v4 =	vadd.s32 v1, v4;
	_ =	sdelay $0x3  }
0x3a: {  	v3 =	vperm.xlane v3, v2  }
0x3b: {  	[hbm4b:s3+s2] =	stream.indirect_vreg.scatter [tilespmem:s15], [sflag:$0x1], $0x80, v4, vm0, $0xb8;
	[tilespmem:$0xC100] =	vst v63  }
0x3c: {  	v3 =	vadd.s32 v1, v3  }
0x3d: {  	[hbm4b:s4+s2] =	stream.indirect_vreg.scatter [tilespmem:s16], [sflag:$0x1], $0x80, v4, vm0, $0xb8;
	[tilespmem:$0xC100] =	vst v63  }
0x3e: {  	_ = 	snop  }
0x3f: {  	[hbm4b:s5+s2] =	stream.indirect_vreg.scatter [tilespmem:s17], [sflag:$0x1], $0x80, v4, vm0, $0xb8;
	[tilespmem:$0xC100] =	vst v63  }
0x40: {  	_ = 	snop  }
0x41: {  	[hbm4b:s3+s2] =	stream.indirect_vreg.scatter [tilespmem:s18], [sflag:$0x1], $0x80, v3, vm0, $0xb8;
	[tilespmem:$0xC100] =	vst v63  }
0x42: {  	_ = 	snop  }
0x43: {  	[hbm4b:s4+s2] =	stream.indirect_vreg.scatter [tilespmem:s19], [sflag:$0x1], $0x80, v3, vm0, $0xb8;
	[tilespmem:$0xC100] =	vst v63  }
0x44: {  	_ = 	snop  }
0x45: {  	[hbm4b:s5+s2] =	stream.indirect_vreg.scatter [tilespmem:s20], [sflag:$0x1], $0x80, v3, vm0, $0xb8;
	[tilespmem:$0xC100] =	vst v63  }
0x46: {  	v3 =	vld [tilespmem:$0x20];
	_ =	sdelay $0x4  }
0x47: {  	v58 =	vshrl.u32 v3, $0x3  }
0x48: {  	v4 =	vmul.u32 $0x30, v58  }
0x49: {  	v3 =	vand.u32 $0x7, v3  }
0x4a: {  	v3 =	vor.u32 v3, v4  }
0x4b: {  	v4 =	vperm.xlane v3, v0;
	_ =	sdelay $0x1  }
0x4c: {  	v4 =	vadd.s32 v1, v4;
	_ =	sdelay $0x3  }
0x4d: {  	v3 =	vperm.xlane v3, v2  }
0x4e: {  	[hbm4b:s3+s2] =	stream.indirect_vreg.scatter [tilespmem:s21], [sflag:$0x1], $0x80, v4, vm0, $0xb8;
	[tilespmem:$0xC100] =	vst v63  }
0x4f: {  	v3 =	vadd.s32 v1, v3  }
0x50: {  	[hbm4b:s4+s2] =	stream.indirect_vreg.scatter [tilespmem:s22], [sflag:$0x1], $0x80, v4, vm0, $0xb8;
	[tilespmem:$0xC100] =	vst v63  }
0x51: {  	_ = 	snop  }
0x52: {  	[hbm4b:s5+s2] =	stream.indirect_vreg.scatter [tilespmem:s23], [sflag:$0x1], $0x80, v4, vm0, $0xb8;
	[tilespmem:$0xC100] =	vst v63  }
0x53: {  	_ = 	snop  }
0x54: {  	[hbm4b:s3+s2] =	stream.indirect_vreg.scatter [tilespmem:s24], [sflag:$0x1], $0x80, v3, vm0, $0xb8;
	[tilespmem:$0xC100] =	vst v63  }
0x55: {  	_ = 	snop  }
0x56: {  	[hbm4b:s4+s2] =	stream.indirect_vreg.scatter [tilespmem:s25], [sflag:$0x1], $0x80, v3, vm0, $0xb8;
	[tilespmem:$0xC100] =	vst v63  }
0x57: {  	_ = 	snop  }
0x58: {  	[hbm4b:s5+s2] =	stream.indirect_vreg.scatter [tilespmem:s26], [sflag:$0x1], $0x80, v3, vm0, $0xb8;
	[tilespmem:$0xC100] =	vst v63  }
0x59: {  	v3 =	vld [tilespmem:$0x30];
	_ =	sdelay $0x4  }
0x5a: {  	v59 =	vshrl.u32 v3, $0x3  }
0x5b: {  	v4 =	vmul.u32 $0x30, v59  }
0x5c: {  	v3 =	vand.u32 $0x7, v3  }
0x5d: {  	v3 =	vor.u32 v3, v4  }
0x5e: {  	v4 =	vperm.xlane v3, v0;
	_ =	sdelay $0x1  }
0x5f: {  	v4 =	vadd.s32 v1, v4;
	_ =	sdelay $0x3  }
0x60: {  	v3 =	vperm.xlane v3, v2  }
0x61: {  	[hbm4b:s3+s2] =	stream.indirect_vreg.scatter [tilespmem:s28], [sflag:$0x1], $0x80, v4, vm0, $0xb8;
	[tilespmem:$0xC100] =	vst v63  }
0x62: {  	v3 =	vadd.s32 v1, v3  }
0x63: {  	[hbm4b:s4+s2] =	stream.indirect_vreg.scatter [tilespmem:s29], [sflag:$0x1], $0x80, v4, vm0, $0xb8;
	[tilespmem:$0xC100] =	vst v63  }
0x64: {  	_ = 	snop  }
0x65: {  	[hbm4b:s5+s2] =	stream.indirect_vreg.scatter [tilespmem:s30], [sflag:$0x1], $0x80, v4, vm0, $0xb8;
	[tilespmem:$0xC100] =	vst v63  }
0x66: {  	_ = 	snop  }
0x67: {  	[hbm4b:s3+s2] =	stream.indirect_vreg.scatter [tilespmem:s31], [sflag:$0x1], $0x80, v3, vm0, $0xb8;
	[tilespmem:$0xC100] =	vst v63  }
0x68: {  	_ = 	snop  }
0x69: {  	[hbm4b:s4+s2] =	stream.indirect_vreg.scatter [tilespmem:s1], [sflag:$0x1], $0x80, v3, vm0, $0xb8;
	[tilespmem:$0xC100] =	vst v63  }
0x6a: {  	_ = 	snop  }
0x6b: {  	[hbm4b:s5+s2] =	stream.indirect_vreg.scatter [tilespmem:s7], [sflag:$0x1], $0x80, v3, vm0, $0xb8;
	[tilespmem:$0xC100] =	vst v63  }
0x6c: {  	v3 =	vld [tilespmem:$0x80];
	_ =	sdelay $0x4  }
0x6d: {  	v60 =	vshrl.u32 v3, $0x3  }
0x6e: {  	v4 =	vmul.u32 $0x30, v60  }
0x6f: {  	v3 =	vand.u32 $0x7, v3  }
0x70: {  	v3 =	vor.u32 v3, v4  }
0x71: {  	v4 =	vperm.xlane v3, v0;
	_ =	sdelay $0x1  }
0x72: {  	v4 =	vadd.s32 v1, v4;
	_ =	sdelay $0x3  }
0x73: {  	v3 =	vperm.xlane v3, v2  }
0x74: {  	[hbm4b:s3+s2] =	stream.indirect_vreg.scatter [tilespmem:s0], [sflag:$0x2], $0x80, v4, vm0, $0xb8;
	[tilespmem:$0xC100] =	vst v63  }
0x75: {  	v3 =	vadd.s32 v1, v3  }
0x76: {  	[hbm4b:s4+s2] =	stream.indirect_vreg.scatter [tilespmem:s10], [sflag:$0x2], $0x80, v4, vm0, $0xb8;
	[tilespmem:$0xC100] =	vst v63  }
0x77: {  	_ = 	snop  }
0x78: {  	[hbm4b:s5+s2] =	stream.indirect_vreg.scatter [tilespmem:s11], [sflag:$0x2], $0x80, v4, vm0, $0xb8;
	[tilespmem:$0xC100] =	vst v63  }
0x79: {  	_ = 	snop  }
0x7a: {  	[hbm4b:s3+s2] =	stream.indirect_vreg.scatter [tilespmem:s12], [sflag:$0x2], $0x80, v3, vm0, $0xb8;
	[tilespmem:$0xC100] =	vst v63  }
0x7b: {  	_ = 	snop  }
0x7c: {  	[hbm4b:s4+s2] =	stream.indirect_vreg.scatter [tilespmem:s13], [sflag:$0x2], $0x80, v3, vm0, $0xb8;
	[tilespmem:$0xC100] =	vst v63  }
0x7d: {  	_ = 	snop  }
0x7e: {  	[hbm4b:s5+s2] =	stream.indirect_vreg.scatter [tilespmem:s14], [sflag:$0x2], $0x80, v3, vm0, $0xb8;
	[tilespmem:$0xC100] =	vst v63  }
0x7f: {  	v3 =	vld [tilespmem:$0x90];
	_ =	sdelay $0x4  }
0x80: {  	v61 =	vshrl.u32 v3, $0x3  }
0x81: {  	v4 =	vmul.u32 $0x30, v61  }
0x82: {  	v3 =	vand.u32 $0x7, v3  }
0x83: {  	v3 =	vor.u32 v3, v4  }
0x84: {  	v4 =	vperm.xlane v3, v0;
	_ =	sdelay $0x1  }
0x85: {  	v4 =	vadd.s32 v1, v4;
	_ =	sdelay $0x3  }
0x86: {  	v3 =	vperm.xlane v3, v2  }
0x87: {  	[hbm4b:s3+s2] =	stream.indirect_vreg.scatter [tilespmem:s15], [sflag:$0x2], $0x80, v4, vm0, $0xb8;
	[tilespmem:$0xC100] =	vst v63  }
0x88: {  	v3 =	vadd.s32 v1, v3  }
0x89: {  	[hbm4b:s4+s2] =	stream.indirect_vreg.scatter [tilespmem:s16], [sflag:$0x2], $0x80, v4, vm0, $0xb8;
	[tilespmem:$0xC100] =	vst v63  }
0x8a: {  	_ = 	snop  }
0x8b: {  	[hbm4b:s5+s2] =	stream.indirect_vreg.scatter [tilespmem:s17], [sflag:$0x2], $0x80, v4, vm0, $0xb8;
	[tilespmem:$0xC100] =	vst v63  }
0x8c: {  	_ = 	snop  }
0x8d: {  	[hbm4b:s3+s2] =	stream.indirect_vreg.scatter [tilespmem:s18], [sflag:$0x2], $0x80, v3, vm0, $0xb8;
	[tilespmem:$0xC100] =	vst v63  }
0x8e: {  	_ = 	snop  }
0x8f: {  	[hbm4b:s4+s2] =	stream.indirect_vreg.scatter [tilespmem:s19], [sflag:$0x2], $0x80, v3, vm0, $0xb8;
	[tilespmem:$0xC100] =	vst v63  }
0x90: {  	_ = 	snop  }
0x91: {  	[hbm4b:s5+s2] =	stream.indirect_vreg.scatter [tilespmem:s20], [sflag:$0x2], $0x80, v3, vm0, $0xb8;
	[tilespmem:$0xC100] =	vst v63  }
0x92: {  	v3 =	vld [tilespmem:$0xA0];
	_ =	sdelay $0x4  }
0x93: {  	v62 =	vshrl.u32 v3, $0x3  }
0x94: {  	v4 =	vmul.u32 $0x30, v62  }
0x95: {  	v3 =	vand.u32 $0x7, v3  }
0x96: {  	v3 =	vor.u32 v3, v4  }
0x97: {  	v4 =	vperm.xlane v3, v0;
	_ =	sdelay $0x1  }
0x98: {  	v4 =	vadd.s32 v1, v4;
	_ =	sdelay $0x3  }
0x99: {  	v3 =	vperm.xlane v3, v2  }
0x9a: {  	[hbm4b:s3+s2] =	stream.indirect_vreg.scatter [tilespmem:s21], [sflag:$0x2], $0x80, v4, vm0, $0xb8;
	[tilespmem:$0xC100] =	vst v63  }
0x9b: {  	v3 =	vadd.s32 v1, v3  }
0x9c: {  	[hbm4b:s4+s2] =	stream.indirect_vreg.scatter [tilespmem:s22], [sflag:$0x2], $0x80, v4, vm0, $0xb8;
	[tilespmem:$0xC100] =	vst v63  }
0x9d: {  	_ = 	snop  }
0x9e: {  	[hbm4b:s5+s2] =	stream.indirect_vreg.scatter [tilespmem:s23], [sflag:$0x2], $0x80, v4, vm0, $0xb8;
	[tilespmem:$0xC100] =	vst v63  }
0x9f: {  	_ = 	snop  }
0xa0: {  	[hbm4b:s3+s2] =	stream.indirect_vreg.scatter [tilespmem:s24], [sflag:$0x2], $0x80, v3, vm0, $0xb8;
	[tilespmem:$0xC100] =	vst v63  }
0xa1: {  	_ = 	snop  }
0xa2: {  	[hbm4b:s4+s2] =	stream.indirect_vreg.scatter [tilespmem:s25], [sflag:$0x2], $0x80, v3, vm0, $0xb8;
	[tilespmem:$0xC100] =	vst v63  }
0xa3: {  	_ = 	snop  }
0xa4: {  	[hbm4b:s5+s2] =	stream.indirect_vreg.scatter [tilespmem:s26], [sflag:$0x2], $0x80, v3, vm0, $0xb8;
	[tilespmem:$0xC100] =	vst v63  }
0xa5: {  	v3 =	vld [tilespmem:$0xB0];
	_ =	sdelay $0x4  }
0xa6: {  	v63 =	vshrl.u32 v3, $0x3  }
0xa7: {  	v4 =	vmul.u32 $0x30, v63  }
0xa8: {  	v3 =	vand.u32 $0x7, v3  }
0xa9: {  	v3 =	vor.u32 v3, v4  }
0xaa: {  	v4 =	vperm.xlane v3, v0;
	_ =	sdelay $0x1  }
0xab: {  	v4 =	vadd.s32 v1, v4;
	_ =	sdelay $0x3  }
0xac: {  	v3 =	vperm.xlane v3, v2  }
0xad: {  	[hbm4b:s3+s2] =	stream.indirect_vreg.scatter [tilespmem:s28], [sflag:$0x2], $0x80, v4, vm0, $0xb8;
	[tilespmem:$0xC100] =	vst v63  }
0xae: {  	v3 =	vadd.s32 v1, v3  }
0xaf: {  	[hbm4b:s4+s2] =	stream.indirect_vreg.scatter [tilespmem:s29], [sflag:$0x2], $0x80, v4, vm0, $0xb8;
	[tilespmem:$0xC100] =	vst v63  }
0xb0: {  	_ = 	snop  }
0xb1: {  	[hbm4b:s5+s2] =	stream.indirect_vreg.scatter [tilespmem:s30], [sflag:$0x2], $0x80, v4, vm0, $0xb8;
	[tilespmem:$0xC100] =	vst v63  }
0xb2: {  	_ = 	snop  }
0xb3: {  	[hbm4b:s3+s2] =	stream.indirect_vreg.scatter [tilespmem:s31], [sflag:$0x2], $0x80, v3, vm0, $0xb8;
	[tilespmem:$0xC100] =	vst v63  }
0xb4: {  	_ = 	snop  }
0xb5: {  	[hbm4b:s4+s2] =	stream.indirect_vreg.scatter [tilespmem:s1], [sflag:$0x2], $0x80, v3, vm0, $0xb8;
	[tilespmem:$0xC100] =	vst v63  }
0xb6: {  	s11 =	simm.s32 $0x1  }
0xb7: {  	[hbm4b:s5+s2] =	stream.indirect_vreg.scatter [tilespmem:s7], [sflag:$0x2], $0x80, v3, vm0, $0xb8;
	[tilespmem:$0xC100] =	vst v63  }
0xb8: {  	p0 =	sne.s32 s6, $0x1;
	_ =	swait.ge [sflag:s11], $0xC000  }
.Ltmp0:
0xb9: {  	[sflag:s11] =	ssyncset.done $0x0;
	(pc) =	sbr.rel @p0 .LBB2_1-.Ltmp0, $4  }
0xba: {  	[sflag:s11] =	ssyncadd.s32 $0xFFFF4000  }
0xbb: {  	_ =	swait.ge [sflag:s9], $0xC000  }
0xbc: {  	[sflag:s9] =	ssyncset.done $0x0  }
0xbd: {  	s6 =	sadd.s32 $0xFFFFFFFF, s6;
	[sflag:s9] =	ssyncadd.s32 $0xFFFF4000  }
0xbe: {  	_ =	sfence.sel $0x180000  }
0xbf: {  	[bflag:$0x0] =	sbarrier.arrive $0xFFFF  }
0xc0: {  	_ =	strace $0x90000047  }
0xc1: {  	s0 =	stileid.u32;
	[bflag:$0x2] =	sbarrier.arrive $0xFFFF  }
0xc2: {  	p0 =	sne.s32 s0, $0x0;
	s0 =	rddreg [dreg:$0x2]  }
0xc3: {  	s0 =	sadd.s32 @!p0 $0x100000, s0  }
0xc4: {  	[sflag:s0] =	ssyncadd.tile.s32 @!p0 $0x1;
	_ =	shalt  }
.Lfunc_end2:
_tile_overlayer_lowered:
.L_overlay_start_2:
0xc5: {  	(tag) =	ssettag $0x2  }
0xc6: {  	s0 =	rddreg [dreg:$0x0];
	s2 =	stileid.u32  }
0xc7: {  	s1 =	rddreg [dreg:$0x1];
	p0 =	sne.s32 s2, $0x0  }
0xc8: {  	s3 =	rddreg [dreg:$0x2];
	[bflag:$0x3] =	sbarrier.arrive $0xFFFF;
	s2 =	simm.s32 @!p0 $0x1C03  }
0xc9: {  	[timem:s3], [sflag:s2] =	dma.local @!p0 [hbm:s0], s1  }
0xca: {  	s0 =	simm.s32 @!p0 $0x3  }
0xcb: {  	_ =	swait.ge @!p0 [sflag:s0], s1  }
0xcc: {  	s1 =	ssub.s32 @!p0 $0x0, s1;
	[sflag:s0] =	ssyncset.done @!p0 $0x0  }
0xcd: {  	[sflag:s0] =	ssyncadd.s32 @!p0 s1  }
0xce: {  	[bflag:$0x3] =	sbarrier.arrive $0xFFFF  }
0xcf: {  	_ =	shalt  }

// kernel: kernel.9.cloned.1.call-start
scs
__scs_entry_jumppad:
0x0: {  	(pc) =	sbr.rel $0x88, $3  }
0x1: {  	(tag) =	ssettag $0x0;
	lr =	simm.s32 $0x1  }
0x2: {  	[smem:$0x3F9A] =	sst lr;
	_ =	strace $0xD0000000  }
0x3: {  	_ = 	snop  }
0x4: {  	_ = 	snop  }
0x5: {  	_ = 	snop  }
0x6: {  	_ = 	snop  }
0x7: {  	_ = 	snop  }
__scs_overlays_trampoline_lowered:
0x8: {  	[smem:$0x3FA9] =	sst s0  }
0x9: {  	[smem:$0x3FAA] =	sst s1  }
0xa: {  	[smem:$0x3FAB] =	sst s2  }
0xb: {  	[smem:$0x3FAC] =	sst s3  }
0xc: {  	[smem:$0x3FAD] =	sst s4  }
0xd: {  	[smem:$0x3FAE] =	sst s5  }
0xe: {  	[smem:$0x3FAF] =	sst s6  }
0xf: {  	[smem:$0x3FB0] =	sst s7  }
0x10: {  	[smem:$0x3FB1] =	sst s8  }
0x11: {  	[smem:$0x3FB2] =	sst s9;
	s0 =	simm.s32 @!p0 $0x0  }
0x12: {  	s1 =	sld [smem:$0x3F98];
	s0 =	simm.s32 @p0 $0x1  }
0x13: {  	[smem:$0x3FB3] =	sst s0;
	s0 =	simm.s32 @!p1 $0x0  }
0x14: {  	s2 =	sld [smem:$0x3F97];
	s0 =	simm.s32 @p1 $0x1  }
0x15: {  	[smem:$0x3FB4] =	sst s0;
	s0 =	simm.s32 @!p2 $0x0  }
0x16: {  	s3 =	sld [smem:$0x3FDB];
	s0 =	simm.s32 @p2 $0x1  }
0x17: {  	s4 =	simm.s32 $0x1BF5;
	[smem:$0x3FB6] =	sst s0  }
0x18: {  	s0 =	sld [smem:$0x3F99];
	_ =	swait.ge [sflag:s4], $0x0  }
0x19: {  	s7 =	sld [smem:$0x3F9A]  }
0x1a: {  	s8 =	sadd.s32 $0xFFFFE003, lr  }
0x1b: {  	s9 =	sadd.s32 $0xFFFFFEF7, lr;
	s5 =	simm.s32 $0xFFFFFFFF;
	p2 =	slt.u32 s8, $0xFFFFF086  }
0x1c: {  	p1 =	slt.u32 s9, $0xF7A;
	s5 =	simm.s32 @!p2 $0x0  }
0x1d: {  	s5 =	simm.s32 @p1 $0x1;
	p0 =	seq.s32 s7, s2  }
0x1e: {  	s7 =	smul.u32 @!p0 $0xF7A, s2;
	p2 =	seq.s32 @!p0 s5, $0x0  }
0x1f: {  	s9 =	smul.u32 $0xF7A, s1;
	s8 =	simm.s32 @!p0 $0x1BF5;
	p2 =	por !p2, p0  }
0x20: {  	[sflag:s8] =	ssyncset.s32 @!p0 $0xFFFFF086;
	s6 =	sadd.s32 @!p0 s3, s7;
	s7 =	simm.s32 @!p0 $0x108  }
0x21: {  	s3 =	sadd.s32 s3, s9;
	s6 =	sadd.s32 @!p0 $0x88, s6;
	s7 =	simm.s32 @p2 $0x1082  }
0x22: {  	[simem:s7], [sflag:s8] =	dma.local @!p0 [hbm:s6], $0xF7A  }
0x23: {  	s9 =	sor.u32 $0xD0000000, s2;
	s6 =	simm.s32 $0x108;
	_ =	swait.ge @!p0 [sflag:s8], $0x0  }
0x24: {  	s3 =	sadd.s32 $0x88, s3;
	s6 =	simm.s32 @!p1 $0x1082;
	[sflag:s4] =	ssyncset.s32 $0xFFFFF086  }
0x25: {  	[simem:s6], [sflag:s4] =	dma.local [hbm:s3], $0xF7A  }
0x26: {  	[smem:$0x3F9A] =	sst s1;
	(tag) =	ssettag s2;
	_ =	strace s9  }
0x27: {  	s1 =	sld [smem:$0x3FAA]  }
0x28: {  	s2 =	sld [smem:$0x3FAB]  }
0x29: {  	s4 =	sld [smem:$0x3FAD]  }
0x2a: {  	p0 =	seq.s32 s5, $0x0;
	s5 =	sld [smem:$0x3FAE]  }
0x2b: {  	s6 =	sld [smem:$0x3FAF]  }
0x2c: {  	s7 =	sld [smem:$0x3FB0]  }
0x2d: {  	s3 =	simm.s32 $0x108;
	s8 =	sld [smem:$0x3FB1]  }
0x2e: {  	s3 =	simm.s32 @!p0 $0x1082;
	s9 =	sld [smem:$0x3FB2]  }
0x2f: {  	lr =	sadd.s32 s0, s3;
	s0 =	sld [smem:$0x3FA9]  }
0x30: {  	s3 =	sld [smem:$0x3FAC]  }
0x31: {  	[smem:$0x3FB5] =	sst s10  }
0x32: {  	s10 =	sld [smem:$0x3FB3];
	_ =	sdelay $0x3  }
0x33: {  	p0 =	seq.s32 s10, $0x1;
	s10 =	sld [smem:$0x3FB5];
	_ =	sdelay $0x3  }
0x34: {  	[smem:$0x3FB5] =	sst s10  }
0x35: {  	s10 =	sld [smem:$0x3FB4];
	_ =	sdelay $0x3  }
0x36: {  	p1 =	seq.s32 s10, $0x1;
	s10 =	sld [smem:$0x3FB5];
	_ =	sdelay $0x3  }
0x37: {  	[smem:$0x3FB5] =	sst s10  }
0x38: {  	s10 =	sld [smem:$0x3FB6]  }
0x39: {  	_ = 	snop;
	(pc) =	sbr.ind lr, $3  }
0x3a: {  	_ = 	snop  }
0x3b: {  	_ = 	snop  }
0x3c: {  	p2 =	seq.s32 s10, $0x1;
	s10 =	sld [smem:$0x3FB5]  }
0x3d: {  	_ =	shalt  }
0x3e: {  	_ =	shalt  }
0x3f: {  	_ =	shalt  }
0x40: {  	_ =	shalt  }
0x41: {  	_ =	shalt  }
0x42: {  	_ =	shalt  }
0x43: {  	_ =	shalt  }
0x44: {  	_ =	shalt  }
0x45: {  	_ =	shalt  }
0x46: {  	_ =	shalt  }
0x47: {  	_ =	shalt  }
0x48: {  	_ =	shalt  }
0x49: {  	_ =	shalt  }
0x4a: {  	_ =	shalt  }
0x4b: {  	_ =	shalt  }
0x4c: {  	_ =	shalt  }
0x4d: {  	_ =	shalt  }
0x4e: {  	_ =	shalt  }
0x4f: {  	_ =	shalt  }
0x50: {  	_ =	shalt  }
0x51: {  	_ =	shalt  }
0x52: {  	_ =	shalt  }
0x53: {  	_ =	shalt  }
0x54: {  	_ =	shalt  }
0x55: {  	_ =	shalt  }
0x56: {  	_ =	shalt  }
0x57: {  	_ =	shalt  }
0x58: {  	_ =	shalt  }
0x59: {  	_ =	shalt  }
0x5a: {  	_ =	shalt  }
0x5b: {  	_ =	shalt  }
0x5c: {  	_ =	shalt  }
0x5d: {  	_ =	shalt  }
0x5e: {  	_ =	shalt  }
0x5f: {  	_ =	shalt  }
0x60: {  	_ =	shalt  }
0x61: {  	_ =	shalt  }
0x62: {  	_ =	shalt  }
0x63: {  	_ =	shalt  }
0x64: {  	_ =	shalt  }
0x65: {  	_ =	shalt  }
0x66: {  	_ =	shalt  }
0x67: {  	_ =	shalt  }
0x68: {  	_ =	shalt  }
0x69: {  	_ =	shalt  }
0x6a: {  	_ =	shalt  }
0x6b: {  	_ =	shalt  }
0x6c: {  	_ =	shalt  }
0x6d: {  	_ =	shalt  }
0x6e: {  	_ =	shalt  }
0x6f: {  	_ =	shalt  }
0x70: {  	_ =	shalt  }
0x71: {  	_ =	shalt  }
0x72: {  	_ =	shalt  }
0x73: {  	_ =	shalt  }
0x74: {  	_ =	shalt  }
0x75: {  	_ =	shalt  }
0x76: {  	_ =	shalt  }
0x77: {  	_ =	shalt  }
0x78: {  	_ =	shalt  }
0x79: {  	_ =	shalt  }
0x7a: {  	_ =	shalt  }
0x7b: {  	_ =	shalt  }
0x7c: {  	_ =	shalt  }
0x7d: {  	_ =	shalt  }
0x7e: {  	_ =	shalt  }
0x7f: {  	_ =	shalt  }
0x80: {  	_ =	shalt  }
0x81: {  	_ =	shalt  }
0x82: {  	_ =	shalt  }
0x83: {  	_ =	shalt  }
0x84: {  	_ =	shalt  }
0x85: {  	_ =	shalt  }
0x86: {  	_ =	shalt  }
0x87: {  	_ =	shalt  }
.Lfunc_end0:
.L_simem_size_0:
called_computation.1_lowered:
.L_overlay_start_0:
0x88: {  	s2 =	sld [smem:$0x3FD9]  }
0x89: {  	s3 =	sld [smem:$0x3FFE];
	_ =	sdelay $0x1  }
0x8a: {  	s1 =	srdreg.scid  }
0x8b: {  	s0 =	sand.u32 $0x1, s1  }
0x8c: {  	s17 =	sshll.u32 s0, $0xA;
	s2 =	sadd.s32 s3, s2  }
0x8d: {  	s2 =	sadd.s32 s2, s17  }
0x8e: {  	[smem:$0x3FC1] =	sst s2  }
0x8f: {  	_ = 	snop  }
0x90: {  	s2 =	sld [smem:$0x3FD0];
	(tm) =	ssettm $0x1  }
0x91: {  	s18 =	sld [smem:$0x3FFB];
	_ =	sdelay $0x3  }
0x92: {  	_ =	strace s18  }
0x93: {  	s3 =	sld [smem:$0x3FFC];
	_ =	sdelay $0x3  }
0x94: {  	_ =	strace s3  }
0x95: {  	s3 =	sld [smem:$0x3FFD];
	_ =	sdelay $0x3  }
0x96: {  	_ =	strace s3  }
0x97: {  	_ =	strace $0x8FFFFFFF  }
0x98: {  	s19 =	sld [smem:$0x3FDB];
	_ =	sdelay $0x1  }
0x99: {  	s4 =	simm.s32 $_scs_section_size  }
0x9a: {  	s5 =	simm.s32 $_size__tile_overlayer_lowered;
	s6 =	simm.s32 $_tile_overlayer_lowered  }
0x9b: {  	s22 =	simm.s32 $0x1BFF;
	s21 =	sshll.u32 s6, $0x1;
	s3 =	sadd.s32 s4, s19  }
0x9c: {  	s7 =	simm.s32 $0x0;
	s20 =	sshll.u32 s5, $0x1;
	s5 =	sadd.s32 s21, s3  }
0x9d: {  	[timem:s7], [sflag:s22] =	dma.local [hbm:s5], s20  }
0x9e: {  	_ =	swait.ge [sflag:s22], s20  }
0x9f: {  	s4 =	ssub.s32 $0x0, s20;
	[sflag:s22] =	ssyncset.done $0x0  }
0xa0: {  	[sflag:s22] =	ssyncadd.s32 s4;
	_ =	sdelay $0x1  }
0xa1: {  	s23 =	simm.s32 $0x1B8B  }
0xa2: {  	_ =	swait.ge [sflag:s23], $0x1  }
0xa3: {  	[sflag:s23] =	ssyncset.done $0x0  }
0xa4: {  	s25 =	simm.s32 $0x1B8E;
	s24 =	sld [smem:$0x3FFE];
	[sflag:s23] =	ssyncadd.s32 $0xFFFFFFFF  }
0xa5: {  	s26 =	simm.s32 $execute0_lowered;
	[smem:$0x3FD2] =	sst s25  }
0xa6: {  	s5 =	sshll.u32 s26, $0x1;
	_ =	strace $0x80000049;
	[dreg:$0x1] =	wrdreg $0xFFFFFFFF  }
0xa7: {  	s28 =	simm.s32 $_size_execute0_lowered;
	s3 =	sadd.s32 s3, s5;
	[dreg:$0x0] =	wrdreg $0x0  }
0xa8: {  	s5 =	sshll.u32 s28, $0x1;
	[dreg:$0x2] =	wrdreg s3  }
0xa9: {  	[dreg:$0x3] =	wrdreg s5  }
0xaa: {  	[dreg:$0x4] =	wrdreg $0xC0  }
0xab: {  	_ =	task [dreg:s7], $0x5FFFF  }
0xac: {  	[dreg:$0x1] =	wrdreg $0xFFFFFFFF  }
0xad: {  	[dreg:$0x0] =	wrdreg $0x60  }
0xae: {  	[dreg:$0x2] =	wrdreg s24  }
0xaf: {  	[dreg:$0x3] =	wrdreg s2  }
0xb0: {  	[dreg:$0x4] =	wrdreg $0x9  }
0xb1: {  	_ =	task.clear_ibuf [dreg:s7], $0x5FFFF;
	_ =	strace $0x90000049  }
0xb2: {  	s29 =	simm.s32 $0x9;
	_ =	strace $0x8000004B  }
0xb3: {  	_ =	swait.ge [sflag:s29], $0x1  }
0xb4: {  	[sflag:s29] =	ssyncadd.s32 $0xFFFFFFFF  }
0xb5: {  	_ =	strace $0x9000004B  }
0xb6: {  	_ =	sfence  }
0xb7: {  	s30 =	sld [smem:$0x0];
	_ =	sdelay $0x2  }
0xb8: {  	s31 =	sshll.u32 s1, $0xD;
	s1 =	sshrl.u32 s1, $0x2  }
0xb9: {  	s3 =	sand.u32 $0x4000, s31;
	s1 =	sadd.s32 s1, s30  }
0xba: {  	s0 =	sor.u32 s3, s0;
	s1 =	sshll.u32 s1, $0x11  }
0xbb: {  	s0 =	sor.u32 s1, s0  }
0xbc: {  	s0 =	sadd.s32 $0x8F2B, s0  }
0xbd: {  	[sflag:s0] =	ssyncadd.remote.s32 $0x1  }
0xbe: {  	_ =	sfence.sel $0xFFFF  }
0xbf: {  	[dreg:$0x0] =	wrdreg $0xFFFFFFFF;
	(pc) =	sbr.abs _section_cstart, $3  }
0xc0: {  	[dreg:$0x1] =	wrdreg $0xFFFFFFFF  }
0xc1: {  	_ =	task.clear_ibuf [dreg:s7], $0x2FFFF;
	_ =	strace $0x9FFFFFFF  }
0xc2: {  	(tm) =	ssettm $0x7FFFFFFF  }
0xc3: {  	_ =	shalt  }
tec
execute0_lowered:
.L_overlay_start_1:
0x0: {  	(tag) =	ssettag $0x1  }
0x1: {  	s0 =	rddreg [dreg:$0x0]  }
0x2: {  	s1 =	rddreg [dreg:$0x1]  }
0x3: {  	s2 =	srdreg.scid;
	s4 =	stileid.u32;
	s14 =	simm.s32 $0x100  }
0x4: {  	s15 =	simm.s32 $0x180;
	s16 =	simm.s32 $0x200;
	s20 =	simm.s32 $0x13200  }
0x5: {  	s21 =	simm.s32 $0x13A00;
	s22 =	simm.s32 $0x14200;
	s23 =	simm.s32 $0x14A00  }
0x6: {  	s24 =	simm.s32 $0x15200;
	s25 =	simm.s32 $0x15A00;
	s26 =	simm.s32 $0x16200  }
0x7: {  	s28 =	simm.s32 $0x16A00;
	s29 =	simm.s32 $0x17200;
	s30 =	simm.s32 $0x17A00  }
0x8: {  	s31 =	simm.s32 $0x1;
	s3 =	sand.u32 $0x1, s2;
	s2 =	simm.s32 $0x0  }
0x9: {  	s4 =	sshll.u32 s4, $0x4;
	s5 =	sshll.u32 s3, $0x3;
	[smem:$0x7FF] =	sst s2  }
0xa: {  	s9 =	ssub.s32 $0x2, s3;
	s3 =	sadd.s32 $0x122400, s0;
	s7 =	sor.u32 s5, s4  }
0xb: {  	_ =	strace $0x8000004A;
	s10 =	sshrl.u32 s9, $0x1;
	s8 =	sadd.s32 s7, s0  }
0xc: {  	s11 =	smul.u32 $0x300, s7;
	s12 =	ssub.s32 s9, s10;
	s9 =	sadd.s32 $0x122600, s0  }
0xd: {  	v2 =	vlaneseq.u32;
	s4 =	sadd.s32 $0x200, s8;
	s5 =	sadd.s32 $0x400, s8;
	s6 =	sadd.s32 $0x122000, s8  }
0xe: {  	vm0 =	vmmov $0xffff;
	v1 =	vshrl.u32 v2, $0x3;
	s7 =	sadd.s32 $0x122200, s8;
	s8 =	sadd.s32 $0x122500, s0;
	s0 =	simm.s32 $0x0  }
0xf: {  	v0 =	vand.u32 $0x7, v2;
	v2 =	vor.u32 $0x8, v2;
	v1 =	vmul.u32 $0x8, v1;
	s10 =	sadd.s32 s1, s11;
	s11 =	smax.u32 s12, $0x1;
	s12 =	simm.s32 $0x2  }
.LBB2_1:
0x10: {  	[tilespmem:s2], [sflag:$0x2] =	stream.linear.gather [hbm4b:s4+s2], $0x40, $0x38;
	[tilespmem:$0x18200] =	vst v63  }
0x11: {  	_ =	swait.ge [sflag:s12], $0x40  }
0x12: {  	[sflag:s12] =	ssyncset.done $0x0  }
0x13: {  	s1 =	simm.s32 $0x80;
	[sflag:s12] =	ssyncadd.s32 $0xFFFFFFC0  }
0x14: {  	[tilespmem:s1], [sflag:$0x2] =	stream.linear.gather [hbm4b:s5+s2], $0x40, $0x38;
	[tilespmem:$0x18200] =	vst v63  }
0x15: {  	_ =	swait.ge [sflag:s12], $0x40  }
0x16: {  	[sflag:s12] =	ssyncset.done $0x0  }
0x17: {  	[sflag:s12] =	ssyncadd.s32 $0xFFFFFFC0  }
0x18: {  	[tilespmem:s14], [sflag:$0x2] =	stream.linear.gather [hbm4b:s6+s2], $0x40, $0x38;
	[tilespmem:$0x18200] =	vst v63  }
0x19: {  	_ =	swait.ge [sflag:s12], $0x40  }
0x1a: {  	[sflag:s12] =	ssyncset.done $0x0  }
0x1b: {  	[sflag:s12] =	ssyncadd.s32 $0xFFFFFFC0  }
0x1c: {  	[tilespmem:s15], [sflag:$0x2] =	stream.linear.gather [hbm4b:s7+s2], $0x40, $0x38;
	[tilespmem:$0x18200] =	vst v63  }
0x1d: {  	_ =	swait.ge [sflag:s12], $0x40  }
0x1e: {  	[sflag:s12] =	ssyncset.done $0x0  }
0x1f: {  	[sflag:s12] =	ssyncadd.s32 $0xFFFFFFC0  }
0x20: {  	v3 =	vld [tilespmem:$0x0];
	_ =	sdelay $0x4  }
0x21: {  	v4 =	vshrl.u32 v3, $0x3  }
0x22: {  	v4 =	vmul.u32 $0x30, v4  }
0x23: {  	v3 =	vand.u32 $0x7, v3  }
0x24: {  	v3 =	vor.u32 v3, v4  }
0x25: {  	v4 =	vperm.xlane v3, v0;
	_ =	sdelay $0x1  }
0x26: {  	v4 =	vadd.s32 v1, v4;
	_ =	sdelay $0x3  }
0x27: {  	v3 =	vperm.xlane v3, v2  }
0x28: {  	[tilespmem:s16], [sflag:$0x1] =	stream.indirect_vreg.gather [hbm4b:s3+s2], $0x80, v4, vm0, $0xb8;
	[tilespmem:$0x18200] =	vst v63  }
0x29: {  	s18 =	simm.s32 $0xA00;
	v3 =	vadd.s32 v1, v3  }
0x2a: {  	[tilespmem:s18], [sflag:$0x1] =	stream.indirect_vreg.gather [hbm4b:s8+s2], $0x80, v4, vm0, $0xb8;
	[tilespmem:$0x18200] =	vst v63  }
0x2b: {  	s19 =	simm.s32 $0x1200  }
0x2c: {  	[tilespmem:s19], [sflag:$0x1] =	stream.indirect_vreg.gather [hbm4b:s9+s2], $0x80, v4, vm0, $0xb8;
	[tilespmem:$0x18200] =	vst v63  }
0x2d: {  	s13 =	simm.s32 $0x1A00  }
0x2e: {  	[tilespmem:s13], [sflag:$0x1] =	stream.indirect_vreg.gather [hbm4b:s3+s2], $0x80, v3, vm0, $0xb8;
	[tilespmem:$0x18200] =	vst v63  }
0x2f: {  	s17 =	simm.s32 $0x2200  }
0x30: {  	[tilespmem:s17], [sflag:$0x1] =	stream.indirect_vreg.gather [hbm4b:s8+s2], $0x80, v3, vm0, $0xb8;
	[tilespmem:$0x18200] =	vst v63  }
0x31: {  	s18 =	simm.s32 $0x2A00  }
0x32: {  	[tilespmem:s18], [sflag:$0x1] =	stream.indirect_vreg.gather [hbm4b:s9+s2], $0x80, v3, vm0, $0xb8;
	[tilespmem:$0x18200] =	vst v63  }
0x33: {  	v3 =	vld [tilespmem:$0x10];
	_ =	sdelay $0x4  }
0x34: {  	v4 =	vshrl.u32 v3, $0x3  }
0x35: {  	v4 =	vmul.u32 $0x30, v4  }
0x36: {  	v3 =	vand.u32 $0x7, v3  }
0x37: {  	v3 =	vor.u32 v3, v4  }
0x38: {  	v4 =	vperm.xlane v3, v0;
	_ =	sdelay $0x1  }
0x39: {  	v4 =	vadd.s32 v1, v4;
	_ =	sdelay $0x3  }
0x3a: {  	s19 =	simm.s32 $0x3200;
	v3 =	vperm.xlane v3, v2  }
0x3b: {  	[tilespmem:s19], [sflag:$0x1] =	stream.indirect_vreg.gather [hbm4b:s3+s2], $0x80, v4, vm0, $0xb8;
	[tilespmem:$0x18200] =	vst v63  }
0x3c: {  	s13 =	simm.s32 $0x3A00;
	v3 =	vadd.s32 v1, v3  }
0x3d: {  	[tilespmem:s13], [sflag:$0x1] =	stream.indirect_vreg.gather [hbm4b:s8+s2], $0x80, v4, vm0, $0xb8;
	[tilespmem:$0x18200] =	vst v63  }
0x3e: {  	s17 =	simm.s32 $0x4200  }
0x3f: {  	[tilespmem:s17], [sflag:$0x1] =	stream.indirect_vreg.gather [hbm4b:s9+s2], $0x80, v4, vm0, $0xb8;
	[tilespmem:$0x18200] =	vst v63  }
0x40: {  	s18 =	simm.s32 $0x4A00  }
0x41: {  	[tilespmem:s18], [sflag:$0x1] =	stream.indirect_vreg.gather [hbm4b:s3+s2], $0x80, v3, vm0, $0xb8;
	[tilespmem:$0x18200] =	vst v63  }
0x42: {  	s19 =	simm.s32 $0x5200  }
0x43: {  	[tilespmem:s19], [sflag:$0x1] =	stream.indirect_vreg.gather [hbm4b:s8+s2], $0x80, v3, vm0, $0xb8;
	[tilespmem:$0x18200] =	vst v63  }
0x44: {  	s13 =	simm.s32 $0x5A00  }
0x45: {  	[tilespmem:s13], [sflag:$0x1] =	stream.indirect_vreg.gather [hbm4b:s9+s2], $0x80, v3, vm0, $0xb8;
	[tilespmem:$0x18200] =	vst v63  }
0x46: {  	v3 =	vld [tilespmem:$0x20];
	_ =	sdelay $0x4  }
0x47: {  	v4 =	vshrl.u32 v3, $0x3  }
0x48: {  	v4 =	vmul.u32 $0x30, v4  }
0x49: {  	v3 =	vand.u32 $0x7, v3  }
0x4a: {  	v3 =	vor.u32 v3, v4  }
0x4b: {  	v4 =	vperm.xlane v3, v0;
	_ =	sdelay $0x1  }
0x4c: {  	v4 =	vadd.s32 v1, v4;
	_ =	sdelay $0x3  }
0x4d: {  	s17 =	simm.s32 $0x6200;
	v3 =	vperm.xlane v3, v2  }
0x4e: {  	[tilespmem:s17], [sflag:$0x1] =	stream.indirect_vreg.gather [hbm4b:s3+s2], $0x80, v4, vm0, $0xb8;
	[tilespmem:$0x18200] =	vst v63  }
0x4f: {  	s18 =	simm.s32 $0x6A00;
	v3 =	vadd.s32 v1, v3  }
0x50: {  	[tilespmem:s18], [sflag:$0x1] =	stream.indirect_vreg.gather [hbm4b:s8+s2], $0x80, v4, vm0, $0xb8;
	[tilespmem:$0x18200] =	vst v63  }
0x51: {  	s19 =	simm.s32 $0x7200  }
0x52: {  	[tilespmem:s19], [sflag:$0x1] =	stream.indirect_vreg.gather [hbm4b:s9+s2], $0x80, v4, vm0, $0xb8;
	[tilespmem:$0x18200] =	vst v63  }
0x53: {  	s13 =	simm.s32 $0x7A00  }
0x54: {  	[tilespmem:s13], [sflag:$0x1] =	stream.indirect_vreg.gather [hbm4b:s3+s2], $0x80, v3, vm0, $0xb8;
	[tilespmem:$0x18200] =	vst v63  }
0x55: {  	s17 =	simm.s32 $0x8200  }
0x56: {  	[tilespmem:s17], [sflag:$0x1] =	stream.indirect_vreg.gather [hbm4b:s8+s2], $0x80, v3, vm0, $0xb8;
	[tilespmem:$0x18200] =	vst v63  }
0x57: {  	s18 =	simm.s32 $0x8A00  }
0x58: {  	[tilespmem:s18], [sflag:$0x1] =	stream.indirect_vreg.gather [hbm4b:s9+s2], $0x80, v3, vm0, $0xb8;
	[tilespmem:$0x18200] =	vst v63  }
0x59: {  	v3 =	vld [tilespmem:$0x30];
	_ =	sdelay $0x4  }
0x5a: {  	v4 =	vshrl.u32 v3, $0x3  }
0x5b: {  	v4 =	vmul.u32 $0x30, v4  }
0x5c: {  	v3 =	vand.u32 $0x7, v3  }
0x5d: {  	v3 =	vor.u32 v3, v4  }
0x5e: {  	v4 =	vperm.xlane v3, v0;
	_ =	sdelay $0x1  }
0x5f: {  	v4 =	vadd.s32 v1, v4;
	_ =	sdelay $0x3  }
0x60: {  	s19 =	simm.s32 $0x9200;
	v3 =	vperm.xlane v3, v2  }
0x61: {  	[tilespmem:s19], [sflag:$0x1] =	stream.indirect_vreg.gather [hbm4b:s3+s2], $0x80, v4, vm0, $0xb8;
	[tilespmem:$0x18200] =	vst v63  }
0x62: {  	s13 =	simm.s32 $0x9A00;
	v3 =	vadd.s32 v1, v3  }
0x63: {  	[tilespmem:s13], [sflag:$0x1] =	stream.indirect_vreg.gather [hbm4b:s8+s2], $0x80, v4, vm0, $0xb8;
	[tilespmem:$0x18200] =	vst v63  }
0x64: {  	s17 =	simm.s32 $0xA200  }
0x65: {  	[tilespmem:s17], [sflag:$0x1] =	stream.indirect_vreg.gather [hbm4b:s9+s2], $0x80, v4, vm0, $0xb8;
	[tilespmem:$0x18200] =	vst v63  }
0x66: {  	s18 =	simm.s32 $0xAA00  }
0x67: {  	[tilespmem:s18], [sflag:$0x1] =	stream.indirect_vreg.gather [hbm4b:s3+s2], $0x80, v3, vm0, $0xb8;
	[tilespmem:$0x18200] =	vst v63  }
0x68: {  	s19 =	simm.s32 $0xB200  }
0x69: {  	[tilespmem:s19], [sflag:$0x1] =	stream.indirect_vreg.gather [hbm4b:s8+s2], $0x80, v3, vm0, $0xb8;
	[tilespmem:$0x18200] =	vst v63  }
0x6a: {  	s13 =	simm.s32 $0xBA00  }
0x6b: {  	[tilespmem:s13], [sflag:$0x1] =	stream.indirect_vreg.gather [hbm4b:s9+s2], $0x80, v3, vm0, $0xb8;
	[tilespmem:$0x18200] =	vst v63  }
0x6c: {  	v3 =	vld [tilespmem:$0x80];
	_ =	sdelay $0x4  }
0x6d: {  	v4 =	vshrl.u32 v3, $0x3  }
0x6e: {  	v4 =	vmul.u32 $0x30, v4  }
0x6f: {  	v3 =	vand.u32 $0x7, v3  }
0x70: {  	v3 =	vor.u32 v3, v4  }
0x71: {  	v4 =	vperm.xlane v3, v0;
	_ =	sdelay $0x1  }
0x72: {  	v4 =	vadd.s32 v1, v4;
	_ =	sdelay $0x3  }
0x73: {  	s17 =	simm.s32 $0xC200;
	v3 =	vperm.xlane v3, v2  }
0x74: {  	[tilespmem:s17], [sflag:$0x1] =	stream.indirect_vreg.gather [hbm4b:s3+s2], $0x80, v4, vm0, $0xb8;
	[tilespmem:$0x18200] =	vst v63  }
0x75: {  	s18 =	simm.s32 $0xCA00;
	v3 =	vadd.s32 v1, v3  }
0x76: {  	[tilespmem:s18], [sflag:$0x1] =	stream.indirect_vreg.gather [hbm4b:s8+s2], $0x80, v4, vm0, $0xb8;
	[tilespmem:$0x18200] =	vst v63  }
0x77: {  	s19 =	simm.s32 $0xD200  }
0x78: {  	[tilespmem:s19], [sflag:$0x1] =	stream.indirect_vreg.gather [hbm4b:s9+s2], $0x80, v4, vm0, $0xb8;
	[tilespmem:$0x18200] =	vst v63  }
0x79: {  	s13 =	simm.s32 $0xDA00  }
0x7a: {  	[tilespmem:s13], [sflag:$0x1] =	stream.indirect_vreg.gather [hbm4b:s3+s2], $0x80, v3, vm0, $0xb8;
	[tilespmem:$0x18200] =	vst v63  }
0x7b: {  	s17 =	simm.s32 $0xE200  }
0x7c: {  	[tilespmem:s17], [sflag:$0x1] =	stream.indirect_vreg.gather [hbm4b:s8+s2], $0x80, v3, vm0, $0xb8;
	[tilespmem:$0x18200] =	vst v63  }
0x7d: {  	s18 =	simm.s32 $0xEA00  }
0x7e: {  	[tilespmem:s18], [sflag:$0x1] =	stream.indirect_vreg.gather [hbm4b:s9+s2], $0x80, v3, vm0, $0xb8;
	[tilespmem:$0x18200] =	vst v63  }
0x7f: {  	v3 =	vld [tilespmem:$0x90];
	_ =	sdelay $0x4  }
0x80: {  	v4 =	vshrl.u32 v3, $0x3  }
0x81: {  	v4 =	vmul.u32 $0x30, v4  }
0x82: {  	v3 =	vand.u32 $0x7, v3  }
0x83: {  	v3 =	vor.u32 v3, v4  }
0x84: {  	v4 =	vperm.xlane v3, v0;
	_ =	sdelay $0x1  }
0x85: {  	v4 =	vadd.s32 v1, v4;
	_ =	sdelay $0x3  }
0x86: {  	s19 =	simm.s32 $0xF200;
	v3 =	vperm.xlane v3, v2  }
0x87: {  	[tilespmem:s19], [sflag:$0x1] =	stream.indirect_vreg.gather [hbm4b:s3+s2], $0x80, v4, vm0, $0xb8;
	[tilespmem:$0x18200] =	vst v63  }
0x88: {  	s13 =	simm.s32 $0xFA00;
	v3 =	vadd.s32 v1, v3  }
0x89: {  	[tilespmem:s13], [sflag:$0x1] =	stream.indirect_vreg.gather [hbm4b:s8+s2], $0x80, v4, vm0, $0xb8;
	[tilespmem:$0x18200] =	vst v63  }
0x8a: {  	s17 =	simm.s32 $0x10200  }
0x8b: {  	[tilespmem:s17], [sflag:$0x1] =	stream.indirect_vreg.gather [hbm4b:s9+s2], $0x80, v4, vm0, $0xb8;
	[tilespmem:$0x18200] =	vst v63  }
0x8c: {  	s18 =	simm.s32 $0x10A00  }
0x8d: {  	[tilespmem:s18], [sflag:$0x1] =	stream.indirect_vreg.gather [hbm4b:s3+s2], $0x80, v3, vm0, $0xb8;
	[tilespmem:$0x18200] =	vst v63  }
0x8e: {  	s19 =	simm.s32 $0x11200  }
0x8f: {  	[tilespmem:s19], [sflag:$0x1] =	stream.indirect_vreg.gather [hbm4b:s8+s2], $0x80, v3, vm0, $0xb8;
	[tilespmem:$0x18200] =	vst v63  }
0x90: {  	s13 =	simm.s32 $0x11A00  }
0x91: {  	[tilespmem:s13], [sflag:$0x1] =	stream.indirect_vreg.gather [hbm4b:s9+s2], $0x80, v3, vm0, $0xb8;
	[tilespmem:$0x18200] =	vst v63  }
0x92: {  	v3 =	vld [tilespmem:$0xA0];
	_ =	sdelay $0x4  }
0x93: {  	v4 =	vshrl.u32 v3, $0x3  }
0x94: {  	v4 =	vmul.u32 $0x30, v4  }
0x95: {  	v3 =	vand.u32 $0x7, v3  }
0x96: {  	v3 =	vor.u32 v3, v4  }
0x97: {  	v4 =	vperm.xlane v3, v0;
	_ =	sdelay $0x1  }
0x98: {  	v4 =	vadd.s32 v1, v4;
	_ =	sdelay $0x3  }
0x99: {  	s17 =	simm.s32 $0x12200;
	v3 =	vperm.xlane v3, v2  }
0x9a: {  	[tilespmem:s17], [sflag:$0x1] =	stream.indirect_vreg.gather [hbm4b:s3+s2], $0x80, v4, vm0, $0xb8;
	[tilespmem:$0x18200] =	vst v63  }
0x9b: {  	s18 =	simm.s32 $0x12A00;
	v3 =	vadd.s32 v1, v3  }
0x9c: {  	[tilespmem:s18], [sflag:$0x1] =	stream.indirect_vreg.gather [hbm4b:s8+s2], $0x80, v4, vm0, $0xb8;
	[tilespmem:$0x18200] =	vst v63  }
0x9d: {  	_ = 	snop  }
0x9e: {  	[tilespmem:s20], [sflag:$0x1] =	stream.indirect_vreg.gather [hbm4b:s9+s2], $0x80, v4, vm0, $0xb8;
	[tilespmem:$0x18200] =	vst v63  }
0x9f: {  	_ = 	snop  }
0xa0: {  	[tilespmem:s21], [sflag:$0x1] =	stream.indirect_vreg.gather [hbm4b:s3+s2], $0x80, v3, vm0, $0xb8;
	[tilespmem:$0x18200] =	vst v63  }
0xa1: {  	_ = 	snop  }
0xa2: {  	[tilespmem:s22], [sflag:$0x1] =	stream.indirect_vreg.gather [hbm4b:s8+s2], $0x80, v3, vm0, $0xb8;
	[tilespmem:$0x18200] =	vst v63  }
0xa3: {  	_ = 	snop  }
0xa4: {  	[tilespmem:s23], [sflag:$0x1] =	stream.indirect_vreg.gather [hbm4b:s9+s2], $0x80, v3, vm0, $0xb8;
	[tilespmem:$0x18200] =	vst v63  }
0xa5: {  	v3 =	vld [tilespmem:$0xB0];
	_ =	sdelay $0x4  }
0xa6: {  	v4 =	vshrl.u32 v3, $0x3  }
0xa7: {  	v4 =	vmul.u32 $0x30, v4  }
0xa8: {  	v3 =	vand.u32 $0x7, v3  }
0xa9: {  	v3 =	vor.u32 v3, v4  }
0xaa: {  	v4 =	vperm.xlane v3, v0;
	_ =	sdelay $0x1  }
0xab: {  	v4 =	vadd.s32 v1, v4;
	_ =	sdelay $0x3  }
0xac: {  	v3 =	vperm.xlane v3, v2  }
0xad: {  	[tilespmem:s24], [sflag:$0x1] =	stream.indirect_vreg.gather [hbm4b:s3+s2], $0x80, v4, vm0, $0xb8;
	[tilespmem:$0x18200] =	vst v63  }
0xae: {  	v3 =	vadd.s32 v1, v3  }
0xaf: {  	[tilespmem:s25], [sflag:$0x1] =	stream.indirect_vreg.gather [hbm4b:s8+s2], $0x80, v4, vm0, $0xb8;
	[tilespmem:$0x18200] =	vst v63  }
0xb0: {  	_ = 	snop  }
0xb1: {  	[tilespmem:s26], [sflag:$0x1] =	stream.indirect_vreg.gather [hbm4b:s9+s2], $0x80, v4, vm0, $0xb8;
	[tilespmem:$0x18200] =	vst v63  }
0xb2: {  	_ = 	snop  }
0xb3: {  	[tilespmem:s28], [sflag:$0x1] =	stream.indirect_vreg.gather [hbm4b:s3+s2], $0x80, v3, vm0, $0xb8;
	[tilespmem:$0x18200] =	vst v63  }
0xb4: {  	_ = 	snop  }
0xb5: {  	[tilespmem:s29], [sflag:$0x1] =	stream.indirect_vreg.gather [hbm4b:s8+s2], $0x80, v3, vm0, $0xb8;
	[tilespmem:$0x18200] =	vst v63  }
0xb6: {  	_ = 	snop  }
0xb7: {  	[tilespmem:s30], [sflag:$0x1] =	stream.indirect_vreg.gather [hbm4b:s9+s2], $0x80, v3, vm0, $0xb8;
	[tilespmem:$0x18200] =	vst v63  }
0xb8: {  	_ =	swait.ge [sflag:s31], $0xC000  }
0xb9: {  	[sflag:s31] =	ssyncset.done $0x0  }
0xba: {  	s19 =	simm.s32 $0x0;
	[sflag:s31] =	ssyncadd.s32 $0xFFFF4000  }
0xbb: {  	s1 =	smul.u32 $0x1800, s19;
	_ =	swait.ge [sflag:s31], $0xC000  }
0xbc: {  	s13 =	sand.u32 $0x380, s2;
	[sflag:s31] =	ssyncset.done $0x0  }
0xbd: {  	s1 =	sor.u32 s13, s1;
	[sflag:s31] =	ssyncadd.s32 $0xFFFF4000  }
0xbe: {  	v4 =	vld [tilespmem:s1+$0x210]  }
0xbf: {  	v3 =	vld [tilespmem:s1+$0xC210]  }
0xc0: {  	v6 =	vld [tilespmem:s1+$0x220]  }
0xc1: {  	v5 =	vld [tilespmem:s1+$0xC220]  }
0xc2: {  	v8 =	vld [tilespmem:s1+$0x230]  }
0xc3: {  	v7 =	vld [tilespmem:s1+$0xC230]  }
0xc4: {  	v10 =	vld [tilespmem:s1+$0x240]  }
0xc5: {  	v9 =	vld [tilespmem:s1+$0xC240]  }
0xc6: {  	v12 =	vld [tilespmem:s1+$0x250]  }
0xc7: {  	v11 =	vld [tilespmem:s1+$0xC250]  }
0xc8: {  	v13 =	vld [tilespmem:s1+$0x260]  }
0xc9: {  	v14 =	vld [tilespmem:s1+$0x270]  }
0xca: {  	v15 =	vld [tilespmem:s1+$0x600]  }
0xcb: {  	v16 =	vld [tilespmem:s1+$0x610]  }
0xcc: {  	v17 =	vld [tilespmem:s1+$0x620]  }
0xcd: {  	v18 =	vld [tilespmem:s1+$0x630]  }
0xce: {  	v19 =	vld [tilespmem:s1+$0x640]  }
0xcf: {  	v20 =	vld [tilespmem:s1+$0x650]  }
0xd0: {  	v21 =	vld [tilespmem:s1+$0x660]  }
0xd1: {  	v22 =	vld [tilespmem:s1+$0x670]  }
0xd2: {  	v23 =	vld [tilespmem:s1+$0xA00]  }
0xd3: {  	v24 =	vld [tilespmem:s1+$0xA10]  }
0xd4: {  	v25 =	vld [tilespmem:s1+$0xA20]  }
0xd5: {  	v26 =	vld [tilespmem:s1+$0xA30]  }
0xd6: {  	v27 =	vld [tilespmem:s1+$0xA40]  }
0xd7: {  	v28 =	vld [tilespmem:s1+$0xA50]  }
0xd8: {  	v29 =	vld [tilespmem:s1+$0xA60]  }
0xd9: {  	v30 =	vld [tilespmem:s1+$0xA70]  }
0xda: {  	v32 =	vld [tilespmem:s1+$0xE00]  }
0xdb: {  	v34 =	vld [tilespmem:s1+$0xE10]  }
0xdc: {  	v35 =	vld [tilespmem:s1+$0xE20]  }
0xdd: {  	v36 =	vld [tilespmem:s1+$0xE30]  }
0xde: {  	v37 =	vld [tilespmem:s1+$0xE40]  }
0xdf: {  	v38 =	vld [tilespmem:s1+$0xE50]  }
0xe0: {  	v39 =	vld [tilespmem:s1+$0xE60]  }
0xe1: {  	v40 =	vld [tilespmem:s1+$0xE70]  }
0xe2: {  	v41 =	vld [tilespmem:s1+$0x1200]  }
0xe3: {  	v42 =	vld [tilespmem:s1+$0x1210]  }
0xe4: {  	v43 =	vld [tilespmem:s1+$0x1220]  }
0xe5: {  	v44 =	vld [tilespmem:s1+$0x1230]  }
0xe6: {  	v45 =	vld [tilespmem:s1+$0x1240]  }
0xe7: {  	v46 =	vld [tilespmem:s1+$0x1250]  }
0xe8: {  	v47 =	vld [tilespmem:s1+$0x1260]  }
0xe9: {  	v50 =	vmov s2;
	v48 =	vld [tilespmem:s1+$0x1600]  }
0xea: {  	s13 =	simm.s32 $0x1;
	s17 =	simm.s32 $0x0;
	v49 =	vld [tilespmem:s1+$0x1610]  }
.LBB2_2:
0xeb: {  	p0 =	sne.s32 s13, $0x3F;
	v51 =	vld [tilespmem:s1+$0xD610]  }
0xec: {  	v52 =	vld [tilespmem:s1+$0xD630]  }
0xed: {  	v53 =	vld [tilespmem:s1+$0x1620]  }
0xee: {  	v33 =	vld.idx.msk [tilespmem:v50+s14+$0x0], $0xffff  }
0xef: {  	v31 =	vld.idx.msk [tilespmem:v50+s15+$0x0], $0xffff  }
0xf0: {  	v50 =	vld [tilespmem:s1+$0x1630]  }
0xf1: {  	v54 =	vld [tilespmem:s1+$0xD620]  }
0xf2: {  	v55 =	vld [tilespmem:s1+$0xD600]  }
0xf3: {  	v56 =	vld [tilespmem:s1+$0x1270]  }
0xf4: {  	v49 =	vmul.f32 v49, v33;
	v53 =	vmul.f32 v53, v33;
	v57 =	vld [tilespmem:s1+$0xD270]  }
0xf5: {  	v52 =	vmul.f32 v52, v31;
	v58 =	vld [tilespmem:s1+$0xD260];
	v50 =	vmul.f32 v50, v33  }
0xf6: {  	v51 =	vmul.f32 v51, v31;
	v59 =	vld [tilespmem:s1+$0xD250];
	v54 =	vmul.f32 v54, v31  }
0xf7: {  	v48 =	vmul.f32 v48, v33;
	v60 =	vld [tilespmem:s1+$0xD240];
	v55 =	vmul.f32 v55, v31;
	v50 =	vadd.f32 v52, v50  }
0xf8: {  	v49 =	vadd.f32 v51, v49;
	v52 =	vld [tilespmem:s1+$0xD230];
	v56 =	vmul.f32 v56, v33;
	v51 =	vadd.f32 v54, v53  }
0xf9: {  	v47 =	vmul.f32 v47, v33;
	v53 =	vld [tilespmem:s1+$0xD220];
	v54 =	vmul.f32 v57, v31;
	v48 =	vadd.f32 v55, v48;
	[tilespmem:s1+$0x1630] =	vst v50  }
0xfa: {  	v46 =	vmul.f32 v46, v33;
	v50 =	vld [tilespmem:s1+$0xD210];
	v55 =	vmul.f32 v58, v31;
	[tilespmem:s1+$0x1620] =	vst v51  }
0xfb: {  	v45 =	vmul.f32 v45, v33;
	v51 =	vld [tilespmem:s1+$0xD200];
	v57 =	vmul.f32 v59, v31;
	v54 =	vadd.f32 v54, v56;
	[tilespmem:s1+$0x1610] =	vst v49  }
0xfc: {  	v44 =	vmul.f32 v44, v33;
	v49 =	vld [tilespmem:s1+$0xCE70];
	v56 =	vmul.f32 v60, v31;
	v47 =	vadd.f32 v55, v47;
	[tilespmem:s1+$0x1600] =	vst v48  }
0xfd: {  	v43 =	vmul.f32 v43, v33;
	v48 =	vld [tilespmem:s1+$0xCE60];
	v52 =	vmul.f32 v52, v31;
	v46 =	vadd.f32 v57, v46;
	[tilespmem:s1+$0x1270] =	vst v54  }
0xfe: {  	v42 =	vmul.f32 v42, v33;
	v54 =	vld [tilespmem:s1+$0xCE50];
	v53 =	vmul.f32 v53, v31;
	v45 =	vadd.f32 v56, v45;
	[tilespmem:s1+$0x1260] =	vst v47  }
0xff: {  	v41 =	vmul.f32 v41, v33;
	v47 =	vld [tilespmem:s1+$0xCE40];
	v50 =	vmul.f32 v50, v31;
	v44 =	vadd.f32 v52, v44;
	[tilespmem:s1+$0x1250] =	vst v46  }
0x100: {  	v40 =	vmul.f32 v40, v33;
	v46 =	vld [tilespmem:s1+$0xCE30];
	v51 =	vmul.f32 v51, v31;
	v43 =	vadd.f32 v53, v43;
	[tilespmem:s1+$0x1240] =	vst v45  }
0x101: {  	v39 =	vmul.f32 v39, v33;
	v45 =	vld [tilespmem:s1+$0xCE20];
	v49 =	vmul.f32 v49, v31;
	v42 =	vadd.f32 v50, v42;
	[tilespmem:s1+$0x1230] =	vst v44  }
0x102: {  	v38 =	vmul.f32 v38, v33;
	v44 =	vld [tilespmem:s1+$0xCE10];
	v48 =	vmul.f32 v48, v31;
	v41 =	vadd.f32 v51, v41;
	[tilespmem:s1+$0x1220] =	vst v43  }
0x103: {  	v37 =	vmul.f32 v37, v33;
	v43 =	vld [tilespmem:s1+$0xCE00];
	v50 =	vmul.f32 v54, v31;
	v40 =	vadd.f32 v49, v40;
	[tilespmem:s1+$0x1210] =	vst v42  }
0x104: {  	v36 =	vmul.f32 v36, v33;
	v42 =	vld [tilespmem:s1+$0xCA70];
	v47 =	vmul.f32 v47, v31;
	v39 =	vadd.f32 v48, v39;
	[tilespmem:s1+$0x1200] =	vst v41  }
0x105: {  	v35 =	vmul.f32 v35, v33;
	v41 =	vld [tilespmem:s1+$0xCA60];
	v46 =	vmul.f32 v46, v31;
	v38 =	vadd.f32 v50, v38;
	[tilespmem:s1+$0xE70] =	vst v40  }
0x106: {  	v34 =	vmul.f32 v34, v33;
	v40 =	vld [tilespmem:s1+$0xCA50];
	v45 =	vmul.f32 v45, v31;
	v37 =	vadd.f32 v47, v37;
	[tilespmem:s1+$0xE60] =	vst v39  }
0x107: {  	v32 =	vmul.f32 v32, v33;
	v39 =	vld [tilespmem:s1+$0xCA40];
	v44 =	vmul.f32 v44, v31;
	v36 =	vadd.f32 v46, v36;
	[tilespmem:s1+$0xE50] =	vst v38  }
0x108: {  	v30 =	vmul.f32 v30, v33;
	v38 =	vld [tilespmem:s1+$0xCA30];
	v43 =	vmul.f32 v43, v31;
	v35 =	vadd.f32 v45, v35;
	[tilespmem:s1+$0xE40] =	vst v37  }
0x109: {  	v29 =	vmul.f32 v29, v33;
	v37 =	vld [tilespmem:s1+$0xCA20];
	v42 =	vmul.f32 v42, v31;
	v34 =	vadd.f32 v44, v34;
	[tilespmem:s1+$0xE30] =	vst v36  }
0x10a: {  	v28 =	vmul.f32 v28, v33;
	v36 =	vld [tilespmem:s1+$0xCA10];
	v41 =	vmul.f32 v41, v31;
	v32 =	vadd.f32 v43, v32;
	[tilespmem:s1+$0xE20] =	vst v35  }
0x10b: {  	v27 =	vmul.f32 v27, v33;
	v35 =	vld [tilespmem:s1+$0xCA00];
	v40 =	vmul.f32 v40, v31;
	v30 =	vadd.f32 v42, v30;
	[tilespmem:s1+$0xE10] =	vst v34  }
0x10c: {  	v26 =	vmul.f32 v26, v33;
	v34 =	vld [tilespmem:s1+$0xC670];
	v39 =	vmul.f32 v39, v31;
	v29 =	vadd.f32 v41, v29;
	[tilespmem:s1+$0xE00] =	vst v32  }
0x10d: {  	v25 =	vmul.f32 v25, v33;
	v32 =	vld [tilespmem:s1+$0xC660];
	v38 =	vmul.f32 v38, v31;
	v28 =	vadd.f32 v40, v28;
	[tilespmem:s1+$0xA70] =	vst v30  }
0x10e: {  	v24 =	vmul.f32 v24, v33;
	v30 =	vld [tilespmem:s1+$0xC650];
	v37 =	vmul.f32 v37, v31;
	v27 =	vadd.f32 v39, v27;
	[tilespmem:s1+$0xA60] =	vst v29  }
0x10f: {  	v23 =	vmul.f32 v23, v33;
	v29 =	vld [tilespmem:s1+$0xC640];
	v36 =	vmul.f32 v36, v31;
	v26 =	vadd.f32 v38, v26;
	[tilespmem:s1+$0xA50] =	vst v28  }
0x110: {  	v22 =	vmul.f32 v22, v33;
	v28 =	vld [tilespmem:s1+$0xC630];
	v35 =	vmul.f32 v35, v31;
	v25 =	vadd.f32 v37, v25;
	[tilespmem:s1+$0xA40] =	vst v27  }
0x111: {  	v21 =	vmul.f32 v21, v33;
	v27 =	vld [tilespmem:s1+$0xC620];
	v34 =	vmul.f32 v34, v31;
	v24 =	vadd.f32 v36, v24;
	[tilespmem:s1+$0xA30] =	vst v26  }
0x112: {  	v20 =	vmul.f32 v20, v33;
	v26 =	vld [tilespmem:s1+$0xC610];
	v32 =	vmul.f32 v32, v31;
	v23 =	vadd.f32 v35, v23;
	[tilespmem:s1+$0xA20] =	vst v25  }
0x113: {  	v19 =	vmul.f32 v19, v33;
	v25 =	vld [tilespmem:s1+$0xC600];
	v30 =	vmul.f32 v30, v31;
	v22 =	vadd.f32 v34, v22;
	[tilespmem:s1+$0xA10] =	vst v24  }
0x114: {  	v18 =	vmul.f32 v18, v33;
	v24 =	vld [tilespmem:s1+$0xC270];
	v29 =	vmul.f32 v29, v31;
	v21 =	vadd.f32 v32, v21;
	[tilespmem:s1+$0xA00] =	vst v23  }
0x115: {  	v17 =	vmul.f32 v17, v33;
	v23 =	vld [tilespmem:s1+$0xC260];
	v28 =	vmul.f32 v28, v31;
	v20 =	vadd.f32 v30, v20;
	[tilespmem:s1+$0x670] =	vst v22  }
0x116: {  	v16 =	vmul.f32 v16, v33;
	v22 =	vmul.f32 v27, v31;
	v19 =	vadd.f32 v29, v19;
	[tilespmem:s1+$0x660] =	vst v21;
	v21 =	vld [tilespmem:s1+$0xD640]  }
0x117: {  	v15 =	vmul.f32 v15, v33;
	v26 =	vmul.f32 v26, v31;
	v18 =	vadd.f32 v28, v18;
	[tilespmem:s1+$0x650] =	vst v20;
	v20 =	vld [tilespmem:s1+$0xD650]  }
0x118: {  	v14 =	vmul.f32 v14, v33;
	v25 =	vmul.f32 v25, v31;
	v17 =	vadd.f32 v22, v17;
	[tilespmem:s1+$0x640] =	vst v19;
	v19 =	vld [tilespmem:s1+$0xD660]  }
0x119: {  	v13 =	vmul.f32 v13, v33;
	v22 =	vmul.f32 v24, v31;
	v16 =	vadd.f32 v26, v16;
	[tilespmem:s1+$0x630] =	vst v18;
	v18 =	vld [tilespmem:s1+$0xD670]  }
0x11a: {  	v12 =	vmul.f32 v12, v33;
	v23 =	vmul.f32 v23, v31;
	v15 =	vadd.f32 v25, v15;
	[tilespmem:s1+$0x620] =	vst v17;
	v17 =	vld [tilespmem:s1+$0x1640]  }
0x11b: {  	v10 =	vmul.f32 v10, v33;
	v11 =	vmul.f32 v11, v31;
	v14 =	vadd.f32 v22, v14;
	[tilespmem:s1+$0x610] =	vst v16;
	v16 =	vld [tilespmem:s1+$0x1650]  }
0x11c: {  	v8 =	vmul.f32 v8, v33;
	v9 =	vmul.f32 v9, v31;
	v13 =	vadd.f32 v23, v13;
	[tilespmem:s1+$0x600] =	vst v15;
	v15 =	vld [tilespmem:s1+$0x1660]  }
0x11d: {  	v6 =	vmul.f32 v6, v33;
	v7 =	vmul.f32 v7, v31;
	v11 =	vadd.f32 v11, v12;
	[tilespmem:s1+$0x270] =	vst v14;
	v12 =	vld [tilespmem:s1+$0x1670]  }
0x11e: {  	v4 =	vmul.f32 v4, v33;
	v5 =	vmul.f32 v5, v31;
	v9 =	vadd.f32 v9, v10;
	v14 =	vld [tilespmem:s1+$0x200];
	[tilespmem:s1+$0x260] =	vst v13  }
0x11f: {  	v3 =	vmul.f32 v3, v31;
	v7 =	vadd.f32 v7, v8;
	v10 =	vld [tilespmem:s1+$0xC200];
	[tilespmem:s1+$0x250] =	vst v11;
	v8 =	vmul.f32 v17, v33  }
0x120: {  	s18 =	sshrl.u32 s13, $0x3;
	v5 =	vadd.f32 v5, v6;
	v6 =	vmul.f32 v21, v31;
	[tilespmem:s1+$0x240] =	vst v9;
	v9 =	vmul.f32 v16, v33  }
0x121: {  	s17 =	sadd.s32 $0x80, s17;
	s18 =	smul.u32 $0x1800, s18;
	v3 =	vadd.f32 v3, v4;
	v4 =	vmul.f32 v20, v31;
	[tilespmem:s1+$0x230] =	vst v7;
	v7 =	vmul.f32 v15, v33  }
0x122: {  	s19 =	sand.u32 $0x380, s17;
	[tilespmem:s1+$0x220] =	vst v5;
	v5 =	vadd.f32 v6, v8;
	v6 =	vmul.f32 v19, v31;
	v8 =	vmul.f32 v12, v33  }
0x123: {  	s18 =	sor.u32 s19, s18;
	v9 =	vadd.f32 v4, v9;
	v12 =	vmul.f32 v18, v31;
	v11 =	vmul.f32 v14, v33;
	[tilespmem:s1+$0x210] =	vst v3  }
0x124: {  	v4 =	vld [tilespmem:s18+$0x210];
	v10 =	vmul.f32 v10, v31;
	[tilespmem:s1+$0x1640] =	vst v5;
	v5 =	vadd.f32 v6, v7  }
0x125: {  	v7 =	vadd.f32 v12, v8;
	v3 =	vld [tilespmem:s18+$0xC210];
	[tilespmem:s1+$0x1650] =	vst v9  }
0x126: {  	v6 =	vld [tilespmem:s18+$0x220];
	v9 =	vadd.f32 v10, v11;
	[tilespmem:s1+$0x1660] =	vst v5  }
0x127: {  	v5 =	vld [tilespmem:s18+$0xC220];
	[tilespmem:s1+$0x1670] =	vst v7  }
0x128: {  	v8 =	vld [tilespmem:s18+$0x230];
	[tilespmem:s1+$0x200] =	vst v9;
	s1 =	smov.u32 s18  }
0x129: {  	v7 =	vld [tilespmem:s1+$0xC230]  }
0x12a: {  	v10 =	vld [tilespmem:s1+$0x240]  }
0x12b: {  	v9 =	vld [tilespmem:s1+$0xC240]  }
0x12c: {  	v12 =	vld [tilespmem:s1+$0x250]  }
0x12d: {  	v11 =	vld [tilespmem:s1+$0xC250]  }
0x12e: {  	v13 =	vld [tilespmem:s1+$0x260]  }
0x12f: {  	v14 =	vld [tilespmem:s1+$0x270]  }
0x130: {  	v15 =	vld [tilespmem:s1+$0x600]  }
0x131: {  	v16 =	vld [tilespmem:s1+$0x610]  }
0x132: {  	v17 =	vld [tilespmem:s1+$0x620]  }
0x133: {  	v18 =	vld [tilespmem:s1+$0x630]  }
0x134: {  	v19 =	vld [tilespmem:s1+$0x640]  }
0x135: {  	v20 =	vld [tilespmem:s1+$0x650]  }
0x136: {  	v21 =	vld [tilespmem:s1+$0x660]  }
0x137: {  	v22 =	vld [tilespmem:s1+$0x670]  }
0x138: {  	v23 =	vld [tilespmem:s1+$0xA00]  }
0x139: {  	v24 =	vld [tilespmem:s1+$0xA10]  }
0x13a: {  	v25 =	vld [tilespmem:s1+$0xA20]  }
0x13b: {  	v26 =	vld [tilespmem:s1+$0xA30]  }
0x13c: {  	v27 =	vld [tilespmem:s1+$0xA40]  }
0x13d: {  	v28 =	vld [tilespmem:s1+$0xA50]  }
0x13e: {  	v29 =	vld [tilespmem:s1+$0xA60]  }
0x13f: {  	v30 =	vld [tilespmem:s1+$0xA70]  }
0x140: {  	v32 =	vld [tilespmem:s1+$0xE00]  }
0x141: {  	v34 =	vld [tilespmem:s1+$0xE10]  }
0x142: {  	v35 =	vld [tilespmem:s1+$0xE20]  }
0x143: {  	v36 =	vld [tilespmem:s1+$0xE30]  }
0x144: {  	v37 =	vld [tilespmem:s1+$0xE40]  }
0x145: {  	v38 =	vld [tilespmem:s1+$0xE50]  }
0x146: {  	v39 =	vld [tilespmem:s1+$0xE60]  }
0x147: {  	v40 =	vld [tilespmem:s1+$0xE70]  }
0x148: {  	v41 =	vld [tilespmem:s1+$0x1200]  }
0x149: {  	v42 =	vld [tilespmem:s1+$0x1210]  }
0x14a: {  	v43 =	vld [tilespmem:s1+$0x1220]  }
0x14b: {  	v44 =	vld [tilespmem:s1+$0x1230]  }
.Ltmp0:
0x14c: {  	v45 =	vld [tilespmem:s1+$0x1240];
	(pc) =	sbr.rel @p0 .LBB2_2-.Ltmp0, $4  }
0x14d: {  	v46 =	vld [tilespmem:s1+$0x1250]  }
0x14e: {  	v47 =	vld [tilespmem:s1+$0x1260]  }
0x14f: {  	v50 =	vmov s13;
	v48 =	vld [tilespmem:s1+$0x1600]  }
0x150: {  	s13 =	sadd.s32 $0x1, s13;
	v49 =	vld [tilespmem:s1+$0x1610]  }
0x151: {  	_ =	sdelay $0x1  }
0x152: {  	v52 =	vld [tilespmem:s1+$0xD630]  }
0x153: {  	v53 =	vld [tilespmem:s1+$0x1620]  }
0x154: {  	v31 =	vld.idx.msk [tilespmem:v50+s14+$0x0], $0xffff  }
0x155: {  	v33 =	vld.idx.msk [tilespmem:v50+s15+$0x0], $0xffff  }
0x156: {  	v61 =	vld [tilespmem:s1+$0x1630]  }
0x157: {  	v54 =	vld [tilespmem:s1+$0xD620]  }
0x158: {  	v51 =	vld [tilespmem:s1+$0xD610]  }
0x159: {  	v55 =	vld [tilespmem:s1+$0xD600]  }
0x15a: {  	v56 =	vld [tilespmem:s1+$0x1270]  }
0x15b: {  	v58 =	vld [tilespmem:s1+$0xD260];
	v50 =	vmul.f32 v61, v31;
	v52 =	vmul.f32 v52, v33  }
0x15c: {  	v57 =	vld [tilespmem:s1+$0xD270];
	v53 =	vmul.f32 v53, v31;
	v54 =	vmul.f32 v54, v33  }
0x15d: {  	v59 =	vld [tilespmem:s1+$0xD250];
	v49 =	vmul.f32 v49, v31;
	v51 =	vmul.f32 v51, v33  }
0x15e: {  	v60 =	vld [tilespmem:s1+$0xD240];
	v48 =	vmul.f32 v48, v31;
	v62 =	vmul.f32 v55, v33;
	v50 =	vadd.f32 v52, v50  }
0x15f: {  	v61 =	vld [tilespmem:s1+$0xD220];
	v63 =	vmul.f32 v56, v31;
	v47 =	vmul.f32 v47, v31;
	v53 =	vadd.f32 v54, v53  }
0x160: {  	v58 =	vmul.f32 v58, v33;
	v55 =	vld [tilespmem:s1+$0xC660];
	v12 =	vmul.f32 v12, v31;
	v49 =	vadd.f32 v51, v49;
	[tilespmem:s1+$0x1630] =	vst v50  }
0x161: {  	v56 =	vld [tilespmem:s1+$0xC650];
	v11 =	vmul.f32 v11, v33;
	v10 =	vmul.f32 v10, v31;
	v48 =	vadd.f32 v62, v48;
	[tilespmem:s1+$0x1620] =	vst v53  }
0x162: {  	v9 =	vmul.f32 v9, v33;
	v8 =	vmul.f32 v8, v31;
	v52 =	vld [tilespmem:s1+$0xD230];
	v47 =	vadd.f32 v58, v47;
	[tilespmem:s1+$0x1610] =	vst v49  }
0x163: {  	v7 =	vmul.f32 v7, v33;
	v6 =	vmul.f32 v6, v31;
	v51 =	vld [tilespmem:s1+$0xD200];
	v11 =	vadd.f32 v11, v12;
	[tilespmem:s1+$0x1600] =	vst v48  }
0x164: {  	v5 =	vmul.f32 v5, v33;
	v4 =	vmul.f32 v4, v31;
	v58 =	vld [tilespmem:s1+$0xCE20];
	v9 =	vadd.f32 v9, v10;
	[tilespmem:s1+$0x1260] =	vst v47  }
0x165: {  	v3 =	vmul.f32 v3, v33;
	v62 =	vmul.f32 v59, v33;
	v59 =	vld [tilespmem:s1+$0xCE10];
	v7 =	vadd.f32 v7, v8;
	[tilespmem:s1+$0x250] =	vst v11  }
0x166: {  	v57 =	vmul.f32 v57, v33;
	v54 =	vld [tilespmem:s1+$0xC670];
	v5 =	vadd.f32 v5, v6;
	[tilespmem:s1+$0x240] =	vst v9  }
0x167: {  	v46 =	vmul.f32 v46, v31;
	v3 =	vadd.f32 v3, v4;
	v50 =	vld [tilespmem:s1+$0xD210];
	[tilespmem:s1+$0x230] =	vst v7  }
0x168: {  	v45 =	vmul.f32 v45, v31;
	v49 =	vld [tilespmem:s1+$0xCE70];
	v53 =	vadd.f32 v57, v63;
	v63 =	vmul.f32 v60, v33;
	[tilespmem:s1+$0x220] =	vst v5  }
0x169: {  	v43 =	vmul.f32 v43, v31;
	v48 =	vld [tilespmem:s1+$0xCE60];
	v46 =	vadd.f32 v62, v46;
	[tilespmem:s1+$0x210] =	vst v3;
	v57 =	vmul.f32 v61, v33  }
0x16a: {  	v44 =	vmul.f32 v44, v31;
	v47 =	vld [tilespmem:s1+$0xCE40];
	[tilespmem:s1+$0x1270] =	vst v53;
	v45 =	vadd.f32 v63, v45;
	v52 =	vmul.f32 v52, v33  }
0x16b: {  	v41 =	vmul.f32 v41, v31;
	v60 =	vld [tilespmem:s1+$0xCE00];
	[tilespmem:s1+$0x1250] =	vst v46;
	v43 =	vadd.f32 v57, v43;
	v51 =	vmul.f32 v51, v33  }
0x16c: {  	v35 =	vmul.f32 v35, v31;
	v62 =	vld [tilespmem:s1+$0xCA60];
	[tilespmem:s1+$0x1240] =	vst v45;
	v45 =	vmul.f32 v58, v33;
	v44 =	vadd.f32 v52, v44  }
0x16d: {  	v42 =	vmul.f32 v42, v31;
	v53 =	vld [tilespmem:s1+$0xCE50];
	v50 =	vmul.f32 v50, v33;
	[tilespmem:s1+$0x1220] =	vst v43;
	v41 =	vadd.f32 v51, v41  }
0x16e: {  	v40 =	vmul.f32 v40, v31;
	v46 =	vld [tilespmem:s1+$0xCE30];
	v49 =	vmul.f32 v49, v33;
	v35 =	vadd.f32 v45, v35;
	[tilespmem:s1+$0x1230] =	vst v44  }
0x16f: {  	v39 =	vmul.f32 v39, v31;
	v61 =	vld [tilespmem:s1+$0xCA70];
	v48 =	vmul.f32 v48, v33;
	v42 =	vadd.f32 v50, v42;
	[tilespmem:s1+$0x1200] =	vst v41  }
0x170: {  	v37 =	vmul.f32 v37, v31;
	v57 =	vld [tilespmem:s1+$0xC640];
	v47 =	vmul.f32 v47, v33;
	v40 =	vadd.f32 v49, v40;
	[tilespmem:s1+$0xE20] =	vst v35  }
0x171: {  	v32 =	vmul.f32 v32, v31;
	v58 =	vld [tilespmem:s1+$0xC630];
	v43 =	vmul.f32 v60, v33;
	v39 =	vadd.f32 v48, v39;
	[tilespmem:s1+$0x1210] =	vst v42  }
0x172: {  	v38 =	vmul.f32 v38, v31;
	v51 =	vld [tilespmem:s1+$0xCA20];
	v63 =	vmul.f32 v53, v33;
	v37 =	vadd.f32 v47, v37;
	[tilespmem:s1+$0xE70] =	vst v40  }
0x173: {  	v36 =	vmul.f32 v36, v31;
	v52 =	vld [tilespmem:s1+$0xCA10];
	v46 =	vmul.f32 v46, v33;
	v32 =	vadd.f32 v43, v32;
	[tilespmem:s1+$0xE60] =	vst v39  }
0x174: {  	v34 =	vmul.f32 v34, v31;
	v60 =	vld [tilespmem:s1+$0xC610];
	v44 =	vmul.f32 v59, v33;
	v38 =	vadd.f32 v63, v38;
	[tilespmem:s1+$0xE40] =	vst v37  }
0x175: {  	v29 =	vmul.f32 v29, v31;
	v45 =	vld [tilespmem:s1+$0x1640];
	v41 =	vmul.f32 v62, v33;
	v36 =	vadd.f32 v46, v36;
	[tilespmem:s1+$0xE00] =	vst v32  }
0x176: {  	v21 =	vmul.f32 v21, v31;
	v48 =	vld [tilespmem:s1+$0xCA50];
	v62 =	vmul.f32 v55, v33;
	v34 =	vadd.f32 v44, v34;
	[tilespmem:s1+$0xE50] =	vst v38  }
0x177: {  	v30 =	vmul.f32 v30, v31;
	v49 =	vld [tilespmem:s1+$0xCA40];
	v42 =	vmul.f32 v61, v33;
	v29 =	vadd.f32 v41, v29;
	[tilespmem:s1+$0xE30] =	vst v36  }
0x178: {  	v25 =	vmul.f32 v25, v31;
	v50 =	vld [tilespmem:s1+$0xCA30];
	v21 =	vadd.f32 v62, v21;
	v37 =	vmul.f32 v51, v33;
	[tilespmem:s1+$0xE10] =	vst v34  }
0x179: {  	v16 =	vmul.f32 v16, v31;
	v53 =	vld [tilespmem:s1+$0xCA00];
	v41 =	vmul.f32 v60, v33;
	v30 =	vadd.f32 v42, v30;
	[tilespmem:s1+$0xA60] =	vst v29  }
0x17a: {  	v24 =	vmul.f32 v24, v31;
	v59 =	vld [tilespmem:s1+$0xC620];
	v36 =	vmul.f32 v52, v33;
	[tilespmem:s1+$0x660] =	vst v21;
	v25 =	vadd.f32 v37, v25  }
0x17b: {  	v22 =	vmul.f32 v22, v31;
	v43 =	vld [tilespmem:s1+$0xD670];
	v34 =	vmul.f32 v54, v33;
	v16 =	vadd.f32 v41, v16;
	[tilespmem:s1+$0xA70] =	vst v30  }
0x17c: {  	v28 =	vmul.f32 v28, v31;
	v61 =	vld [tilespmem:s1+$0xC600];
	v40 =	vmul.f32 v48, v33;
	v24 =	vadd.f32 v36, v24;
	[tilespmem:s1+$0xA20] =	vst v25  }
0x17d: {  	v27 =	vmul.f32 v27, v31;
	v63 =	vld [tilespmem:s1+$0xC270];
	v39 =	vmul.f32 v49, v33;
	v22 =	vadd.f32 v34, v22;
	[tilespmem:s1+$0x610] =	vst v16  }
0x17e: {  	v26 =	vmul.f32 v26, v31;
	v46 =	vld [tilespmem:s1+$0x1650];
	v38 =	vmul.f32 v50, v33;
	v28 =	vadd.f32 v40, v28;
	[tilespmem:s1+$0xA10] =	vst v24  }
0x17f: {  	v23 =	vmul.f32 v23, v31;
	v51 =	vld [tilespmem:s1+$0x200];
	v35 =	vmul.f32 v53, v33;
	v27 =	vadd.f32 v39, v27;
	[tilespmem:s1+$0x670] =	vst v22  }
0x180: {  	v18 =	vmul.f32 v18, v31;
	v37 =	vmul.f32 v58, v33;
	v48 =	vld [tilespmem:s1+$0x1660];
	v26 =	vadd.f32 v38, v26;
	[tilespmem:s1+$0xA50] =	vst v28  }
0x181: {  	v20 =	vmul.f32 v20, v31;
	v50 =	vld [tilespmem:s1+$0xC200];
	v30 =	vmul.f32 v56, v33;
	v23 =	vadd.f32 v35, v23;
	[tilespmem:s1+$0xA40] =	vst v27  }
0x182: {  	v19 =	vmul.f32 v19, v31;
	v34 =	vld [tilespmem:s1+$0xC260];
	v35 =	vmul.f32 v57, v33;
	v18 =	vadd.f32 v37, v18;
	[tilespmem:s1+$0xA30] =	vst v26  }
0x183: {  	v17 =	vmul.f32 v17, v31;
	v36 =	vld [tilespmem:s1+$0xD640];
	v39 =	vmul.f32 v59, v33;
	v20 =	vadd.f32 v30, v20;
	[tilespmem:s1+$0xA00] =	vst v23  }
0x184: {  	v15 =	vmul.f32 v15, v31;
	v38 =	vld [tilespmem:s1+$0xD650];
	v42 =	vmul.f32 v61, v33;
	v19 =	vadd.f32 v35, v19;
	[tilespmem:s1+$0x630] =	vst v18  }
0x185: {  	v14 =	vmul.f32 v14, v31;
	v40 =	vld [tilespmem:s1+$0xD660];
	v44 =	vmul.f32 v63, v33;
	v17 =	vadd.f32 v39, v17;
	[tilespmem:s1+$0x650] =	vst v20  }
0x186: {  	v49 =	vld [tilespmem:s1+$0x1670];
	v61 =	vmul.f32 v51, v31;
	v15 =	vadd.f32 v42, v15;
	v10 =	vmul.f32 v50, v33;
	[tilespmem:s1+$0x640] =	vst v19  }
0x187: {  	v13 =	vmul.f32 v13, v31;
	v14 =	vadd.f32 v44, v14;
	[tilespmem:s1+$0x620] =	vst v17;
	v47 =	vmul.f32 v34, v33  }
0x188: {  	v52 =	vmul.f32 v45, v31;
	[tilespmem:s1+$0x600] =	vst v15;
	v53 =	vmul.f32 v36, v33;
	v63 =	vadd.f32 v10, v61  }
0x189: {  	v54 =	vmul.f32 v46, v31;
	[tilespmem:s1+$0x270] =	vst v14;
	v55 =	vmul.f32 v38, v33;
	v13 =	vadd.f32 v47, v13  }
0x18a: {  	v56 =	vmul.f32 v48, v31;
	v58 =	vmul.f32 v40, v33;
	v57 =	vadd.f32 v53, v52;
	[tilespmem:s1+$0x200] =	vst v63  }
0x18b: {  	v60 =	vmul.f32 v43, v33;
	v59 =	vmul.f32 v49, v31;
	v3 =	vadd.f32 v55, v54;
	[tilespmem:s1+$0x260] =	vst v13  }
0x18c: {  	v62 =	vadd.f32 v58, v56;
	[tilespmem:s1+$0x1640] =	vst v57  }
0x18d: {  	s0 =	sadd.s32 $0x1, s0;
	[tilespmem:s1+$0x1650] =	vst v3;
	v3 =	vadd.f32 v60, v59  }
0x18e: {  	p0 =	sne.s32 s0, s11;
	[tilespmem:s1+$0x1660] =	vst v62  }
.Ltmp1:
0x18f: {  	[tilespmem:s1+$0x1670] =	vst v3;
	(pc) =	sbr.rel @p0 .LBB2_1-.Ltmp1, $4  }
0x190: {  	[hbm4b:s10+s2] =	stream.linear.scatter [tilespmem:s16], [sflag:$0x2], $0xC000, $0x38;
	[tilespmem:$0x18200] =	vst v63  }
0x191: {  	_ =	swait.ge [sflag:s12], $0xC000  }
0x192: {  	[sflag:s12] =	ssyncset.done $0x0  }
0x193: {  	[sflag:s12] =	ssyncadd.s32 $0xFFFF4000  }
0x194: {  	_ =	sfence.sel $0x180000  }
0x195: {  	[bflag:$0x0] =	sbarrier.arrive $0xFFFF  }
0x196: {  	_ =	strace $0x9000004A  }
0x197: {  	s0 =	stileid.u32;
	[bflag:$0x2] =	sbarrier.arrive $0xFFFF  }
0x198: {  	p0 =	sne.s32 s0, $0x0;
	s0 =	rddreg [dreg:$0x2]  }
0x199: {  	s0 =	sadd.s32 @!p0 $0x100000, s0  }
0x19a: {  	[sflag:s0] =	ssyncadd.tile.s32 @!p0 $0x1;
	_ =	shalt  }
.Lfunc_end2:
_tile_overlayer_lowered:
.L_overlay_start_2:
0x19b: {  	(tag) =	ssettag $0x2  }
0x19c: {  	s0 =	rddreg [dreg:$0x0];
	s2 =	stileid.u32  }
0x19d: {  	s1 =	rddreg [dreg:$0x1];
	p0 =	sne.s32 s2, $0x0  }
0x19e: {  	s3 =	rddreg [dreg:$0x2];
	[bflag:$0x3] =	sbarrier.arrive $0xFFFF;
	s2 =	simm.s32 @!p0 $0x1C02  }
0x19f: {  	[timem:s3], [sflag:s2] =	dma.local @!p0 [hbm:s0], s1  }
0x1a0: {  	s0 =	simm.s32 @!p0 $0x2  }
0x1a1: {  	_ =	swait.ge @!p0 [sflag:s0], s1  }
0x1a2: {  	s1 =	ssub.s32 @!p0 $0x0, s1;
	[sflag:s0] =	ssyncset.done @!p0 $0x0  }
0x1a3: {  	[sflag:s0] =	ssyncadd.s32 @!p0 s1  }
0x1a4: {  	[bflag:$0x3] =	sbarrier.arrive $0xFFFF  }
0x1a5: {  	_ =	shalt  }

</sc_bundles>
